<compile_context>
chip_gen: v7x
topology: tpu7x:2x2x1
jax: 0.10.2.dev20260603
libtpu: 0.0.44.dev20260713+nightly
codegen_flags: <defaults>
</compile_context>

<pallas_src>
import functools

import jax
import jax.numpy as jnp
from jax import lax
from jax.experimental import pallas as pl
from jax.experimental.pallas import tpu as pltpu
from jax.experimental.pallas import tpu_sc as plsc

IN_DIM = 8192
OUT_DIM = 8192
BATCH = 2048
LANES = 16
NUM_WORKERS = 32
J_PER_W = OUT_DIM // NUM_WORKERS
K = 8
N_CHUNKS = J_PER_W // K

_M0 = (0, 0, 0, 0, 0, 0, 0, 0, 1, 1, 1, 1, 1, 1, 1, 1)
_MA = (0, 0, 1, 1, 0, 0, 1, 1, -1, -1, 0, 0, -1, -1, 0, 0)
_MB = (0, 0, 0, 0, 1, 1, 1, 1, -1, -1, -1, -1, 0, 0, 0, 0)
_MAB = (0, 1, -1, 0, -1, 0, -2, -1, 1, 2, 0, 1, 0, 1, -1, 0)


def _coef_body(w_ref, m_ref, c_ref):
    w = w_ref[...]
    m = jnp.max(w, axis=-1, keepdims=True)
    e = jnp.exp(w - m)
    s = e / jnp.sum(e, axis=-1, keepdims=True)

    def fold(i):
        return jnp.sum(s * m_ref[i][None, :], axis=-1)

    c_ref[...] = jnp.stack(
        [fold(0), fold(1), fold(2), fold(3)], axis=0)


def _coefs(weights):
    masks = jnp.asarray((_M0, _MA, _MB, _MAB), jnp.float32)
    return pl.pallas_call(
        _coef_body,
        out_shape=jax.ShapeDtypeStruct((4, OUT_DIM), jnp.float32),
    )(weights, masks)


def _make_sc_body(batch):
    def _sc_body(xT_hbm, c_hbm, ia_hbm, ib_hbm, out_hbm,
                 ia_v, ib_v, c_v, a_v, b_v, o_v,
                 sem_a, sem_b, sem_o0, sem_o1):
        wid = lax.axis_index("s") * 2 + lax.axis_index("c")
        jbase = wid * J_PER_W
        pltpu.sync_copy(ia_hbm.at[pl.ds(jbase, J_PER_W)], ia_v)
        pltpu.sync_copy(ib_hbm.at[pl.ds(jbase, J_PER_W)], ib_v)
        for c in range(4):
            pltpu.sync_copy(
                c_hbm.at[c, pl.ds(jbase * LANES, J_PER_W * LANES)],
                c_v.at[c])

        sem_o = (sem_o0, sem_o1)

        def gather_descs(ci, slot):
            return (
                pltpu.make_async_copy(
                    xT_hbm.at[ia_v.at[pl.ds(ci * K, K)]], a_v.at[slot],
                    sem_a),
                pltpu.make_async_copy(
                    xT_hbm.at[ib_v.at[pl.ds(ci * K, K)]], b_v.at[slot],
                    sem_b),
            )

        def out_desc(ci, slot):
            return pltpu.make_async_copy(
                o_v.at[slot], out_hbm.at[pl.ds(jbase + ci * K, K)],
                sem_o[slot])

        for d in gather_descs(0, 0):
            d.start()

        def pair(i, carry):
            for s in (0, 1):
                ci = 2 * i + s
                for d in gather_descs(ci, s):
                    d.wait()

                @pl.when(ci + 1 < N_CHUNKS)
                def _():
                    for d in gather_descs(ci + 1, 1 - s):
                        d.start()

                @pl.when(ci >= 2)
                def _():
                    out_desc(ci - 2, s).wait()

                for jj in range(K):
                    jloc = ci * K + jj
                    c0 = c_v[0, pl.ds(jloc * LANES, LANES)]
                    ca = c_v[1, pl.ds(jloc * LANES, LANES)]
                    cb = c_v[2, pl.ds(jloc * LANES, LANES)]
                    cab = c_v[3, pl.ds(jloc * LANES, LANES)]

                    @plsc.parallel_loop(0, batch, step=LANES, unroll=8)
                    def _(off, s=s, jj=jj, c0=c0, ca=ca, cb=cb, cab=cab):
                        av = a_v[s, jj, pl.ds(off, LANES)]
                        bv = b_v[s, jj, pl.ds(off, LANES)]
                        o_v[s, jj, pl.ds(off, LANES)] = (
                            (c0 + ca * av) + (cb + cab * av) * bv)

                out_desc(ci, s).start()
            return carry

        lax.fori_loop(0, N_CHUNKS // 2, pair, 0)
        out_desc(N_CHUNKS - 2, 0).wait()
        out_desc(N_CHUNKS - 1, 1).wait()

    return _sc_body


def _make_sc_call(batch):
    return functools.partial(
        pl.kernel,
        mesh=plsc.VectorSubcoreMesh(core_axis_name="c",
                                    subcore_axis_name="s"),
        out_type=jax.ShapeDtypeStruct((OUT_DIM, batch), jnp.float32),
        scratch_types=[
            pltpu.VMEM((J_PER_W,), jnp.int32),
            pltpu.VMEM((J_PER_W,), jnp.int32),
            pltpu.VMEM((4, J_PER_W * LANES), jnp.float32),
            pltpu.VMEM((2, K, batch), jnp.float32),
            pltpu.VMEM((2, K, batch), jnp.float32),
            pltpu.VMEM((2, K, batch), jnp.float32),
            pltpu.SemaphoreType.DMA,
            pltpu.SemaphoreType.DMA,
            pltpu.SemaphoreType.DMA,
            pltpu.SemaphoreType.DMA,
        ],
    )(_make_sc_body(batch))


_sc_call = _make_sc_call(BATCH)


@jax.jit
def kernel(x, weights, idx_a, idx_b):
    ia = idx_a.astype(jnp.int32)
    ib = idx_b.astype(jnp.int32)
    coefs = _coefs(weights)
    coefs_b = jnp.reshape(
        jnp.broadcast_to(coefs[:, :, None], (4, OUT_DIM, LANES)),
        (4, OUT_DIM * LANES))
    xT = x.T
    outT = _sc_call(xT, coefs_b, ia, ib)
    return outT.T

# --- scband reference (transcript-rebuilt; emitter-appended) ---
"""Pipeline reference for scband-logic-layer-48808008352082 (READ-ONLY COPY).

The authoritative reference and input builder live on the scoring server;
editing this copy changes nothing except your own understanding.
"""

import jax, jax.numpy as jnp
import numpy as np

IN_DIM = 8192
OUT_DIM = 8192
BATCH = 2048

def setup_inputs(seed: int = 0) -> dict:
    key = jax.random.key(seed)
    k1, k2, k3, k4 = jax.random.split(key, 4)
    x = jax.random.uniform(k1, (BATCH, IN_DIM), dtype=jnp.float32)
    # 'random' connections: two input indices per output gate
    idx_a = jax.random.randint(k2, (OUT_DIM,), 0, IN_DIM, dtype=jnp.int64)
    idx_b = jax.random.randint(k3, (OUT_DIM,), 0, IN_DIM, dtype=jnp.int64)
    # weights initialized with gaussian (sigma=1.0), shape (out_dim, 16)
    weights = jax.random.normal(k4, (OUT_DIM, 16), dtype=jnp.float32)
    return {"x": x, "weights": weights, "idx_a": idx_a, "idx_b": idx_b}

def _bin_op_s(a, b, w):
    # w: (out_dim, 16) broadcast over batch; weighted sum of the 16 binary logic ops
    ab = a * b
    out = (
        w[..., 1] * ab
        + w[..., 2] * (a - ab)
        + w[..., 3] * a
        + w[..., 4] * (b - ab)
        + w[..., 5] * b
        + w[..., 6] * (a + b - 2.0 * ab)
        + w[..., 7] * (a + b - ab)
        + w[..., 8] * (1.0 - (a + b - ab))
        + w[..., 9] * (1.0 - (a + b - 2.0 * ab))
        + w[..., 10] * (1.0 - b)
        + w[..., 11] * (1.0 - b + ab)
        + w[..., 12] * (1.0 - a)
        + w[..., 13] * (1.0 - a + ab)
        + w[..., 14] * (1.0 - ab)
        + w[..., 15] * 1.0
    )
    # w[...,0] * 0 contributes nothing
    return out

def reference(x, weights, idx_a, idx_b):
    # forward_python, training mode: softmax over the 16 gate weights
    a = jnp.take(x, idx_a, axis=-1)  # (B, out_dim)
    b = jnp.take(x, idx_b, axis=-1)  # (B, out_dim)
    w = jax.nn.softmax(weights, axis=-1)  # (out_dim, 16)
    return _bin_op_s(a, b, w)

if __name__ == "__main__":
    import jax
    _d = setup_inputs()
    print(jax.jit(kernel)(*tuple(_d.values())))

</pallas_src>

<mosaic_0001>
#map = affine_map<(d0, d1) -> (0, 0)>
#map1 = affine_map<(d0, d1) -> (0)>
module attributes {stable_mosaic.version = 14 : i64} {
  func.func @_sc_body(%arg0: i32, %arg1: i32, %arg2: memref<8192x2048xf32, #tpu.memory_space<hbm>>, %arg3: memref<4x131072xf32, #tpu.memory_space<hbm>>, %arg4: memref<8192xi32, #tpu.memory_space<hbm>>, %arg5: memref<8192xi32, #tpu.memory_space<hbm>>, %arg6: memref<8192x2048xf32, #tpu.memory_space<hbm>>, %arg7: memref<256xi32, #tpu.memory_space<vmem>>, %arg8: memref<256xi32, #tpu.memory_space<vmem>>, %arg9: memref<4x4096xf32, #tpu.memory_space<vmem>>, %arg10: memref<2x8x2048xf32, #tpu.memory_space<vmem>>, %arg11: memref<2x8x2048xf32, #tpu.memory_space<vmem>>, %arg12: memref<2x8x2048xf32, #tpu.memory_space<vmem>>, %arg13: memref<!tpu.dma_semaphore, #tpu.memory_space<semaphore_mem>>, %arg14: memref<!tpu.dma_semaphore, #tpu.memory_space<semaphore_mem>>, %arg15: memref<!tpu.dma_semaphore, #tpu.memory_space<semaphore_mem>>, %arg16: memref<!tpu.dma_semaphore, #tpu.memory_space<semaphore_mem>>) attributes {dimension_semantics = [#tpu.dimension_semantics<core_parallel>, #tpu.dimension_semantics<subcore_parallel>], iteration_bounds = array<i64: 2, 16>, scalar_prefetch = 0 : i64, scratch_operands = 10 : i64, tpu.core_type = #tpu.core_type<sc_vector_subcore>, window_params = [{transform_indices = #map}, {transform_indices = #map}, {transform_indices = #map1}, {transform_indices = #map1}, {transform_indices = #map}]} {
    %mul3A = arith.constant 2 : i32
    %mul3A_0 = arith.muli %arg1, %mul3A : i32
    %add3A = arith.addi %mul3A_0, %arg0 : i32
    %mul3A_1 = arith.constant 256 : i32
    %mul3A_2 = arith.muli %add3A, %mul3A_1 : i32
    "tpu.region"() ({
      %run_scoped3A_71 = tpu.sem_alloc : memref<!tpu.dma_semaphore, #tpu.memory_space<semaphore_mem>>
      %dma_start3A_72 = tpu.memref_slice %arg4[%mul3A_2] : memref<8192xi32, #tpu.memory_space<hbm>> -> memref<256xi32, #tpu.memory_space<hbm>>
      %dma_start3A_73 = tpu.memref_slice %arg4[%mul3A_2] : memref<8192xi32, #tpu.memory_space<hbm>> -> memref<256xi32, #tpu.memory_space<hbm>>
      tpu.enqueue_dma source(%dma_start3A_73 : memref<256xi32, #tpu.memory_space<hbm>>) target(%arg7 : memref<256xi32, #tpu.memory_space<vmem>>) target_semaphore(%run_scoped3A_71 : memref<!tpu.dma_semaphore, #tpu.memory_space<semaphore_mem>>)
      %dma_wait3A_74 = tpu.memref_slice %arg4[%mul3A_2] : memref<8192xi32, #tpu.memory_space<hbm>> -> memref<256xi32, #tpu.memory_space<hbm>>
      %dma_wait3A_75 = tpu.memref_slice %arg4[%mul3A_2] : memref<8192xi32, #tpu.memory_space<hbm>> -> memref<256xi32, #tpu.memory_space<hbm>>
      tpu.wait_dma2 semaphore(%run_scoped3A_71 : memref<!tpu.dma_semaphore, #tpu.memory_space<semaphore_mem>>) src(%dma_wait3A_75 : memref<256xi32, #tpu.memory_space<hbm>>) dst(%arg7 : memref<256xi32, #tpu.memory_space<vmem>>)
      tpu.yield
    }) : () -> ()
    "tpu.region"() ({
      %run_scoped3A_71 = tpu.sem_alloc : memref<!tpu.dma_semaphore, #tpu.memory_space<semaphore_mem>>
      %dma_start3A_72 = tpu.memref_slice %arg5[%mul3A_2] : memref<8192xi32, #tpu.memory_space<hbm>> -> memref<256xi32, #tpu.memory_space<hbm>>
      %dma_start3A_73 = tpu.memref_slice %arg5[%mul3A_2] : memref<8192xi32, #tpu.memory_space<hbm>> -> memref<256xi32, #tpu.memory_space<hbm>>
      tpu.enqueue_dma source(%dma_start3A_73 : memref<256xi32, #tpu.memory_space<hbm>>) target(%arg8 : memref<256xi32, #tpu.memory_space<vmem>>) target_semaphore(%run_scoped3A_71 : memref<!tpu.dma_semaphore, #tpu.memory_space<semaphore_mem>>)
      %dma_wait3A_74 = tpu.memref_slice %arg5[%mul3A_2] : memref<8192xi32, #tpu.memory_space<hbm>> -> memref<256xi32, #tpu.memory_space<hbm>>
      %dma_wait3A_75 = tpu.memref_slice %arg5[%mul3A_2] : memref<8192xi32, #tpu.memory_space<hbm>> -> memref<256xi32, #tpu.memory_space<hbm>>
      tpu.wait_dma2 semaphore(%run_scoped3A_71 : memref<!tpu.dma_semaphore, #tpu.memory_space<semaphore_mem>>) src(%dma_wait3A_75 : memref<256xi32, #tpu.memory_space<hbm>>) dst(%arg8 : memref<256xi32, #tpu.memory_space<vmem>>)
      tpu.yield
    }) : () -> ()
    %mul3A_3 = arith.constant 16 : i32
    %mul3A_4 = arith.muli %mul3A_2, %mul3A_3 : i32
    %run_scoped3A = arith.constant 0 : i32
    %run_scoped3A_5 = arith.constant 0 : i32
    "tpu.region"() ({
      %run_scoped3A_71 = tpu.sem_alloc : memref<!tpu.dma_semaphore, #tpu.memory_space<semaphore_mem>>
      %dma_start3A_72 = arith.constant 0 : i32
      %dma_start3A_73 = tpu.memref_slice %arg9[%run_scoped3A_5, %dma_start3A_72] : memref<4x4096xf32, #tpu.memory_space<vmem>> -> memref<1x4096xf32, #tpu.memory_space<vmem>>
      %dma_start3A_74 = tpu.memref_squeeze %dma_start3A_73 : memref<1x4096xf32, #tpu.memory_space<vmem>> -> memref<4096xf32, #tpu.memory_space<vmem>>
      %dma_start3A_75 = tpu.memref_slice %arg3[%run_scoped3A, %mul3A_4] : memref<4x131072xf32, #tpu.memory_space<hbm>> -> memref<1x4096xf32, #tpu.memory_space<hbm>>
      %dma_start3A_76 = tpu.memref_squeeze %dma_start3A_75 : memref<1x4096xf32, #tpu.memory_space<hbm>> -> memref<4096xf32, #tpu.memory_space<hbm>>
      %dma_start3A_77 = arith.constant 0 : i32
      %dma_start3A_78 = tpu.memref_slice %arg9[%run_scoped3A_5, %dma_start3A_77] : memref<4x4096xf32, #tpu.memory_space<vmem>> -> memref<1x4096xf32, #tpu.memory_space<vmem>>
      %dma_start3A_79 = tpu.memref_squeeze %dma_start3A_78 : memref<1x4096xf32, #tpu.memory_space<vmem>> -> memref<4096xf32, #tpu.memory_space<vmem>>
      %dma_start3A_80 = tpu.memref_slice %arg3[%run_scoped3A, %mul3A_4] : memref<4x131072xf32, #tpu.memory_space<hbm>> -> memref<1x4096xf32, #tpu.memory_space<hbm>>
      %dma_start3A_81 = tpu.memref_squeeze %dma_start3A_80 : memref<1x4096xf32, #tpu.memory_space<hbm>> -> memref<4096xf32, #tpu.memory_space<hbm>>
      tpu.enqueue_dma source(%dma_start3A_81 : memref<4096xf32, #tpu.memory_space<hbm>>) target(%dma_start3A_79 : memref<4096xf32, #tpu.memory_space<vmem>>) target_semaphore(%run_scoped3A_71 : memref<!tpu.dma_semaphore, #tpu.memory_space<semaphore_mem>>)
      %dma_wait3A_82 = arith.constant 0 : i32
      %dma_wait3A_83 = tpu.memref_slice %arg9[%run_scoped3A_5, %dma_wait3A_82] : memref<4x4096xf32, #tpu.memory_space<vmem>> -> memref<1x4096xf32, #tpu.memory_space<vmem>>
      %dma_wait3A_84 = tpu.memref_squeeze %dma_wait3A_83 : memref<1x4096xf32, #tpu.memory_space<vmem>> -> memref<4096xf32, #tpu.memory_space<vmem>>
      %dma_wait3A_85 = tpu.memref_slice %arg3[%run_scoped3A, %mul3A_4] : memref<4x131072xf32, #tpu.memory_space<hbm>> -> memref<1x4096xf32, #tpu.memory_space<hbm>>
      %dma_wait3A_86 = tpu.memref_squeeze %dma_wait3A_85 : memref<1x4096xf32, #tpu.memory_space<hbm>> -> memref<4096xf32, #tpu.memory_space<hbm>>
      %dma_wait3A_87 = arith.constant 0 : i32
      %dma_wait3A_88 = tpu.memref_slice %arg9[%run_scoped3A_5, %dma_wait3A_87] : memref<4x4096xf32, #tpu.memory_space<vmem>> -> memref<1x4096xf32, #tpu.memory_space<vmem>>
      %dma_wait3A_89 = tpu.memref_squeeze %dma_wait3A_88 : memref<1x4096xf32, #tpu.memory_space<vmem>> -> memref<4096xf32, #tpu.memory_space<vmem>>
      %dma_wait3A_90 = tpu.memref_slice %arg3[%run_scoped3A, %mul3A_4] : memref<4x131072xf32, #tpu.memory_space<hbm>> -> memref<1x4096xf32, #tpu.memory_space<hbm>>
      %dma_wait3A_91 = tpu.memref_squeeze %dma_wait3A_90 : memref<1x4096xf32, #tpu.memory_space<hbm>> -> memref<4096xf32, #tpu.memory_space<hbm>>
      tpu.wait_dma2 semaphore(%run_scoped3A_71 : memref<!tpu.dma_semaphore, #tpu.memory_space<semaphore_mem>>) src(%dma_wait3A_91 : memref<4096xf32, #tpu.memory_space<hbm>>) dst(%dma_wait3A_89 : memref<4096xf32, #tpu.memory_space<vmem>>)
      tpu.yield
    }) : () -> ()
    %mul3A_6 = arith.constant 16 : i32
    %mul3A_7 = arith.muli %mul3A_2, %mul3A_6 : i32
    %run_scoped3A_8 = arith.constant 1 : i32
    %run_scoped3A_9 = arith.constant 1 : i32
    "tpu.region"() ({
      %run_scoped3A_71 = tpu.sem_alloc : memref<!tpu.dma_semaphore, #tpu.memory_space<semaphore_mem>>
      %dma_start3A_72 = arith.constant 0 : i32
      %dma_start3A_73 = tpu.memref_slice %arg9[%run_scoped3A_9, %dma_start3A_72] : memref<4x4096xf32, #tpu.memory_space<vmem>> -> memref<1x4096xf32, #tpu.memory_space<vmem>>
      %dma_start3A_74 = tpu.memref_squeeze %dma_start3A_73 : memref<1x4096xf32, #tpu.memory_space<vmem>> -> memref<4096xf32, #tpu.memory_space<vmem>>
      %dma_start3A_75 = tpu.memref_slice %arg3[%run_scoped3A_8, %mul3A_7] : memref<4x131072xf32, #tpu.memory_space<hbm>> -> memref<1x4096xf32, #tpu.memory_space<hbm>>
      %dma_start3A_76 = tpu.memref_squeeze %dma_start3A_75 : memref<1x4096xf32, #tpu.memory_space<hbm>> -> memref<4096xf32, #tpu.memory_space<hbm>>
      %dma_start3A_77 = arith.constant 0 : i32
      %dma_start3A_78 = tpu.memref_slice %arg9[%run_scoped3A_9, %dma_start3A_77] : memref<4x4096xf32, #tpu.memory_space<vmem>> -> memref<1x4096xf32, #tpu.memory_space<vmem>>
      %dma_start3A_79 = tpu.memref_squeeze %dma_start3A_78 : memref<1x4096xf32, #tpu.memory_space<vmem>> -> memref<4096xf32, #tpu.memory_space<vmem>>
      %dma_start3A_80 = tpu.memref_slice %arg3[%run_scoped3A_8, %mul3A_7] : memref<4x131072xf32, #tpu.memory_space<hbm>> -> memref<1x4096xf32, #tpu.memory_space<hbm>>
      %dma_start3A_81 = tpu.memref_squeeze %dma_start3A_80 : memref<1x4096xf32, #tpu.memory_space<hbm>> -> memref<4096xf32, #tpu.memory_space<hbm>>
      tpu.enqueue_dma source(%dma_start3A_81 : memref<4096xf32, #tpu.memory_space<hbm>>) target(%dma_start3A_79 : memref<4096xf32, #tpu.memory_space<vmem>>) target_semaphore(%run_scoped3A_71 : memref<!tpu.dma_semaphore, #tpu.memory_space<semaphore_mem>>)
      %dma_wait3A_82 = arith.constant 0 : i32
      %dma_wait3A_83 = tpu.memref_slice %arg9[%run_scoped3A_9, %dma_wait3A_82] : memref<4x4096xf32, #tpu.memory_space<vmem>> -> memref<1x4096xf32, #tpu.memory_space<vmem>>
      %dma_wait3A_84 = tpu.memref_squeeze %dma_wait3A_83 : memref<1x4096xf32, #tpu.memory_space<vmem>> -> memref<4096xf32, #tpu.memory_space<vmem>>
      %dma_wait3A_85 = tpu.memref_slice %arg3[%run_scoped3A_8, %mul3A_7] : memref<4x131072xf32, #tpu.memory_space<hbm>> -> memref<1x4096xf32, #tpu.memory_space<hbm>>
      %dma_wait3A_86 = tpu.memref_squeeze %dma_wait3A_85 : memref<1x4096xf32, #tpu.memory_space<hbm>> -> memref<4096xf32, #tpu.memory_space<hbm>>
      %dma_wait3A_87 = arith.constant 0 : i32
      %dma_wait3A_88 = tpu.memref_slice %arg9[%run_scoped3A_9, %dma_wait3A_87] : memref<4x4096xf32, #tpu.memory_space<vmem>> -> memref<1x4096xf32, #tpu.memory_space<vmem>>
      %dma_wait3A_89 = tpu.memref_squeeze %dma_wait3A_88 : memref<1x4096xf32, #tpu.memory_space<vmem>> -> memref<4096xf32, #tpu.memory_space<vmem>>
      %dma_wait3A_90 = tpu.memref_slice %arg3[%run_scoped3A_8, %mul3A_7] : memref<4x131072xf32, #tpu.memory_space<hbm>> -> memref<1x4096xf32, #tpu.memory_space<hbm>>
      %dma_wait3A_91 = tpu.memref_squeeze %dma_wait3A_90 : memref<1x4096xf32, #tpu.memory_space<hbm>> -> memref<4096xf32, #tpu.memory_space<hbm>>
      tpu.wait_dma2 semaphore(%run_scoped3A_71 : memref<!tpu.dma_semaphore, #tpu.memory_space<semaphore_mem>>) src(%dma_wait3A_91 : memref<4096xf32, #tpu.memory_space<hbm>>) dst(%dma_wait3A_89 : memref<4096xf32, #tpu.memory_space<vmem>>)
      tpu.yield
    }) : () -> ()
    %mul3A_10 = arith.constant 16 : i32
    %mul3A_11 = arith.muli %mul3A_2, %mul3A_10 : i32
    %run_scoped3A_12 = arith.constant 2 : i32
    %run_scoped3A_13 = arith.constant 2 : i32
    "tpu.region"() ({
      %run_scoped3A_71 = tpu.sem_alloc : memref<!tpu.dma_semaphore, #tpu.memory_space<semaphore_mem>>
      %dma_start3A_72 = arith.constant 0 : i32
      %dma_start3A_73 = tpu.memref_slice %arg9[%run_scoped3A_13, %dma_start3A_72] : memref<4x4096xf32, #tpu.memory_space<vmem>> -> memref<1x4096xf32, #tpu.memory_space<vmem>>
      %dma_start3A_74 = tpu.memref_squeeze %dma_start3A_73 : memref<1x4096xf32, #tpu.memory_space<vmem>> -> memref<4096xf32, #tpu.memory_space<vmem>>
      %dma_start3A_75 = tpu.memref_slice %arg3[%run_scoped3A_12, %mul3A_11] : memref<4x131072xf32, #tpu.memory_space<hbm>> -> memref<1x4096xf32, #tpu.memory_space<hbm>>
      %dma_start3A_76 = tpu.memref_squeeze %dma_start3A_75 : memref<1x4096xf32, #tpu.memory_space<hbm>> -> memref<4096xf32, #tpu.memory_space<hbm>>
      %dma_start3A_77 = arith.constant 0 : i32
      %dma_start3A_78 = tpu.memref_slice %arg9[%run_scoped3A_13, %dma_start3A_77] : memref<4x4096xf32, #tpu.memory_space<vmem>> -> memref<1x4096xf32, #tpu.memory_space<vmem>>
      %dma_start3A_79 = tpu.memref_squeeze %dma_start3A_78 : memref<1x4096xf32, #tpu.memory_space<vmem>> -> memref<4096xf32, #tpu.memory_space<vmem>>
      %dma_start3A_80 = tpu.memref_slice %arg3[%run_scoped3A_12, %mul3A_11] : memref<4x131072xf32, #tpu.memory_space<hbm>> -> memref<1x4096xf32, #tpu.memory_space<hbm>>
      %dma_start3A_81 = tpu.memref_squeeze %dma_start3A_80 : memref<1x4096xf32, #tpu.memory_space<hbm>> -> memref<4096xf32, #tpu.memory_space<hbm>>
      tpu.enqueue_dma source(%dma_start3A_81 : memref<4096xf32, #tpu.memory_space<hbm>>) target(%dma_start3A_79 : memref<4096xf32, #tpu.memory_space<vmem>>) target_semaphore(%run_scoped3A_71 : memref<!tpu.dma_semaphore, #tpu.memory_space<semaphore_mem>>)
      %dma_wait3A_82 = arith.constant 0 : i32
      %dma_wait3A_83 = tpu.memref_slice %arg9[%run_scoped3A_13, %dma_wait3A_82] : memref<4x4096xf32, #tpu.memory_space<vmem>> -> memref<1x4096xf32, #tpu.memory_space<vmem>>
      %dma_wait3A_84 = tpu.memref_squeeze %dma_wait3A_83 : memref<1x4096xf32, #tpu.memory_space<vmem>> -> memref<4096xf32, #tpu.memory_space<vmem>>
      %dma_wait3A_85 = tpu.memref_slice %arg3[%run_scoped3A_12, %mul3A_11] : memref<4x131072xf32, #tpu.memory_space<hbm>> -> memref<1x4096xf32, #tpu.memory_space<hbm>>
      %dma_wait3A_86 = tpu.memref_squeeze %dma_wait3A_85 : memref<1x4096xf32, #tpu.memory_space<hbm>> -> memref<4096xf32, #tpu.memory_space<hbm>>
      %dma_wait3A_87 = arith.constant 0 : i32
      %dma_wait3A_88 = tpu.memref_slice %arg9[%run_scoped3A_13, %dma_wait3A_87] : memref<4x4096xf32, #tpu.memory_space<vmem>> -> memref<1x4096xf32, #tpu.memory_space<vmem>>
      %dma_wait3A_89 = tpu.memref_squeeze %dma_wait3A_88 : memref<1x4096xf32, #tpu.memory_space<vmem>> -> memref<4096xf32, #tpu.memory_space<vmem>>
      %dma_wait3A_90 = tpu.memref_slice %arg3[%run_scoped3A_12, %mul3A_11] : memref<4x131072xf32, #tpu.memory_space<hbm>> -> memref<1x4096xf32, #tpu.memory_space<hbm>>
      %dma_wait3A_91 = tpu.memref_squeeze %dma_wait3A_90 : memref<1x4096xf32, #tpu.memory_space<hbm>> -> memref<4096xf32, #tpu.memory_space<hbm>>
      tpu.wait_dma2 semaphore(%run_scoped3A_71 : memref<!tpu.dma_semaphore, #tpu.memory_space<semaphore_mem>>) src(%dma_wait3A_91 : memref<4096xf32, #tpu.memory_space<hbm>>) dst(%dma_wait3A_89 : memref<4096xf32, #tpu.memory_space<vmem>>)
      tpu.yield
    }) : () -> ()
    %mul3A_14 = arith.constant 16 : i32
    %mul3A_15 = arith.muli %mul3A_2, %mul3A_14 : i32
    %run_scoped3A_16 = arith.constant 3 : i32
    %run_scoped3A_17 = arith.constant 3 : i32
    "tpu.region"() ({
      %run_scoped3A_71 = tpu.sem_alloc : memref<!tpu.dma_semaphore, #tpu.memory_space<semaphore_mem>>
      %dma_start3A_72 = arith.constant 0 : i32
      %dma_start3A_73 = tpu.memref_slice %arg9[%run_scoped3A_17, %dma_start3A_72] : memref<4x4096xf32, #tpu.memory_space<vmem>> -> memref<1x4096xf32, #tpu.memory_space<vmem>>
      %dma_start3A_74 = tpu.memref_squeeze %dma_start3A_73 : memref<1x4096xf32, #tpu.memory_space<vmem>> -> memref<4096xf32, #tpu.memory_space<vmem>>
      %dma_start3A_75 = tpu.memref_slice %arg3[%run_scoped3A_16, %mul3A_15] : memref<4x131072xf32, #tpu.memory_space<hbm>> -> memref<1x4096xf32, #tpu.memory_space<hbm>>
      %dma_start3A_76 = tpu.memref_squeeze %dma_start3A_75 : memref<1x4096xf32, #tpu.memory_space<hbm>> -> memref<4096xf32, #tpu.memory_space<hbm>>
      %dma_start3A_77 = arith.constant 0 : i32
      %dma_start3A_78 = tpu.memref_slice %arg9[%run_scoped3A_17, %dma_start3A_77] : memref<4x4096xf32, #tpu.memory_space<vmem>> -> memref<1x4096xf32, #tpu.memory_space<vmem>>
      %dma_start3A_79 = tpu.memref_squeeze %dma_start3A_78 : memref<1x4096xf32, #tpu.memory_space<vmem>> -> memref<4096xf32, #tpu.memory_space<vmem>>
      %dma_start3A_80 = tpu.memref_slice %arg3[%run_scoped3A_16, %mul3A_15] : memref<4x131072xf32, #tpu.memory_space<hbm>> -> memref<1x4096xf32, #tpu.memory_space<hbm>>
      %dma_start3A_81 = tpu.memref_squeeze %dma_start3A_80 : memref<1x4096xf32, #tpu.memory_space<hbm>> -> memref<4096xf32, #tpu.memory_space<hbm>>
      tpu.enqueue_dma source(%dma_start3A_81 : memref<4096xf32, #tpu.memory_space<hbm>>) target(%dma_start3A_79 : memref<4096xf32, #tpu.memory_space<vmem>>) target_semaphore(%run_scoped3A_71 : memref<!tpu.dma_semaphore, #tpu.memory_space<semaphore_mem>>)
      %dma_wait3A_82 = arith.constant 0 : i32
      %dma_wait3A_83 = tpu.memref_slice %arg9[%run_scoped3A_17, %dma_wait3A_82] : memref<4x4096xf32, #tpu.memory_space<vmem>> -> memref<1x4096xf32, #tpu.memory_space<vmem>>
      %dma_wait3A_84 = tpu.memref_squeeze %dma_wait3A_83 : memref<1x4096xf32, #tpu.memory_space<vmem>> -> memref<4096xf32, #tpu.memory_space<vmem>>
      %dma_wait3A_85 = tpu.memref_slice %arg3[%run_scoped3A_16, %mul3A_15] : memref<4x131072xf32, #tpu.memory_space<hbm>> -> memref<1x4096xf32, #tpu.memory_space<hbm>>
      %dma_wait3A_86 = tpu.memref_squeeze %dma_wait3A_85 : memref<1x4096xf32, #tpu.memory_space<hbm>> -> memref<4096xf32, #tpu.memory_space<hbm>>
      %dma_wait3A_87 = arith.constant 0 : i32
      %dma_wait3A_88 = tpu.memref_slice %arg9[%run_scoped3A_17, %dma_wait3A_87] : memref<4x4096xf32, #tpu.memory_space<vmem>> -> memref<1x4096xf32, #tpu.memory_space<vmem>>
      %dma_wait3A_89 = tpu.memref_squeeze %dma_wait3A_88 : memref<1x4096xf32, #tpu.memory_space<vmem>> -> memref<4096xf32, #tpu.memory_space<vmem>>
      %dma_wait3A_90 = tpu.memref_slice %arg3[%run_scoped3A_16, %mul3A_15] : memref<4x131072xf32, #tpu.memory_space<hbm>> -> memref<1x4096xf32, #tpu.memory_space<hbm>>
      %dma_wait3A_91 = tpu.memref_squeeze %dma_wait3A_90 : memref<1x4096xf32, #tpu.memory_space<hbm>> -> memref<4096xf32, #tpu.memory_space<hbm>>
      tpu.wait_dma2 semaphore(%run_scoped3A_71 : memref<!tpu.dma_semaphore, #tpu.memory_space<semaphore_mem>>) src(%dma_wait3A_91 : memref<4096xf32, #tpu.memory_space<hbm>>) dst(%dma_wait3A_89 : memref<4096xf32, #tpu.memory_space<vmem>>)
      tpu.yield
    }) : () -> ()
    %dma_start3A = arith.constant 0 : i32
    %dma_start3A_18 = arith.constant 0 : i32
    %dma_start3A_19 = arith.constant 0 : i32
    %dma_start3A_20 = tpu.memref_slice %arg10[%dma_start3A, %dma_start3A_18, %dma_start3A_19] : memref<2x8x2048xf32, #tpu.memory_space<vmem>> -> memref<1x8x2048xf32, #tpu.memory_space<vmem>>
    %dma_start3A_21 = tpu.memref_squeeze %dma_start3A_20 : memref<1x8x2048xf32, #tpu.memory_space<vmem>> -> memref<8x2048xf32, #tpu.memory_space<vmem>>
    %dma_start3A_22 = arith.constant 0 : i32
    %dma_start3A_23 = tpu.memref_slice %arg7[%dma_start3A_22] : memref<256xi32, #tpu.memory_space<vmem>> -> memref<8xi32, #tpu.memory_space<vmem>>
    %dma_start3A_24 = arith.constant 0 : i32
    %dma_start3A_25 = arith.constant 0 : i32
    %dma_start3A_26 = tpu.memref_slice %arg2[%dma_start3A_24, %dma_start3A_25] : memref<8192x2048xf32, #tpu.memory_space<hbm>> -> memref<8192x2048xf32, #tpu.memory_space<hbm>>
    tpu.enqueue_indirect_dma source(%dma_start3A_26 : memref<8192x2048xf32, #tpu.memory_space<hbm>>) target(%dma_start3A_21 : memref<8x2048xf32, #tpu.memory_space<vmem>>) offsets(%dma_start3A_23 : memref<8xi32, #tpu.memory_space<vmem>>) semaphore(%arg13 : memref<!tpu.dma_semaphore, #tpu.memory_space<semaphore_mem>>)
    %dma_start3A_27 = arith.constant 0 : i32
    %dma_start3A_28 = arith.constant 0 : i32
    %dma_start3A_29 = arith.constant 0 : i32
    %dma_start3A_30 = tpu.memref_slice %arg11[%dma_start3A_27, %dma_start3A_28, %dma_start3A_29] : memref<2x8x2048xf32, #tpu.memory_space<vmem>> -> memref<1x8x2048xf32, #tpu.memory_space<vmem>>
    %dma_start3A_31 = tpu.memref_squeeze %dma_start3A_30 : memref<1x8x2048xf32, #tpu.memory_space<vmem>> -> memref<8x2048xf32, #tpu.memory_space<vmem>>
    %dma_start3A_32 = arith.constant 0 : i32
    %dma_start3A_33 = tpu.memref_slice %arg8[%dma_start3A_32] : memref<256xi32, #tpu.memory_space<vmem>> -> memref<8xi32, #tpu.memory_space<vmem>>
    %dma_start3A_34 = arith.constant 0 : i32
    %dma_start3A_35 = arith.constant 0 : i32
    %dma_start3A_36 = tpu.memref_slice %arg2[%dma_start3A_34, %dma_start3A_35] : memref<8192x2048xf32, #tpu.memory_space<hbm>> -> memref<8192x2048xf32, #tpu.memory_space<hbm>>
    tpu.enqueue_indirect_dma source(%dma_start3A_36 : memref<8192x2048xf32, #tpu.memory_space<hbm>>) target(%dma_start3A_31 : memref<8x2048xf32, #tpu.memory_space<vmem>>) offsets(%dma_start3A_33 : memref<8xi32, #tpu.memory_space<vmem>>) semaphore(%arg14 : memref<!tpu.dma_semaphore, #tpu.memory_space<semaphore_mem>>)
    %scan3A = arith.constant 0 : i32
    %scan3A_37 = arith.constant 0 : i32
    %scan3A_38 = arith.constant 16 : i32
    %scan3A_39 = arith.addi %scan3A_37, %scan3A_38 : i32
    %scan3A_40 = arith.constant 1 : i32
    scf.for %scan3A_71 = %scan3A_37 to %scan3A_39 step %scan3A_40  : i32 {
      %mul3A_72 = arith.constant 2 : i32
      %mul3A_73 = arith.muli %mul3A_72, %scan3A_71 : i32
      %add3A_74 = arith.constant 0 : i32
      %add3A_75 = arith.addi %mul3A_73, %add3A_74 : i32
      %mul3A_76 = arith.constant 8 : i32
      %mul3A_77 = arith.muli %add3A_75, %mul3A_76 : i32
      %mul3A_78 = arith.constant 8 : i32
      %mul3A_79 = arith.muli %add3A_75, %mul3A_78 : i32
      %dma_wait3A_80 = arith.constant 0 : i32
      %dma_wait3A_81 = arith.constant 0 : i32
      %dma_wait3A_82 = arith.constant 0 : i32
      %dma_wait3A_83 = tpu.memref_slice %arg10[%dma_wait3A_80, %dma_wait3A_81, %dma_wait3A_82] : memref<2x8x2048xf32, #tpu.memory_space<vmem>> -> memref<1x8x2048xf32, #tpu.memory_space<vmem>>
      %dma_wait3A_84 = tpu.memref_squeeze %dma_wait3A_83 : memref<1x8x2048xf32, #tpu.memory_space<vmem>> -> memref<8x2048xf32, #tpu.memory_space<vmem>>
      %dma_wait3A_85 = tpu.memref_slice %arg7[%mul3A_77] : memref<256xi32, #tpu.memory_space<vmem>> -> memref<8xi32, #tpu.memory_space<vmem>>
      %dma_wait3A_86 = arith.constant 0 : i32
      %dma_wait3A_87 = arith.constant 0 : i32
      %dma_wait3A_88 = tpu.memref_slice %arg2[%dma_wait3A_86, %dma_wait3A_87] : memref<8192x2048xf32, #tpu.memory_space<hbm>> -> memref<8192x2048xf32, #tpu.memory_space<hbm>>
      tpu.wait_indirect_dma semaphore(%arg13 : memref<!tpu.dma_semaphore, #tpu.memory_space<semaphore_mem>>) src(%dma_wait3A_88 : memref<8192x2048xf32, #tpu.memory_space<hbm>>) dst(%dma_wait3A_84 : memref<8x2048xf32, #tpu.memory_space<vmem>>)
      %dma_wait3A_89 = arith.constant 0 : i32
      %dma_wait3A_90 = arith.constant 0 : i32
      %dma_wait3A_91 = arith.constant 0 : i32
      %dma_wait3A_92 = tpu.memref_slice %arg11[%dma_wait3A_89, %dma_wait3A_90, %dma_wait3A_91] : memref<2x8x2048xf32, #tpu.memory_space<vmem>> -> memref<1x8x2048xf32, #tpu.memory_space<vmem>>
      %dma_wait3A_93 = tpu.memref_squeeze %dma_wait3A_92 : memref<1x8x2048xf32, #tpu.memory_space<vmem>> -> memref<8x2048xf32, #tpu.memory_space<vmem>>
      %dma_wait3A_94 = tpu.memref_slice %arg8[%mul3A_79] : memref<256xi32, #tpu.memory_space<vmem>> -> memref<8xi32, #tpu.memory_space<vmem>>
      %dma_wait3A_95 = arith.constant 0 : i32
      %dma_wait3A_96 = arith.constant 0 : i32
      %dma_wait3A_97 = tpu.memref_slice %arg2[%dma_wait3A_95, %dma_wait3A_96] : memref<8192x2048xf32, #tpu.memory_space<hbm>> -> memref<8192x2048xf32, #tpu.memory_space<hbm>>
      tpu.wait_indirect_dma semaphore(%arg14 : memref<!tpu.dma_semaphore, #tpu.memory_space<semaphore_mem>>) src(%dma_wait3A_97 : memref<8192x2048xf32, #tpu.memory_space<hbm>>) dst(%dma_wait3A_93 : memref<8x2048xf32, #tpu.memory_space<vmem>>)
      %add3A_98 = arith.constant 1 : i32
      %add3A_99 = arith.addi %add3A_75, %add3A_98 : i32
      %lt3A = arith.constant 32 : i32
      %lt3A_100 = arith.cmpi slt, %add3A_99, %lt3A : i32
      %convert_element_type3A = arith.extui %lt3A_100 : i1 to i32
      %cond3A = arith.constant 0 : i32
      %cond3A_101 = arith.cmpi ne, %convert_element_type3A, %cond3A : i32
      scf.if %cond3A_101 {
        %add3A_734 = arith.constant 1 : i32
        %add3A_735 = arith.addi %add3A_75, %add3A_734 : i32
        %mul3A_736 = arith.constant 8 : i32
        %mul3A_737 = arith.muli %add3A_735, %mul3A_736 : i32
        %mul3A_738 = arith.constant 8 : i32
        %mul3A_739 = arith.muli %add3A_735, %mul3A_738 : i32
        %dma_start3A_740 = arith.constant 1 : i32
        %dma_start3A_741 = arith.constant 0 : i32
        %dma_start3A_742 = arith.constant 0 : i32
        %dma_start3A_743 = tpu.memref_slice %arg10[%dma_start3A_740, %dma_start3A_741, %dma_start3A_742] : memref<2x8x2048xf32, #tpu.memory_space<vmem>> -> memref<1x8x2048xf32, #tpu.memory_space<vmem>>
        %dma_start3A_744 = tpu.memref_squeeze %dma_start3A_743 : memref<1x8x2048xf32, #tpu.memory_space<vmem>> -> memref<8x2048xf32, #tpu.memory_space<vmem>>
        %dma_start3A_745 = tpu.memref_slice %arg7[%mul3A_737] : memref<256xi32, #tpu.memory_space<vmem>> -> memref<8xi32, #tpu.memory_space<vmem>>
        %dma_start3A_746 = arith.constant 0 : i32
        %dma_start3A_747 = arith.constant 0 : i32
        %dma_start3A_748 = tpu.memref_slice %arg2[%dma_start3A_746, %dma_start3A_747] : memref<8192x2048xf32, #tpu.memory_space<hbm>> -> memref<8192x2048xf32, #tpu.memory_space<hbm>>
        tpu.enqueue_indirect_dma source(%dma_start3A_748 : memref<8192x2048xf32, #tpu.memory_space<hbm>>) target(%dma_start3A_744 : memref<8x2048xf32, #tpu.memory_space<vmem>>) offsets(%dma_start3A_745 : memref<8xi32, #tpu.memory_space<vmem>>) semaphore(%arg13 : memref<!tpu.dma_semaphore, #tpu.memory_space<semaphore_mem>>)
        %dma_start3A_749 = arith.constant 1 : i32
        %dma_start3A_750 = arith.constant 0 : i32
        %dma_start3A_751 = arith.constant 0 : i32
        %dma_start3A_752 = tpu.memref_slice %arg11[%dma_start3A_749, %dma_start3A_750, %dma_start3A_751] : memref<2x8x2048xf32, #tpu.memory_space<vmem>> -> memref<1x8x2048xf32, #tpu.memory_space<vmem>>
        %dma_start3A_753 = tpu.memref_squeeze %dma_start3A_752 : memref<1x8x2048xf32, #tpu.memory_space<vmem>> -> memref<8x2048xf32, #tpu.memory_space<vmem>>
        %dma_start3A_754 = tpu.memref_slice %arg8[%mul3A_739] : memref<256xi32, #tpu.memory_space<vmem>> -> memref<8xi32, #tpu.memory_space<vmem>>
        %dma_start3A_755 = arith.constant 0 : i32
        %dma_start3A_756 = arith.constant 0 : i32
        %dma_start3A_757 = tpu.memref_slice %arg2[%dma_start3A_755, %dma_start3A_756] : memref<8192x2048xf32, #tpu.memory_space<hbm>> -> memref<8192x2048xf32, #tpu.memory_space<hbm>>
        tpu.enqueue_indirect_dma source(%dma_start3A_757 : memref<8192x2048xf32, #tpu.memory_space<hbm>>) target(%dma_start3A_753 : memref<8x2048xf32, #tpu.memory_space<vmem>>) offsets(%dma_start3A_754 : memref<8xi32, #tpu.memory_space<vmem>>) semaphore(%arg14 : memref<!tpu.dma_semaphore, #tpu.memory_space<semaphore_mem>>)
      } else {
      }
      %ge3A = arith.constant 2 : i32
      %ge3A_102 = arith.cmpi sge, %add3A_75, %ge3A : i32
      %convert_element_type3A_103 = arith.extui %ge3A_102 : i1 to i32
      %cond3A_104 = arith.constant 0 : i32
      %cond3A_105 = arith.cmpi ne, %convert_element_type3A_103, %cond3A_104 : i32
      scf.if %cond3A_105 {
        %sub3A = arith.constant 2 : i32
        %sub3A_734 = arith.subi %add3A_75, %sub3A : i32
        %mul3A_735 = arith.constant 8 : i32
        %mul3A_736 = arith.muli %sub3A_734, %mul3A_735 : i32
        %add3A_737 = arith.addi %mul3A_2, %mul3A_736 : i32
        %dma_wait3A_738 = arith.constant 0 : i32
        %dma_wait3A_739 = arith.constant 0 : i32
        %dma_wait3A_740 = arith.constant 0 : i32
        %dma_wait3A_741 = tpu.memref_slice %arg12[%dma_wait3A_738, %dma_wait3A_739, %dma_wait3A_740] : memref<2x8x2048xf32, #tpu.memory_space<vmem>> -> memref<1x8x2048xf32, #tpu.memory_space<vmem>>
        %dma_wait3A_742 = tpu.memref_squeeze %dma_wait3A_741 : memref<1x8x2048xf32, #tpu.memory_space<vmem>> -> memref<8x2048xf32, #tpu.memory_space<vmem>>
        %dma_wait3A_743 = arith.constant 0 : i32
        %dma_wait3A_744 = tpu.memref_slice %arg6[%add3A_737, %dma_wait3A_743] : memref<8192x2048xf32, #tpu.memory_space<hbm>> -> memref<8x2048xf32, #tpu.memory_space<hbm>>
        %dma_wait3A_745 = arith.constant 0 : i32
        %dma_wait3A_746 = tpu.memref_slice %arg6[%add3A_737, %dma_wait3A_745] : memref<8192x2048xf32, #tpu.memory_space<hbm>> -> memref<8x2048xf32, #tpu.memory_space<hbm>>
        %dma_wait3A_747 = arith.constant 0 : i32
        %dma_wait3A_748 = arith.constant 0 : i32
        %dma_wait3A_749 = tpu.memref_slice %arg12[%dma_wait3A_738, %dma_wait3A_747, %dma_wait3A_748] : memref<2x8x2048xf32, #tpu.memory_space<vmem>> -> memref<1x8x2048xf32, #tpu.memory_space<vmem>>
        %dma_wait3A_750 = tpu.memref_squeeze %dma_wait3A_749 : memref<1x8x2048xf32, #tpu.memory_space<vmem>> -> memref<8x2048xf32, #tpu.memory_space<vmem>>
        tpu.wait_dma2 semaphore(%arg15 : memref<!tpu.dma_semaphore, #tpu.memory_space<semaphore_mem>>) src(%dma_wait3A_750 : memref<8x2048xf32, #tpu.memory_space<vmem>>) dst(%dma_wait3A_746 : memref<8x2048xf32, #tpu.memory_space<hbm>>)
      } else {
      }
      %mul3A_106 = arith.constant 8 : i32
      %mul3A_107 = arith.muli %add3A_75, %mul3A_106 : i32
      %add3A_108 = arith.constant 0 : i32
      %add3A_109 = arith.addi %mul3A_107, %add3A_108 : i32
      %mul3A_110 = arith.constant 16 : i32
      %mul3A_111 = arith.muli %add3A_109, %mul3A_110 : i32
      %get3A = arith.constant 0 : i32
      %get3A_112 = arith.index_cast %get3A : i32 to index
      %get3A_113 = arith.index_cast %mul3A_111 : i32 to index
      %get3A_114 = tpu.vector_load %arg9[%get3A_112, %get3A_113] {strides = array<i32>} : memref<4x4096xf32, #tpu.memory_space<vmem>>, vector<1x16xf32>,
      %get3A_115 = vector.shape_cast %get3A_114 : vector<1x16xf32> to vector<16xf32>
      %mul3A_116 = arith.constant 16 : i32
      %mul3A_117 = arith.muli %add3A_109, %mul3A_116 : i32
      %get3A_118 = arith.constant 1 : i32
      %get3A_119 = arith.index_cast %get3A_118 : i32 to index
      %get3A_120 = arith.index_cast %mul3A_117 : i32 to index
      %get3A_121 = tpu.vector_load %arg9[%get3A_119, %get3A_120] {strides = array<i32>} : memref<4x4096xf32, #tpu.memory_space<vmem>>, vector<1x16xf32>,
      %get3A_122 = vector.shape_cast %get3A_121 : vector<1x16xf32> to vector<16xf32>
      %mul3A_123 = arith.constant 16 : i32
      %mul3A_124 = arith.muli %add3A_109, %mul3A_123 : i32
      %get3A_125 = arith.constant 2 : i32
      %get3A_126 = arith.index_cast %get3A_125 : i32 to index
      %get3A_127 = arith.index_cast %mul3A_124 : i32 to index
      %get3A_128 = tpu.vector_load %arg9[%get3A_126, %get3A_127] {strides = array<i32>} : memref<4x4096xf32, #tpu.memory_space<vmem>>, vector<1x16xf32>,
      %get3A_129 = vector.shape_cast %get3A_128 : vector<1x16xf32> to vector<16xf32>
      %mul3A_130 = arith.constant 16 : i32
      %mul3A_131 = arith.muli %add3A_109, %mul3A_130 : i32
      %get3A_132 = arith.constant 3 : i32
      %get3A_133 = arith.index_cast %get3A_132 : i32 to index
      %get3A_134 = arith.index_cast %mul3A_131 : i32 to index
      %get3A_135 = tpu.vector_load %arg9[%get3A_133, %get3A_134] {strides = array<i32>} : memref<4x4096xf32, #tpu.memory_space<vmem>>, vector<1x16xf32>,
      %get3A_136 = vector.shape_cast %get3A_135 : vector<1x16xf32> to vector<16xf32>
      %parallel_loop3A = arith.constant 0 : i32
      %parallel_loop3A_137 = arith.constant 2048 : i32
      %parallel_loop3A_138 = arith.constant 16 : i32
      scf.for %parallel_loop3A_734 = %parallel_loop3A to %parallel_loop3A_137 step %parallel_loop3A_138  : i32 {
        %parallel_loop3A_735 = arith.constant 0 : i32
        %parallel_loop3A_736 = arith.constant 0 : i32
        %parallel_loop3A_737 = arith.index_cast %parallel_loop3A_735 : i32 to index
        %parallel_loop3A_738 = arith.index_cast %parallel_loop3A_736 : i32 to index
        %parallel_loop3A_739 = arith.index_cast %parallel_loop3A_734 : i32 to index
        %parallel_loop3A_740 = tpu.vector_load %arg10[%parallel_loop3A_737, %parallel_loop3A_738, %parallel_loop3A_739] {strides = array<i32>} : memref<2x8x2048xf32, #tpu.memory_space<vmem>>, vector<1x1x16xf32>,
        %parallel_loop3A_741 = vector.shape_cast %parallel_loop3A_740 : vector<1x1x16xf32> to vector<16xf32>
        %parallel_loop3A_742 = arith.constant 0 : i32
        %parallel_loop3A_743 = arith.constant 0 : i32
        %parallel_loop3A_744 = arith.index_cast %parallel_loop3A_742 : i32 to index
        %parallel_loop3A_745 = arith.index_cast %parallel_loop3A_743 : i32 to index
        %parallel_loop3A_746 = arith.index_cast %parallel_loop3A_734 : i32 to index
        %parallel_loop3A_747 = tpu.vector_load %arg11[%parallel_loop3A_744, %parallel_loop3A_745, %parallel_loop3A_746] {strides = array<i32>} : memref<2x8x2048xf32, #tpu.memory_space<vmem>>, vector<1x1x16xf32>,
        %parallel_loop3A_748 = vector.shape_cast %parallel_loop3A_747 : vector<1x1x16xf32> to vector<16xf32>
        %parallel_loop3A_749 = arith.mulf %get3A_122, %parallel_loop3A_741 : vector<16xf32>
        %parallel_loop3A_750 = arith.addf %get3A_115, %parallel_loop3A_749 : vector<16xf32>
        %parallel_loop3A_751 = arith.mulf %get3A_136, %parallel_loop3A_741 : vector<16xf32>
        %parallel_loop3A_752 = arith.addf %get3A_129, %parallel_loop3A_751 : vector<16xf32>
        %parallel_loop3A_753 = arith.mulf %parallel_loop3A_752, %parallel_loop3A_748 : vector<16xf32>
        %parallel_loop3A_754 = arith.addf %parallel_loop3A_750, %parallel_loop3A_753 : vector<16xf32>
        %parallel_loop3A_755 = arith.constant 0 : i32
        %parallel_loop3A_756 = arith.constant 0 : i32
        %parallel_loop3A_757 = arith.index_cast %parallel_loop3A_755 : i32 to index
        %parallel_loop3A_758 = arith.index_cast %parallel_loop3A_756 : i32 to index
        %parallel_loop3A_759 = arith.index_cast %parallel_loop3A_734 : i32 to index
        %parallel_loop3A_760 = tpu.vector_load %arg12[%parallel_loop3A_757, %parallel_loop3A_758, %parallel_loop3A_759] {strides = array<i32>} : memref<2x8x2048xf32, #tpu.memory_space<vmem>>, vector<1x1x16xf32>,
        %parallel_loop3A_761 = vector.shape_cast %parallel_loop3A_760 : vector<1x1x16xf32> to vector<16xf32>
        %parallel_loop3A_762 = vector.shape_cast %parallel_loop3A_754 : vector<16xf32> to vector<1x1x16xf32>
        tpu.vector_store %arg12[%parallel_loop3A_757, %parallel_loop3A_758, %parallel_loop3A_759], %parallel_loop3A_762 {strides = array<i32>} : memref<2x8x2048xf32, #tpu.memory_space<vmem>>, vector<1x1x16xf32>,
      } {sc.loop_unroll_factor = 8 : i64, sc.parallel_access}
      %mul3A_139 = arith.constant 8 : i32
      %mul3A_140 = arith.muli %add3A_75, %mul3A_139 : i32
      %add3A_141 = arith.constant 1 : i32
      %add3A_142 = arith.addi %mul3A_140, %add3A_141 : i32
      %mul3A_143 = arith.constant 16 : i32
      %mul3A_144 = arith.muli %add3A_142, %mul3A_143 : i32
      %get3A_145 = arith.constant 0 : i32
      %get3A_146 = arith.index_cast %get3A_145 : i32 to index
      %get3A_147 = arith.index_cast %mul3A_144 : i32 to index
      %get3A_148 = tpu.vector_load %arg9[%get3A_146, %get3A_147] {strides = array<i32>} : memref<4x4096xf32, #tpu.memory_space<vmem>>, vector<1x16xf32>,
      %get3A_149 = vector.shape_cast %get3A_148 : vector<1x16xf32> to vector<16xf32>
      %mul3A_150 = arith.constant 16 : i32
      %mul3A_151 = arith.muli %add3A_142, %mul3A_150 : i32
      %get3A_152 = arith.constant 1 : i32
      %get3A_153 = arith.index_cast %get3A_152 : i32 to index
      %get3A_154 = arith.index_cast %mul3A_151 : i32 to index
      %get3A_155 = tpu.vector_load %arg9[%get3A_153, %get3A_154] {strides = array<i32>} : memref<4x4096xf32, #tpu.memory_space<vmem>>, vector<1x16xf32>,
      %get3A_156 = vector.shape_cast %get3A_155 : vector<1x16xf32> to vector<16xf32>
      %mul3A_157 = arith.constant 16 : i32
      %mul3A_158 = arith.muli %add3A_142, %mul3A_157 : i32
      %get3A_159 = arith.constant 2 : i32
      %get3A_160 = arith.index_cast %get3A_159 : i32 to index
      %get3A_161 = arith.index_cast %mul3A_158 : i32 to index
      %get3A_162 = tpu.vector_load %arg9[%get3A_160, %get3A_161] {strides = array<i32>} : memref<4x4096xf32, #tpu.memory_space<vmem>>, vector<1x16xf32>,
      %get3A_163 = vector.shape_cast %get3A_162 : vector<1x16xf32> to vector<16xf32>
      %mul3A_164 = arith.constant 16 : i32
      %mul3A_165 = arith.muli %add3A_142, %mul3A_164 : i32
      %get3A_166 = arith.constant 3 : i32
      %get3A_167 = arith.index_cast %get3A_166 : i32 to index
      %get3A_168 = arith.index_cast %mul3A_165 : i32 to index
      %get3A_169 = tpu.vector_load %arg9[%get3A_167, %get3A_168] {strides = array<i32>} : memref<4x4096xf32, #tpu.memory_space<vmem>>, vector<1x16xf32>,
      %get3A_170 = vector.shape_cast %get3A_169 : vector<1x16xf32> to vector<16xf32>
      %parallel_loop3A_171 = arith.constant 0 : i32
      %parallel_loop3A_172 = arith.constant 2048 : i32
      %parallel_loop3A_173 = arith.constant 16 : i32
      scf.for %parallel_loop3A_734 = %parallel_loop3A_171 to %parallel_loop3A_172 step %parallel_loop3A_173  : i32 {
        %parallel_loop3A_735 = arith.constant 0 : i32
        %parallel_loop3A_736 = arith.constant 1 : i32
        %parallel_loop3A_737 = arith.index_cast %parallel_loop3A_735 : i32 to index
        %parallel_loop3A_738 = arith.index_cast %parallel_loop3A_736 : i32 to index
        %parallel_loop3A_739 = arith.index_cast %parallel_loop3A_734 : i32 to index
        %parallel_loop3A_740 = tpu.vector_load %arg10[%parallel_loop3A_737, %parallel_loop3A_738, %parallel_loop3A_739] {strides = array<i32>} : memref<2x8x2048xf32, #tpu.memory_space<vmem>>, vector<1x1x16xf32>,
        %parallel_loop3A_741 = vector.shape_cast %parallel_loop3A_740 : vector<1x1x16xf32> to vector<16xf32>
        %parallel_loop3A_742 = arith.constant 0 : i32
        %parallel_loop3A_743 = arith.constant 1 : i32
        %parallel_loop3A_744 = arith.index_cast %parallel_loop3A_742 : i32 to index
        %parallel_loop3A_745 = arith.index_cast %parallel_loop3A_743 : i32 to index
        %parallel_loop3A_746 = arith.index_cast %parallel_loop3A_734 : i32 to index
        %parallel_loop3A_747 = tpu.vector_load %arg11[%parallel_loop3A_744, %parallel_loop3A_745, %parallel_loop3A_746] {strides = array<i32>} : memref<2x8x2048xf32, #tpu.memory_space<vmem>>, vector<1x1x16xf32>,
        %parallel_loop3A_748 = vector.shape_cast %parallel_loop3A_747 : vector<1x1x16xf32> to vector<16xf32>
        %parallel_loop3A_749 = arith.mulf %get3A_156, %parallel_loop3A_741 : vector<16xf32>
        %parallel_loop3A_750 = arith.addf %get3A_149, %parallel_loop3A_749 : vector<16xf32>
        %parallel_loop3A_751 = arith.mulf %get3A_170, %parallel_loop3A_741 : vector<16xf32>
        %parallel_loop3A_752 = arith.addf %get3A_163, %parallel_loop3A_751 : vector<16xf32>
        %parallel_loop3A_753 = arith.mulf %parallel_loop3A_752, %parallel_loop3A_748 : vector<16xf32>
        %parallel_loop3A_754 = arith.addf %parallel_loop3A_750, %parallel_loop3A_753 : vector<16xf32>
        %parallel_loop3A_755 = arith.constant 0 : i32
        %parallel_loop3A_756 = arith.constant 1 : i32
        %parallel_loop3A_757 = arith.index_cast %parallel_loop3A_755 : i32 to index
        %parallel_loop3A_758 = arith.index_cast %parallel_loop3A_756 : i32 to index
        %parallel_loop3A_759 = arith.index_cast %parallel_loop3A_734 : i32 to index
        %parallel_loop3A_760 = tpu.vector_load %arg12[%parallel_loop3A_757, %parallel_loop3A_758, %parallel_loop3A_759] {strides = array<i32>} : memref<2x8x2048xf32, #tpu.memory_space<vmem>>, vector<1x1x16xf32>,
        %parallel_loop3A_761 = vector.shape_cast %parallel_loop3A_760 : vector<1x1x16xf32> to vector<16xf32>
        %parallel_loop3A_762 = vector.shape_cast %parallel_loop3A_754 : vector<16xf32> to vector<1x1x16xf32>
        tpu.vector_store %arg12[%parallel_loop3A_757, %parallel_loop3A_758, %parallel_loop3A_759], %parallel_loop3A_762 {strides = array<i32>} : memref<2x8x2048xf32, #tpu.memory_space<vmem>>, vector<1x1x16xf32>,
      } {sc.loop_unroll_factor = 8 : i64, sc.parallel_access}
      %mul3A_174 = arith.constant 8 : i32
      %mul3A_175 = arith.muli %add3A_75, %mul3A_174 : i32
      %add3A_176 = arith.constant 2 : i32
      %add3A_177 = arith.addi %mul3A_175, %add3A_176 : i32
      %mul3A_178 = arith.constant 16 : i32
      %mul3A_179 = arith.muli %add3A_177, %mul3A_178 : i32
      %get3A_180 = arith.constant 0 : i32
      %get3A_181 = arith.index_cast %get3A_180 : i32 to index
      %get3A_182 = arith.index_cast %mul3A_179 : i32 to index
      %get3A_183 = tpu.vector_load %arg9[%get3A_181, %get3A_182] {strides = array<i32>} : memref<4x4096xf32, #tpu.memory_space<vmem>>, vector<1x16xf32>,
      %get3A_184 = vector.shape_cast %get3A_183 : vector<1x16xf32> to vector<16xf32>
      %mul3A_185 = arith.constant 16 : i32
      %mul3A_186 = arith.muli %add3A_177, %mul3A_185 : i32
      %get3A_187 = arith.constant 1 : i32
      %get3A_188 = arith.index_cast %get3A_187 : i32 to index
      %get3A_189 = arith.index_cast %mul3A_186 : i32 to index
      %get3A_190 = tpu.vector_load %arg9[%get3A_188, %get3A_189] {strides = array<i32>} : memref<4x4096xf32, #tpu.memory_space<vmem>>, vector<1x16xf32>,
      %get3A_191 = vector.shape_cast %get3A_190 : vector<1x16xf32> to vector<16xf32>
      %mul3A_192 = arith.constant 16 : i32
      %mul3A_193 = arith.muli %add3A_177, %mul3A_192 : i32
      %get3A_194 = arith.constant 2 : i32
      %get3A_195 = arith.index_cast %get3A_194 : i32 to index
      %get3A_196 = arith.index_cast %mul3A_193 : i32 to index
      %get3A_197 = tpu.vector_load %arg9[%get3A_195, %get3A_196] {strides = array<i32>} : memref<4x4096xf32, #tpu.memory_space<vmem>>, vector<1x16xf32>,
      %get3A_198 = vector.shape_cast %get3A_197 : vector<1x16xf32> to vector<16xf32>
      %mul3A_199 = arith.constant 16 : i32
      %mul3A_200 = arith.muli %add3A_177, %mul3A_199 : i32
      %get3A_201 = arith.constant 3 : i32
      %get3A_202 = arith.index_cast %get3A_201 : i32 to index
      %get3A_203 = arith.index_cast %mul3A_200 : i32 to index
      %get3A_204 = tpu.vector_load %arg9[%get3A_202, %get3A_203] {strides = array<i32>} : memref<4x4096xf32, #tpu.memory_space<vmem>>, vector<1x16xf32>,
      %get3A_205 = vector.shape_cast %get3A_204 : vector<1x16xf32> to vector<16xf32>
      %parallel_loop3A_206 = arith.constant 0 : i32
      %parallel_loop3A_207 = arith.constant 2048 : i32
      %parallel_loop3A_208 = arith.constant 16 : i32
      scf.for %parallel_loop3A_734 = %parallel_loop3A_206 to %parallel_loop3A_207 step %parallel_loop3A_208  : i32 {
        %parallel_loop3A_735 = arith.constant 0 : i32
        %parallel_loop3A_736 = arith.constant 2 : i32
        %parallel_loop3A_737 = arith.index_cast %parallel_loop3A_735 : i32 to index
        %parallel_loop3A_738 = arith.index_cast %parallel_loop3A_736 : i32 to index
        %parallel_loop3A_739 = arith.index_cast %parallel_loop3A_734 : i32 to index
        %parallel_loop3A_740 = tpu.vector_load %arg10[%parallel_loop3A_737, %parallel_loop3A_738, %parallel_loop3A_739] {strides = array<i32>} : memref<2x8x2048xf32, #tpu.memory_space<vmem>>, vector<1x1x16xf32>,
        %parallel_loop3A_741 = vector.shape_cast %parallel_loop3A_740 : vector<1x1x16xf32> to vector<16xf32>
        %parallel_loop3A_742 = arith.constant 0 : i32
        %parallel_loop3A_743 = arith.constant 2 : i32
        %parallel_loop3A_744 = arith.index_cast %parallel_loop3A_742 : i32 to index
        %parallel_loop3A_745 = arith.index_cast %parallel_loop3A_743 : i32 to index
        %parallel_loop3A_746 = arith.index_cast %parallel_loop3A_734 : i32 to index
        %parallel_loop3A_747 = tpu.vector_load %arg11[%parallel_loop3A_744, %parallel_loop3A_745, %parallel_loop3A_746] {strides = array<i32>} : memref<2x8x2048xf32, #tpu.memory_space<vmem>>, vector<1x1x16xf32>,
        %parallel_loop3A_748 = vector.shape_cast %parallel_loop3A_747 : vector<1x1x16xf32> to vector<16xf32>
        %parallel_loop3A_749 = arith.mulf %get3A_191, %parallel_loop3A_741 : vector<16xf32>
        %parallel_loop3A_750 = arith.addf %get3A_184, %parallel_loop3A_749 : vector<16xf32>
        %parallel_loop3A_751 = arith.mulf %get3A_205, %parallel_loop3A_741 : vector<16xf32>
        %parallel_loop3A_752 = arith.addf %get3A_198, %parallel_loop3A_751 : vector<16xf32>
        %parallel_loop3A_753 = arith.mulf %parallel_loop3A_752, %parallel_loop3A_748 : vector<16xf32>
        %parallel_loop3A_754 = arith.addf %parallel_loop3A_750, %parallel_loop3A_753 : vector<16xf32>
        %parallel_loop3A_755 = arith.constant 0 : i32
        %parallel_loop3A_756 = arith.constant 2 : i32
        %parallel_loop3A_757 = arith.index_cast %parallel_loop3A_755 : i32 to index
        %parallel_loop3A_758 = arith.index_cast %parallel_loop3A_756 : i32 to index
        %parallel_loop3A_759 = arith.index_cast %parallel_loop3A_734 : i32 to index
        %parallel_loop3A_760 = tpu.vector_load %arg12[%parallel_loop3A_757, %parallel_loop3A_758, %parallel_loop3A_759] {strides = array<i32>} : memref<2x8x2048xf32, #tpu.memory_space<vmem>>, vector<1x1x16xf32>,
        %parallel_loop3A_761 = vector.shape_cast %parallel_loop3A_760 : vector<1x1x16xf32> to vector<16xf32>
        %parallel_loop3A_762 = vector.shape_cast %parallel_loop3A_754 : vector<16xf32> to vector<1x1x16xf32>
        tpu.vector_store %arg12[%parallel_loop3A_757, %parallel_loop3A_758, %parallel_loop3A_759], %parallel_loop3A_762 {strides = array<i32>} : memref<2x8x2048xf32, #tpu.memory_space<vmem>>, vector<1x1x16xf32>,
      } {sc.loop_unroll_factor = 8 : i64, sc.parallel_access}
      %mul3A_209 = arith.constant 8 : i32
      %mul3A_210 = arith.muli %add3A_75, %mul3A_209 : i32
      %add3A_211 = arith.constant 3 : i32
      %add3A_212 = arith.addi %mul3A_210, %add3A_211 : i32
      %mul3A_213 = arith.constant 16 : i32
      %mul3A_214 = arith.muli %add3A_212, %mul3A_213 : i32
      %get3A_215 = arith.constant 0 : i32
      %get3A_216 = arith.index_cast %get3A_215 : i32 to index
      %get3A_217 = arith.index_cast %mul3A_214 : i32 to index
      %get3A_218 = tpu.vector_load %arg9[%get3A_216, %get3A_217] {strides = array<i32>} : memref<4x4096xf32, #tpu.memory_space<vmem>>, vector<1x16xf32>,
      %get3A_219 = vector.shape_cast %get3A_218 : vector<1x16xf32> to vector<16xf32>
      %mul3A_220 = arith.constant 16 : i32
      %mul3A_221 = arith.muli %add3A_212, %mul3A_220 : i32
      %get3A_222 = arith.constant 1 : i32
      %get3A_223 = arith.index_cast %get3A_222 : i32 to index
      %get3A_224 = arith.index_cast %mul3A_221 : i32 to index
      %get3A_225 = tpu.vector_load %arg9[%get3A_223, %get3A_224] {strides = array<i32>} : memref<4x4096xf32, #tpu.memory_space<vmem>>, vector<1x16xf32>,
      %get3A_226 = vector.shape_cast %get3A_225 : vector<1x16xf32> to vector<16xf32>
      %mul3A_227 = arith.constant 16 : i32
      %mul3A_228 = arith.muli %add3A_212, %mul3A_227 : i32
      %get3A_229 = arith.constant 2 : i32
      %get3A_230 = arith.index_cast %get3A_229 : i32 to index
      %get3A_231 = arith.index_cast %mul3A_228 : i32 to index
      %get3A_232 = tpu.vector_load %arg9[%get3A_230, %get3A_231] {strides = array<i32>} : memref<4x4096xf32, #tpu.memory_space<vmem>>, vector<1x16xf32>,
      %get3A_233 = vector.shape_cast %get3A_232 : vector<1x16xf32> to vector<16xf32>
      %mul3A_234 = arith.constant 16 : i32
      %mul3A_235 = arith.muli %add3A_212, %mul3A_234 : i32
      %get3A_236 = arith.constant 3 : i32
      %get3A_237 = arith.index_cast %get3A_236 : i32 to index
      %get3A_238 = arith.index_cast %mul3A_235 : i32 to index
      %get3A_239 = tpu.vector_load %arg9[%get3A_237, %get3A_238] {strides = array<i32>} : memref<4x4096xf32, #tpu.memory_space<vmem>>, vector<1x16xf32>,
      %get3A_240 = vector.shape_cast %get3A_239 : vector<1x16xf32> to vector<16xf32>
      %parallel_loop3A_241 = arith.constant 0 : i32
      %parallel_loop3A_242 = arith.constant 2048 : i32
      %parallel_loop3A_243 = arith.constant 16 : i32
      scf.for %parallel_loop3A_734 = %parallel_loop3A_241 to %parallel_loop3A_242 step %parallel_loop3A_243  : i32 {
        %parallel_loop3A_735 = arith.constant 0 : i32
        %parallel_loop3A_736 = arith.constant 3 : i32
        %parallel_loop3A_737 = arith.index_cast %parallel_loop3A_735 : i32 to index
        %parallel_loop3A_738 = arith.index_cast %parallel_loop3A_736 : i32 to index
        %parallel_loop3A_739 = arith.index_cast %parallel_loop3A_734 : i32 to index
        %parallel_loop3A_740 = tpu.vector_load %arg10[%parallel_loop3A_737, %parallel_loop3A_738, %parallel_loop3A_739] {strides = array<i32>} : memref<2x8x2048xf32, #tpu.memory_space<vmem>>, vector<1x1x16xf32>,
        %parallel_loop3A_741 = vector.shape_cast %parallel_loop3A_740 : vector<1x1x16xf32> to vector<16xf32>
        %parallel_loop3A_742 = arith.constant 0 : i32
        %parallel_loop3A_743 = arith.constant 3 : i32
        %parallel_loop3A_744 = arith.index_cast %parallel_loop3A_742 : i32 to index
        %parallel_loop3A_745 = arith.index_cast %parallel_loop3A_743 : i32 to index
        %parallel_loop3A_746 = arith.index_cast %parallel_loop3A_734 : i32 to index
        %parallel_loop3A_747 = tpu.vector_load %arg11[%parallel_loop3A_744, %parallel_loop3A_745, %parallel_loop3A_746] {strides = array<i32>} : memref<2x8x2048xf32, #tpu.memory_space<vmem>>, vector<1x1x16xf32>,
        %parallel_loop3A_748 = vector.shape_cast %parallel_loop3A_747 : vector<1x1x16xf32> to vector<16xf32>
        %parallel_loop3A_749 = arith.mulf %get3A_226, %parallel_loop3A_741 : vector<16xf32>
        %parallel_loop3A_750 = arith.addf %get3A_219, %parallel_loop3A_749 : vector<16xf32>
        %parallel_loop3A_751 = arith.mulf %get3A_240, %parallel_loop3A_741 : vector<16xf32>
        %parallel_loop3A_752 = arith.addf %get3A_233, %parallel_loop3A_751 : vector<16xf32>
        %parallel_loop3A_753 = arith.mulf %parallel_loop3A_752, %parallel_loop3A_748 : vector<16xf32>
        %parallel_loop3A_754 = arith.addf %parallel_loop3A_750, %parallel_loop3A_753 : vector<16xf32>
        %parallel_loop3A_755 = arith.constant 0 : i32
        %parallel_loop3A_756 = arith.constant 3 : i32
        %parallel_loop3A_757 = arith.index_cast %parallel_loop3A_755 : i32 to index
        %parallel_loop3A_758 = arith.index_cast %parallel_loop3A_756 : i32 to index
        %parallel_loop3A_759 = arith.index_cast %parallel_loop3A_734 : i32 to index
        %parallel_loop3A_760 = tpu.vector_load %arg12[%parallel_loop3A_757, %parallel_loop3A_758, %parallel_loop3A_759] {strides = array<i32>} : memref<2x8x2048xf32, #tpu.memory_space<vmem>>, vector<1x1x16xf32>,
        %parallel_loop3A_761 = vector.shape_cast %parallel_loop3A_760 : vector<1x1x16xf32> to vector<16xf32>
        %parallel_loop3A_762 = vector.shape_cast %parallel_loop3A_754 : vector<16xf32> to vector<1x1x16xf32>
        tpu.vector_store %arg12[%parallel_loop3A_757, %parallel_loop3A_758, %parallel_loop3A_759], %parallel_loop3A_762 {strides = array<i32>} : memref<2x8x2048xf32, #tpu.memory_space<vmem>>, vector<1x1x16xf32>,
      } {sc.loop_unroll_factor = 8 : i64, sc.parallel_access}
      %mul3A_244 = arith.constant 8 : i32
      %mul3A_245 = arith.muli %add3A_75, %mul3A_244 : i32
      %add3A_246 = arith.constant 4 : i32
      %add3A_247 = arith.addi %mul3A_245, %add3A_246 : i32
      %mul3A_248 = arith.constant 16 : i32
      %mul3A_249 = arith.muli %add3A_247, %mul3A_248 : i32
      %get3A_250 = arith.constant 0 : i32
      %get3A_251 = arith.index_cast %get3A_250 : i32 to index
      %get3A_252 = arith.index_cast %mul3A_249 : i32 to index
      %get3A_253 = tpu.vector_load %arg9[%get3A_251, %get3A_252] {strides = array<i32>} : memref<4x4096xf32, #tpu.memory_space<vmem>>, vector<1x16xf32>,
      %get3A_254 = vector.shape_cast %get3A_253 : vector<1x16xf32> to vector<16xf32>
      %mul3A_255 = arith.constant 16 : i32
      %mul3A_256 = arith.muli %add3A_247, %mul3A_255 : i32
      %get3A_257 = arith.constant 1 : i32
      %get3A_258 = arith.index_cast %get3A_257 : i32 to index
      %get3A_259 = arith.index_cast %mul3A_256 : i32 to index
      %get3A_260 = tpu.vector_load %arg9[%get3A_258, %get3A_259] {strides = array<i32>} : memref<4x4096xf32, #tpu.memory_space<vmem>>, vector<1x16xf32>,
      %get3A_261 = vector.shape_cast %get3A_260 : vector<1x16xf32> to vector<16xf32>
      %mul3A_262 = arith.constant 16 : i32
      %mul3A_263 = arith.muli %add3A_247, %mul3A_262 : i32
      %get3A_264 = arith.constant 2 : i32
      %get3A_265 = arith.index_cast %get3A_264 : i32 to index
      %get3A_266 = arith.index_cast %mul3A_263 : i32 to index
      %get3A_267 = tpu.vector_load %arg9[%get3A_265, %get3A_266] {strides = array<i32>} : memref<4x4096xf32, #tpu.memory_space<vmem>>, vector<1x16xf32>,
      %get3A_268 = vector.shape_cast %get3A_267 : vector<1x16xf32> to vector<16xf32>
      %mul3A_269 = arith.constant 16 : i32
      %mul3A_270 = arith.muli %add3A_247, %mul3A_269 : i32
      %get3A_271 = arith.constant 3 : i32
      %get3A_272 = arith.index_cast %get3A_271 : i32 to index
      %get3A_273 = arith.index_cast %mul3A_270 : i32 to index
      %get3A_274 = tpu.vector_load %arg9[%get3A_272, %get3A_273] {strides = array<i32>} : memref<4x4096xf32, #tpu.memory_space<vmem>>, vector<1x16xf32>,
      %get3A_275 = vector.shape_cast %get3A_274 : vector<1x16xf32> to vector<16xf32>
      %parallel_loop3A_276 = arith.constant 0 : i32
      %parallel_loop3A_277 = arith.constant 2048 : i32
      %parallel_loop3A_278 = arith.constant 16 : i32
      scf.for %parallel_loop3A_734 = %parallel_loop3A_276 to %parallel_loop3A_277 step %parallel_loop3A_278  : i32 {
        %parallel_loop3A_735 = arith.constant 0 : i32
        %parallel_loop3A_736 = arith.constant 4 : i32
        %parallel_loop3A_737 = arith.index_cast %parallel_loop3A_735 : i32 to index
        %parallel_loop3A_738 = arith.index_cast %parallel_loop3A_736 : i32 to index
        %parallel_loop3A_739 = arith.index_cast %parallel_loop3A_734 : i32 to index
        %parallel_loop3A_740 = tpu.vector_load %arg10[%parallel_loop3A_737, %parallel_loop3A_738, %parallel_loop3A_739] {strides = array<i32>} : memref<2x8x2048xf32, #tpu.memory_space<vmem>>, vector<1x1x16xf32>,
        %parallel_loop3A_741 = vector.shape_cast %parallel_loop3A_740 : vector<1x1x16xf32> to vector<16xf32>
        %parallel_loop3A_742 = arith.constant 0 : i32
        %parallel_loop3A_743 = arith.constant 4 : i32
        %parallel_loop3A_744 = arith.index_cast %parallel_loop3A_742 : i32 to index
        %parallel_loop3A_745 = arith.index_cast %parallel_loop3A_743 : i32 to index
        %parallel_loop3A_746 = arith.index_cast %parallel_loop3A_734 : i32 to index
        %parallel_loop3A_747 = tpu.vector_load %arg11[%parallel_loop3A_744, %parallel_loop3A_745, %parallel_loop3A_746] {strides = array<i32>} : memref<2x8x2048xf32, #tpu.memory_space<vmem>>, vector<1x1x16xf32>,
        %parallel_loop3A_748 = vector.shape_cast %parallel_loop3A_747 : vector<1x1x16xf32> to vector<16xf32>
        %parallel_loop3A_749 = arith.mulf %get3A_261, %parallel_loop3A_741 : vector<16xf32>
        %parallel_loop3A_750 = arith.addf %get3A_254, %parallel_loop3A_749 : vector<16xf32>
        %parallel_loop3A_751 = arith.mulf %get3A_275, %parallel_loop3A_741 : vector<16xf32>
        %parallel_loop3A_752 = arith.addf %get3A_268, %parallel_loop3A_751 : vector<16xf32>
        %parallel_loop3A_753 = arith.mulf %parallel_loop3A_752, %parallel_loop3A_748 : vector<16xf32>
        %parallel_loop3A_754 = arith.addf %parallel_loop3A_750, %parallel_loop3A_753 : vector<16xf32>
        %parallel_loop3A_755 = arith.constant 0 : i32
        %parallel_loop3A_756 = arith.constant 4 : i32
        %parallel_loop3A_757 = arith.index_cast %parallel_loop3A_755 : i32 to index
        %parallel_loop3A_758 = arith.index_cast %parallel_loop3A_756 : i32 to index
        %parallel_loop3A_759 = arith.index_cast %parallel_loop3A_734 : i32 to index
        %parallel_loop3A_760 = tpu.vector_load %arg12[%parallel_loop3A_757, %parallel_loop3A_758, %parallel_loop3A_759] {strides = array<i32>} : memref<2x8x2048xf32, #tpu.memory_space<vmem>>, vector<1x1x16xf32>,
        %parallel_loop3A_761 = vector.shape_cast %parallel_loop3A_760 : vector<1x1x16xf32> to vector<16xf32>
        %parallel_loop3A_762 = vector.shape_cast %parallel_loop3A_754 : vector<16xf32> to vector<1x1x16xf32>
        tpu.vector_store %arg12[%parallel_loop3A_757, %parallel_loop3A_758, %parallel_loop3A_759], %parallel_loop3A_762 {strides = array<i32>} : memref<2x8x2048xf32, #tpu.memory_space<vmem>>, vector<1x1x16xf32>,
      } {sc.loop_unroll_factor = 8 : i64, sc.parallel_access}
      %mul3A_279 = arith.constant 8 : i32
      %mul3A_280 = arith.muli %add3A_75, %mul3A_279 : i32
      %add3A_281 = arith.constant 5 : i32
      %add3A_282 = arith.addi %mul3A_280, %add3A_281 : i32
      %mul3A_283 = arith.constant 16 : i32
      %mul3A_284 = arith.muli %add3A_282, %mul3A_283 : i32
      %get3A_285 = arith.constant 0 : i32
      %get3A_286 = arith.index_cast %get3A_285 : i32 to index
      %get3A_287 = arith.index_cast %mul3A_284 : i32 to index
      %get3A_288 = tpu.vector_load %arg9[%get3A_286, %get3A_287] {strides = array<i32>} : memref<4x4096xf32, #tpu.memory_space<vmem>>, vector<1x16xf32>,
      %get3A_289 = vector.shape_cast %get3A_288 : vector<1x16xf32> to vector<16xf32>
      %mul3A_290 = arith.constant 16 : i32
      %mul3A_291 = arith.muli %add3A_282, %mul3A_290 : i32
      %get3A_292 = arith.constant 1 : i32
      %get3A_293 = arith.index_cast %get3A_292 : i32 to index
      %get3A_294 = arith.index_cast %mul3A_291 : i32 to index
      %get3A_295 = tpu.vector_load %arg9[%get3A_293, %get3A_294] {strides = array<i32>} : memref<4x4096xf32, #tpu.memory_space<vmem>>, vector<1x16xf32>,
      %get3A_296 = vector.shape_cast %get3A_295 : vector<1x16xf32> to vector<16xf32>
      %mul3A_297 = arith.constant 16 : i32
      %mul3A_298 = arith.muli %add3A_282, %mul3A_297 : i32
      %get3A_299 = arith.constant 2 : i32
      %get3A_300 = arith.index_cast %get3A_299 : i32 to index
      %get3A_301 = arith.index_cast %mul3A_298 : i32 to index
      %get3A_302 = tpu.vector_load %arg9[%get3A_300, %get3A_301] {strides = array<i32>} : memref<4x4096xf32, #tpu.memory_space<vmem>>, vector<1x16xf32>,
      %get3A_303 = vector.shape_cast %get3A_302 : vector<1x16xf32> to vector<16xf32>
      %mul3A_304 = arith.constant 16 : i32
      %mul3A_305 = arith.muli %add3A_282, %mul3A_304 : i32
      %get3A_306 = arith.constant 3 : i32
      %get3A_307 = arith.index_cast %get3A_306 : i32 to index
      %get3A_308 = arith.index_cast %mul3A_305 : i32 to index
      %get3A_309 = tpu.vector_load %arg9[%get3A_307, %get3A_308] {strides = array<i32>} : memref<4x4096xf32, #tpu.memory_space<vmem>>, vector<1x16xf32>,
      %get3A_310 = vector.shape_cast %get3A_309 : vector<1x16xf32> to vector<16xf32>
      %parallel_loop3A_311 = arith.constant 0 : i32
      %parallel_loop3A_312 = arith.constant 2048 : i32
      %parallel_loop3A_313 = arith.constant 16 : i32
      scf.for %parallel_loop3A_734 = %parallel_loop3A_311 to %parallel_loop3A_312 step %parallel_loop3A_313  : i32 {
        %parallel_loop3A_735 = arith.constant 0 : i32
        %parallel_loop3A_736 = arith.constant 5 : i32
        %parallel_loop3A_737 = arith.index_cast %parallel_loop3A_735 : i32 to index
        %parallel_loop3A_738 = arith.index_cast %parallel_loop3A_736 : i32 to index
        %parallel_loop3A_739 = arith.index_cast %parallel_loop3A_734 : i32 to index
        %parallel_loop3A_740 = tpu.vector_load %arg10[%parallel_loop3A_737, %parallel_loop3A_738, %parallel_loop3A_739] {strides = array<i32>} : memref<2x8x2048xf32, #tpu.memory_space<vmem>>, vector<1x1x16xf32>,
        %parallel_loop3A_741 = vector.shape_cast %parallel_loop3A_740 : vector<1x1x16xf32> to vector<16xf32>
        %parallel_loop3A_742 = arith.constant 0 : i32
        %parallel_loop3A_743 = arith.constant 5 : i32
        %parallel_loop3A_744 = arith.index_cast %parallel_loop3A_742 : i32 to index
        %parallel_loop3A_745 = arith.index_cast %parallel_loop3A_743 : i32 to index
        %parallel_loop3A_746 = arith.index_cast %parallel_loop3A_734 : i32 to index
        %parallel_loop3A_747 = tpu.vector_load %arg11[%parallel_loop3A_744, %parallel_loop3A_745, %parallel_loop3A_746] {strides = array<i32>} : memref<2x8x2048xf32, #tpu.memory_space<vmem>>, vector<1x1x16xf32>,
        %parallel_loop3A_748 = vector.shape_cast %parallel_loop3A_747 : vector<1x1x16xf32> to vector<16xf32>
        %parallel_loop3A_749 = arith.mulf %get3A_296, %parallel_loop3A_741 : vector<16xf32>
        %parallel_loop3A_750 = arith.addf %get3A_289, %parallel_loop3A_749 : vector<16xf32>
        %parallel_loop3A_751 = arith.mulf %get3A_310, %parallel_loop3A_741 : vector<16xf32>
        %parallel_loop3A_752 = arith.addf %get3A_303, %parallel_loop3A_751 : vector<16xf32>
        %parallel_loop3A_753 = arith.mulf %parallel_loop3A_752, %parallel_loop3A_748 : vector<16xf32>
        %parallel_loop3A_754 = arith.addf %parallel_loop3A_750, %parallel_loop3A_753 : vector<16xf32>
        %parallel_loop3A_755 = arith.constant 0 : i32
        %parallel_loop3A_756 = arith.constant 5 : i32
        %parallel_loop3A_757 = arith.index_cast %parallel_loop3A_755 : i32 to index
        %parallel_loop3A_758 = arith.index_cast %parallel_loop3A_756 : i32 to index
        %parallel_loop3A_759 = arith.index_cast %parallel_loop3A_734 : i32 to index
        %parallel_loop3A_760 = tpu.vector_load %arg12[%parallel_loop3A_757, %parallel_loop3A_758, %parallel_loop3A_759] {strides = array<i32>} : memref<2x8x2048xf32, #tpu.memory_space<vmem>>, vector<1x1x16xf32>,
        %parallel_loop3A_761 = vector.shape_cast %parallel_loop3A_760 : vector<1x1x16xf32> to vector<16xf32>
        %parallel_loop3A_762 = vector.shape_cast %parallel_loop3A_754 : vector<16xf32> to vector<1x1x16xf32>
        tpu.vector_store %arg12[%parallel_loop3A_757, %parallel_loop3A_758, %parallel_loop3A_759], %parallel_loop3A_762 {strides = array<i32>} : memref<2x8x2048xf32, #tpu.memory_space<vmem>>, vector<1x1x16xf32>,
      } {sc.loop_unroll_factor = 8 : i64, sc.parallel_access}
      %mul3A_314 = arith.constant 8 : i32
      %mul3A_315 = arith.muli %add3A_75, %mul3A_314 : i32
      %add3A_316 = arith.constant 6 : i32
      %add3A_317 = arith.addi %mul3A_315, %add3A_316 : i32
      %mul3A_318 = arith.constant 16 : i32
      %mul3A_319 = arith.muli %add3A_317, %mul3A_318 : i32
      %get3A_320 = arith.constant 0 : i32
      %get3A_321 = arith.index_cast %get3A_320 : i32 to index
      %get3A_322 = arith.index_cast %mul3A_319 : i32 to index
      %get3A_323 = tpu.vector_load %arg9[%get3A_321, %get3A_322] {strides = array<i32>} : memref<4x4096xf32, #tpu.memory_space<vmem>>, vector<1x16xf32>,
      %get3A_324 = vector.shape_cast %get3A_323 : vector<1x16xf32> to vector<16xf32>
      %mul3A_325 = arith.constant 16 : i32
      %mul3A_326 = arith.muli %add3A_317, %mul3A_325 : i32
      %get3A_327 = arith.constant 1 : i32
      %get3A_328 = arith.index_cast %get3A_327 : i32 to index
      %get3A_329 = arith.index_cast %mul3A_326 : i32 to index
      %get3A_330 = tpu.vector_load %arg9[%get3A_328, %get3A_329] {strides = array<i32>} : memref<4x4096xf32, #tpu.memory_space<vmem>>, vector<1x16xf32>,
      %get3A_331 = vector.shape_cast %get3A_330 : vector<1x16xf32> to vector<16xf32>
      %mul3A_332 = arith.constant 16 : i32
      %mul3A_333 = arith.muli %add3A_317, %mul3A_332 : i32
      %get3A_334 = arith.constant 2 : i32
      %get3A_335 = arith.index_cast %get3A_334 : i32 to index
      %get3A_336 = arith.index_cast %mul3A_333 : i32 to index
      %get3A_337 = tpu.vector_load %arg9[%get3A_335, %get3A_336] {strides = array<i32>} : memref<4x4096xf32, #tpu.memory_space<vmem>>, vector<1x16xf32>,
      %get3A_338 = vector.shape_cast %get3A_337 : vector<1x16xf32> to vector<16xf32>
      %mul3A_339 = arith.constant 16 : i32
      %mul3A_340 = arith.muli %add3A_317, %mul3A_339 : i32
      %get3A_341 = arith.constant 3 : i32
      %get3A_342 = arith.index_cast %get3A_341 : i32 to index
      %get3A_343 = arith.index_cast %mul3A_340 : i32 to index
      %get3A_344 = tpu.vector_load %arg9[%get3A_342, %get3A_343] {strides = array<i32>} : memref<4x4096xf32, #tpu.memory_space<vmem>>, vector<1x16xf32>,
      %get3A_345 = vector.shape_cast %get3A_344 : vector<1x16xf32> to vector<16xf32>
      %parallel_loop3A_346 = arith.constant 0 : i32
      %parallel_loop3A_347 = arith.constant 2048 : i32
      %parallel_loop3A_348 = arith.constant 16 : i32
      scf.for %parallel_loop3A_734 = %parallel_loop3A_346 to %parallel_loop3A_347 step %parallel_loop3A_348  : i32 {
        %parallel_loop3A_735 = arith.constant 0 : i32
        %parallel_loop3A_736 = arith.constant 6 : i32
        %parallel_loop3A_737 = arith.index_cast %parallel_loop3A_735 : i32 to index
        %parallel_loop3A_738 = arith.index_cast %parallel_loop3A_736 : i32 to index
        %parallel_loop3A_739 = arith.index_cast %parallel_loop3A_734 : i32 to index
        %parallel_loop3A_740 = tpu.vector_load %arg10[%parallel_loop3A_737, %parallel_loop3A_738, %parallel_loop3A_739] {strides = array<i32>} : memref<2x8x2048xf32, #tpu.memory_space<vmem>>, vector<1x1x16xf32>,
        %parallel_loop3A_741 = vector.shape_cast %parallel_loop3A_740 : vector<1x1x16xf32> to vector<16xf32>
        %parallel_loop3A_742 = arith.constant 0 : i32
        %parallel_loop3A_743 = arith.constant 6 : i32
        %parallel_loop3A_744 = arith.index_cast %parallel_loop3A_742 : i32 to index
        %parallel_loop3A_745 = arith.index_cast %parallel_loop3A_743 : i32 to index
        %parallel_loop3A_746 = arith.index_cast %parallel_loop3A_734 : i32 to index
        %parallel_loop3A_747 = tpu.vector_load %arg11[%parallel_loop3A_744, %parallel_loop3A_745, %parallel_loop3A_746] {strides = array<i32>} : memref<2x8x2048xf32, #tpu.memory_space<vmem>>, vector<1x1x16xf32>,
        %parallel_loop3A_748 = vector.shape_cast %parallel_loop3A_747 : vector<1x1x16xf32> to vector<16xf32>
        %parallel_loop3A_749 = arith.mulf %get3A_331, %parallel_loop3A_741 : vector<16xf32>
        %parallel_loop3A_750 = arith.addf %get3A_324, %parallel_loop3A_749 : vector<16xf32>
        %parallel_loop3A_751 = arith.mulf %get3A_345, %parallel_loop3A_741 : vector<16xf32>
        %parallel_loop3A_752 = arith.addf %get3A_338, %parallel_loop3A_751 : vector<16xf32>
        %parallel_loop3A_753 = arith.mulf %parallel_loop3A_752, %parallel_loop3A_748 : vector<16xf32>
        %parallel_loop3A_754 = arith.addf %parallel_loop3A_750, %parallel_loop3A_753 : vector<16xf32>
        %parallel_loop3A_755 = arith.constant 0 : i32
        %parallel_loop3A_756 = arith.constant 6 : i32
        %parallel_loop3A_757 = arith.index_cast %parallel_loop3A_755 : i32 to index
        %parallel_loop3A_758 = arith.index_cast %parallel_loop3A_756 : i32 to index
        %parallel_loop3A_759 = arith.index_cast %parallel_loop3A_734 : i32 to index
        %parallel_loop3A_760 = tpu.vector_load %arg12[%parallel_loop3A_757, %parallel_loop3A_758, %parallel_loop3A_759] {strides = array<i32>} : memref<2x8x2048xf32, #tpu.memory_space<vmem>>, vector<1x1x16xf32>,
        %parallel_loop3A_761 = vector.shape_cast %parallel_loop3A_760 : vector<1x1x16xf32> to vector<16xf32>
        %parallel_loop3A_762 = vector.shape_cast %parallel_loop3A_754 : vector<16xf32> to vector<1x1x16xf32>
        tpu.vector_store %arg12[%parallel_loop3A_757, %parallel_loop3A_758, %parallel_loop3A_759], %parallel_loop3A_762 {strides = array<i32>} : memref<2x8x2048xf32, #tpu.memory_space<vmem>>, vector<1x1x16xf32>,
      } {sc.loop_unroll_factor = 8 : i64, sc.parallel_access}
      %mul3A_349 = arith.constant 8 : i32
      %mul3A_350 = arith.muli %add3A_75, %mul3A_349 : i32
      %add3A_351 = arith.constant 7 : i32
      %add3A_352 = arith.addi %mul3A_350, %add3A_351 : i32
      %mul3A_353 = arith.constant 16 : i32
      %mul3A_354 = arith.muli %add3A_352, %mul3A_353 : i32
      %get3A_355 = arith.constant 0 : i32
      %get3A_356 = arith.index_cast %get3A_355 : i32 to index
      %get3A_357 = arith.index_cast %mul3A_354 : i32 to index
      %get3A_358 = tpu.vector_load %arg9[%get3A_356, %get3A_357] {strides = array<i32>} : memref<4x4096xf32, #tpu.memory_space<vmem>>, vector<1x16xf32>,
      %get3A_359 = vector.shape_cast %get3A_358 : vector<1x16xf32> to vector<16xf32>
      %mul3A_360 = arith.constant 16 : i32
      %mul3A_361 = arith.muli %add3A_352, %mul3A_360 : i32
      %get3A_362 = arith.constant 1 : i32
      %get3A_363 = arith.index_cast %get3A_362 : i32 to index
      %get3A_364 = arith.index_cast %mul3A_361 : i32 to index
      %get3A_365 = tpu.vector_load %arg9[%get3A_363, %get3A_364] {strides = array<i32>} : memref<4x4096xf32, #tpu.memory_space<vmem>>, vector<1x16xf32>,
      %get3A_366 = vector.shape_cast %get3A_365 : vector<1x16xf32> to vector<16xf32>
      %mul3A_367 = arith.constant 16 : i32
      %mul3A_368 = arith.muli %add3A_352, %mul3A_367 : i32
      %get3A_369 = arith.constant 2 : i32
      %get3A_370 = arith.index_cast %get3A_369 : i32 to index
      %get3A_371 = arith.index_cast %mul3A_368 : i32 to index
      %get3A_372 = tpu.vector_load %arg9[%get3A_370, %get3A_371] {strides = array<i32>} : memref<4x4096xf32, #tpu.memory_space<vmem>>, vector<1x16xf32>,
      %get3A_373 = vector.shape_cast %get3A_372 : vector<1x16xf32> to vector<16xf32>
      %mul3A_374 = arith.constant 16 : i32
      %mul3A_375 = arith.muli %add3A_352, %mul3A_374 : i32
      %get3A_376 = arith.constant 3 : i32
      %get3A_377 = arith.index_cast %get3A_376 : i32 to index
      %get3A_378 = arith.index_cast %mul3A_375 : i32 to index
      %get3A_379 = tpu.vector_load %arg9[%get3A_377, %get3A_378] {strides = array<i32>} : memref<4x4096xf32, #tpu.memory_space<vmem>>, vector<1x16xf32>,
      %get3A_380 = vector.shape_cast %get3A_379 : vector<1x16xf32> to vector<16xf32>
      %parallel_loop3A_381 = arith.constant 0 : i32
      %parallel_loop3A_382 = arith.constant 2048 : i32
      %parallel_loop3A_383 = arith.constant 16 : i32
      scf.for %parallel_loop3A_734 = %parallel_loop3A_381 to %parallel_loop3A_382 step %parallel_loop3A_383  : i32 {
        %parallel_loop3A_735 = arith.constant 0 : i32
        %parallel_loop3A_736 = arith.constant 7 : i32
        %parallel_loop3A_737 = arith.index_cast %parallel_loop3A_735 : i32 to index
        %parallel_loop3A_738 = arith.index_cast %parallel_loop3A_736 : i32 to index
        %parallel_loop3A_739 = arith.index_cast %parallel_loop3A_734 : i32 to index
        %parallel_loop3A_740 = tpu.vector_load %arg10[%parallel_loop3A_737, %parallel_loop3A_738, %parallel_loop3A_739] {strides = array<i32>} : memref<2x8x2048xf32, #tpu.memory_space<vmem>>, vector<1x1x16xf32>,
        %parallel_loop3A_741 = vector.shape_cast %parallel_loop3A_740 : vector<1x1x16xf32> to vector<16xf32>
        %parallel_loop3A_742 = arith.constant 0 : i32
        %parallel_loop3A_743 = arith.constant 7 : i32
        %parallel_loop3A_744 = arith.index_cast %parallel_loop3A_742 : i32 to index
        %parallel_loop3A_745 = arith.index_cast %parallel_loop3A_743 : i32 to index
        %parallel_loop3A_746 = arith.index_cast %parallel_loop3A_734 : i32 to index
        %parallel_loop3A_747 = tpu.vector_load %arg11[%parallel_loop3A_744, %parallel_loop3A_745, %parallel_loop3A_746] {strides = array<i32>} : memref<2x8x2048xf32, #tpu.memory_space<vmem>>, vector<1x1x16xf32>,
        %parallel_loop3A_748 = vector.shape_cast %parallel_loop3A_747 : vector<1x1x16xf32> to vector<16xf32>
        %parallel_loop3A_749 = arith.mulf %get3A_366, %parallel_loop3A_741 : vector<16xf32>
        %parallel_loop3A_750 = arith.addf %get3A_359, %parallel_loop3A_749 : vector<16xf32>
        %parallel_loop3A_751 = arith.mulf %get3A_380, %parallel_loop3A_741 : vector<16xf32>
        %parallel_loop3A_752 = arith.addf %get3A_373, %parallel_loop3A_751 : vector<16xf32>
        %parallel_loop3A_753 = arith.mulf %parallel_loop3A_752, %parallel_loop3A_748 : vector<16xf32>
        %parallel_loop3A_754 = arith.addf %parallel_loop3A_750, %parallel_loop3A_753 : vector<16xf32>
        %parallel_loop3A_755 = arith.constant 0 : i32
        %parallel_loop3A_756 = arith.constant 7 : i32
        %parallel_loop3A_757 = arith.index_cast %parallel_loop3A_755 : i32 to index
        %parallel_loop3A_758 = arith.index_cast %parallel_loop3A_756 : i32 to index
        %parallel_loop3A_759 = arith.index_cast %parallel_loop3A_734 : i32 to index
        %parallel_loop3A_760 = tpu.vector_load %arg12[%parallel_loop3A_757, %parallel_loop3A_758, %parallel_loop3A_759] {strides = array<i32>} : memref<2x8x2048xf32, #tpu.memory_space<vmem>>, vector<1x1x16xf32>,
        %parallel_loop3A_761 = vector.shape_cast %parallel_loop3A_760 : vector<1x1x16xf32> to vector<16xf32>
        %parallel_loop3A_762 = vector.shape_cast %parallel_loop3A_754 : vector<16xf32> to vector<1x1x16xf32>
        tpu.vector_store %arg12[%parallel_loop3A_757, %parallel_loop3A_758, %parallel_loop3A_759], %parallel_loop3A_762 {strides = array<i32>} : memref<2x8x2048xf32, #tpu.memory_space<vmem>>, vector<1x1x16xf32>,
      } {sc.loop_unroll_factor = 8 : i64, sc.parallel_access}
      %mul3A_384 = arith.constant 8 : i32
      %mul3A_385 = arith.muli %add3A_75, %mul3A_384 : i32
      %add3A_386 = arith.addi %mul3A_2, %mul3A_385 : i32
      %dma_start3A_387 = arith.constant 0 : i32
      %dma_start3A_388 = arith.constant 0 : i32
      %dma_start3A_389 = arith.constant 0 : i32
      %dma_start3A_390 = tpu.memref_slice %arg12[%dma_start3A_387, %dma_start3A_388, %dma_start3A_389] : memref<2x8x2048xf32, #tpu.memory_space<vmem>> -> memref<1x8x2048xf32, #tpu.memory_space<vmem>>
      %dma_start3A_391 = tpu.memref_squeeze %dma_start3A_390 : memref<1x8x2048xf32, #tpu.memory_space<vmem>> -> memref<8x2048xf32, #tpu.memory_space<vmem>>
      %dma_start3A_392 = arith.constant 0 : i32
      %dma_start3A_393 = tpu.memref_slice %arg6[%add3A_386, %dma_start3A_392] : memref<8192x2048xf32, #tpu.memory_space<hbm>> -> memref<8x2048xf32, #tpu.memory_space<hbm>>
      %dma_start3A_394 = arith.constant 0 : i32
      %dma_start3A_395 = tpu.memref_slice %arg6[%add3A_386, %dma_start3A_394] : memref<8192x2048xf32, #tpu.memory_space<hbm>> -> memref<8x2048xf32, #tpu.memory_space<hbm>>
      %dma_start3A_396 = arith.constant 0 : i32
      %dma_start3A_397 = arith.constant 0 : i32
      %dma_start3A_398 = tpu.memref_slice %arg12[%dma_start3A_387, %dma_start3A_396, %dma_start3A_397] : memref<2x8x2048xf32, #tpu.memory_space<vmem>> -> memref<1x8x2048xf32, #tpu.memory_space<vmem>>
      %dma_start3A_399 = tpu.memref_squeeze %dma_start3A_398 : memref<1x8x2048xf32, #tpu.memory_space<vmem>> -> memref<8x2048xf32, #tpu.memory_space<vmem>>
      tpu.enqueue_dma source(%dma_start3A_399 : memref<8x2048xf32, #tpu.memory_space<vmem>>) target(%dma_start3A_395 : memref<8x2048xf32, #tpu.memory_space<hbm>>) target_semaphore(%arg15 : memref<!tpu.dma_semaphore, #tpu.memory_space<semaphore_mem>>)
      %mul3A_400 = arith.constant 2 : i32
      %mul3A_401 = arith.muli %mul3A_400, %scan3A_71 : i32
      %add3A_402 = arith.constant 1 : i32
      %add3A_403 = arith.addi %mul3A_401, %add3A_402 : i32
      %mul3A_404 = arith.constant 8 : i32
      %mul3A_405 = arith.muli %add3A_403, %mul3A_404 : i32
      %mul3A_406 = arith.constant 8 : i32
      %mul3A_407 = arith.muli %add3A_403, %mul3A_406 : i32
      %dma_wait3A_408 = arith.constant 1 : i32
      %dma_wait3A_409 = arith.constant 0 : i32
      %dma_wait3A_410 = arith.constant 0 : i32
      %dma_wait3A_411 = tpu.memref_slice %arg10[%dma_wait3A_408, %dma_wait3A_409, %dma_wait3A_410] : memref<2x8x2048xf32, #tpu.memory_space<vmem>> -> memref<1x8x2048xf32, #tpu.memory_space<vmem>>
      %dma_wait3A_412 = tpu.memref_squeeze %dma_wait3A_411 : memref<1x8x2048xf32, #tpu.memory_space<vmem>> -> memref<8x2048xf32, #tpu.memory_space<vmem>>
      %dma_wait3A_413 = tpu.memref_slice %arg7[%mul3A_405] : memref<256xi32, #tpu.memory_space<vmem>> -> memref<8xi32, #tpu.memory_space<vmem>>
      %dma_wait3A_414 = arith.constant 0 : i32
      %dma_wait3A_415 = arith.constant 0 : i32
      %dma_wait3A_416 = tpu.memref_slice %arg2[%dma_wait3A_414, %dma_wait3A_415] : memref<8192x2048xf32, #tpu.memory_space<hbm>> -> memref<8192x2048xf32, #tpu.memory_space<hbm>>
      tpu.wait_indirect_dma semaphore(%arg13 : memref<!tpu.dma_semaphore, #tpu.memory_space<semaphore_mem>>) src(%dma_wait3A_416 : memref<8192x2048xf32, #tpu.memory_space<hbm>>) dst(%dma_wait3A_412 : memref<8x2048xf32, #tpu.memory_space<vmem>>)
      %dma_wait3A_417 = arith.constant 1 : i32
      %dma_wait3A_418 = arith.constant 0 : i32
      %dma_wait3A_419 = arith.constant 0 : i32
      %dma_wait3A_420 = tpu.memref_slice %arg11[%dma_wait3A_417, %dma_wait3A_418, %dma_wait3A_419] : memref<2x8x2048xf32, #tpu.memory_space<vmem>> -> memref<1x8x2048xf32, #tpu.memory_space<vmem>>
      %dma_wait3A_421 = tpu.memref_squeeze %dma_wait3A_420 : memref<1x8x2048xf32, #tpu.memory_space<vmem>> -> memref<8x2048xf32, #tpu.memory_space<vmem>>
      %dma_wait3A_422 = tpu.memref_slice %arg8[%mul3A_407] : memref<256xi32, #tpu.memory_space<vmem>> -> memref<8xi32, #tpu.memory_space<vmem>>
      %dma_wait3A_423 = arith.constant 0 : i32
      %dma_wait3A_424 = arith.constant 0 : i32
      %dma_wait3A_425 = tpu.memref_slice %arg2[%dma_wait3A_423, %dma_wait3A_424] : memref<8192x2048xf32, #tpu.memory_space<hbm>> -> memref<8192x2048xf32, #tpu.memory_space<hbm>>
      tpu.wait_indirect_dma semaphore(%arg14 : memref<!tpu.dma_semaphore, #tpu.memory_space<semaphore_mem>>) src(%dma_wait3A_425 : memref<8192x2048xf32, #tpu.memory_space<hbm>>) dst(%dma_wait3A_421 : memref<8x2048xf32, #tpu.memory_space<vmem>>)
      %add3A_426 = arith.constant 1 : i32
      %add3A_427 = arith.addi %add3A_403, %add3A_426 : i32
      %lt3A_428 = arith.constant 32 : i32
      %lt3A_429 = arith.cmpi slt, %add3A_427, %lt3A_428 : i32
      %convert_element_type3A_430 = arith.extui %lt3A_429 : i1 to i32
      %cond3A_431 = arith.constant 0 : i32
      %cond3A_432 = arith.cmpi ne, %convert_element_type3A_430, %cond3A_431 : i32
      scf.if %cond3A_432 {
        %add3A_734 = arith.constant 1 : i32
        %add3A_735 = arith.addi %add3A_403, %add3A_734 : i32
        %mul3A_736 = arith.constant 8 : i32
        %mul3A_737 = arith.muli %add3A_735, %mul3A_736 : i32
        %mul3A_738 = arith.constant 8 : i32
        %mul3A_739 = arith.muli %add3A_735, %mul3A_738 : i32
        %dma_start3A_740 = arith.constant 0 : i32
        %dma_start3A_741 = arith.constant 0 : i32
        %dma_start3A_742 = arith.constant 0 : i32
        %dma_start3A_743 = tpu.memref_slice %arg10[%dma_start3A_740, %dma_start3A_741, %dma_start3A_742] : memref<2x8x2048xf32, #tpu.memory_space<vmem>> -> memref<1x8x2048xf32, #tpu.memory_space<vmem>>
        %dma_start3A_744 = tpu.memref_squeeze %dma_start3A_743 : memref<1x8x2048xf32, #tpu.memory_space<vmem>> -> memref<8x2048xf32, #tpu.memory_space<vmem>>
        %dma_start3A_745 = tpu.memref_slice %arg7[%mul3A_737] : memref<256xi32, #tpu.memory_space<vmem>> -> memref<8xi32, #tpu.memory_space<vmem>>
        %dma_start3A_746 = arith.constant 0 : i32
        %dma_start3A_747 = arith.constant 0 : i32
        %dma_start3A_748 = tpu.memref_slice %arg2[%dma_start3A_746, %dma_start3A_747] : memref<8192x2048xf32, #tpu.memory_space<hbm>> -> memref<8192x2048xf32, #tpu.memory_space<hbm>>
        tpu.enqueue_indirect_dma source(%dma_start3A_748 : memref<8192x2048xf32, #tpu.memory_space<hbm>>) target(%dma_start3A_744 : memref<8x2048xf32, #tpu.memory_space<vmem>>) offsets(%dma_start3A_745 : memref<8xi32, #tpu.memory_space<vmem>>) semaphore(%arg13 : memref<!tpu.dma_semaphore, #tpu.memory_space<semaphore_mem>>)
        %dma_start3A_749 = arith.constant 0 : i32
        %dma_start3A_750 = arith.constant 0 : i32
        %dma_start3A_751 = arith.constant 0 : i32
        %dma_start3A_752 = tpu.memref_slice %arg11[%dma_start3A_749, %dma_start3A_750, %dma_start3A_751] : memref<2x8x2048xf32, #tpu.memory_space<vmem>> -> memref<1x8x2048xf32, #tpu.memory_space<vmem>>
        %dma_start3A_753 = tpu.memref_squeeze %dma_start3A_752 : memref<1x8x2048xf32, #tpu.memory_space<vmem>> -> memref<8x2048xf32, #tpu.memory_space<vmem>>
        %dma_start3A_754 = tpu.memref_slice %arg8[%mul3A_739] : memref<256xi32, #tpu.memory_space<vmem>> -> memref<8xi32, #tpu.memory_space<vmem>>
        %dma_start3A_755 = arith.constant 0 : i32
        %dma_start3A_756 = arith.constant 0 : i32
        %dma_start3A_757 = tpu.memref_slice %arg2[%dma_start3A_755, %dma_start3A_756] : memref<8192x2048xf32, #tpu.memory_space<hbm>> -> memref<8192x2048xf32, #tpu.memory_space<hbm>>
        tpu.enqueue_indirect_dma source(%dma_start3A_757 : memref<8192x2048xf32, #tpu.memory_space<hbm>>) target(%dma_start3A_753 : memref<8x2048xf32, #tpu.memory_space<vmem>>) offsets(%dma_start3A_754 : memref<8xi32, #tpu.memory_space<vmem>>) semaphore(%arg14 : memref<!tpu.dma_semaphore, #tpu.memory_space<semaphore_mem>>)
      } else {
      }
      %ge3A_433 = arith.constant 2 : i32
      %ge3A_434 = arith.cmpi sge, %add3A_403, %ge3A_433 : i32
      %convert_element_type3A_435 = arith.extui %ge3A_434 : i1 to i32
      %cond3A_436 = arith.constant 0 : i32
      %cond3A_437 = arith.cmpi ne, %convert_element_type3A_435, %cond3A_436 : i32
      scf.if %cond3A_437 {
        %sub3A = arith.constant 2 : i32
        %sub3A_734 = arith.subi %add3A_403, %sub3A : i32
        %mul3A_735 = arith.constant 8 : i32
        %mul3A_736 = arith.muli %sub3A_734, %mul3A_735 : i32
        %add3A_737 = arith.addi %mul3A_2, %mul3A_736 : i32
        %dma_wait3A_738 = arith.constant 1 : i32
        %dma_wait3A_739 = arith.constant 0 : i32
        %dma_wait3A_740 = arith.constant 0 : i32
        %dma_wait3A_741 = tpu.memref_slice %arg12[%dma_wait3A_738, %dma_wait3A_739, %dma_wait3A_740] : memref<2x8x2048xf32, #tpu.memory_space<vmem>> -> memref<1x8x2048xf32, #tpu.memory_space<vmem>>
        %dma_wait3A_742 = tpu.memref_squeeze %dma_wait3A_741 : memref<1x8x2048xf32, #tpu.memory_space<vmem>> -> memref<8x2048xf32, #tpu.memory_space<vmem>>
        %dma_wait3A_743 = arith.constant 0 : i32
        %dma_wait3A_744 = tpu.memref_slice %arg6[%add3A_737, %dma_wait3A_743] : memref<8192x2048xf32, #tpu.memory_space<hbm>> -> memref<8x2048xf32, #tpu.memory_space<hbm>>
        %dma_wait3A_745 = arith.constant 0 : i32
        %dma_wait3A_746 = tpu.memref_slice %arg6[%add3A_737, %dma_wait3A_745] : memref<8192x2048xf32, #tpu.memory_space<hbm>> -> memref<8x2048xf32, #tpu.memory_space<hbm>>
        %dma_wait3A_747 = arith.constant 0 : i32
        %dma_wait3A_748 = arith.constant 0 : i32
        %dma_wait3A_749 = tpu.memref_slice %arg12[%dma_wait3A_738, %dma_wait3A_747, %dma_wait3A_748] : memref<2x8x2048xf32, #tpu.memory_space<vmem>> -> memref<1x8x2048xf32, #tpu.memory_space<vmem>>
        %dma_wait3A_750 = tpu.memref_squeeze %dma_wait3A_749 : memref<1x8x2048xf32, #tpu.memory_space<vmem>> -> memref<8x2048xf32, #tpu.memory_space<vmem>>
        tpu.wait_dma2 semaphore(%arg16 : memref<!tpu.dma_semaphore, #tpu.memory_space<semaphore_mem>>) src(%dma_wait3A_750 : memref<8x2048xf32, #tpu.memory_space<vmem>>) dst(%dma_wait3A_746 : memref<8x2048xf32, #tpu.memory_space<hbm>>)
      } else {
      }
      %mul3A_438 = arith.constant 8 : i32
      %mul3A_439 = arith.muli %add3A_403, %mul3A_438 : i32
      %add3A_440 = arith.constant 0 : i32
      %add3A_441 = arith.addi %mul3A_439, %add3A_440 : i32
      %mul3A_442 = arith.constant 16 : i32
      %mul3A_443 = arith.muli %add3A_441, %mul3A_442 : i32
      %get3A_444 = arith.constant 0 : i32
      %get3A_445 = arith.index_cast %get3A_444 : i32 to index
      %get3A_446 = arith.index_cast %mul3A_443 : i32 to index
      %get3A_447 = tpu.vector_load %arg9[%get3A_445, %get3A_446] {strides = array<i32>} : memref<4x4096xf32, #tpu.memory_space<vmem>>, vector<1x16xf32>,
      %get3A_448 = vector.shape_cast %get3A_447 : vector<1x16xf32> to vector<16xf32>
      %mul3A_449 = arith.constant 16 : i32
      %mul3A_450 = arith.muli %add3A_441, %mul3A_449 : i32
      %get3A_451 = arith.constant 1 : i32
      %get3A_452 = arith.index_cast %get3A_451 : i32 to index
      %get3A_453 = arith.index_cast %mul3A_450 : i32 to index
      %get3A_454 = tpu.vector_load %arg9[%get3A_452, %get3A_453] {strides = array<i32>} : memref<4x4096xf32, #tpu.memory_space<vmem>>, vector<1x16xf32>,
      %get3A_455 = vector.shape_cast %get3A_454 : vector<1x16xf32> to vector<16xf32>
      %mul3A_456 = arith.constant 16 : i32
      %mul3A_457 = arith.muli %add3A_441, %mul3A_456 : i32
      %get3A_458 = arith.constant 2 : i32
      %get3A_459 = arith.index_cast %get3A_458 : i32 to index
      %get3A_460 = arith.index_cast %mul3A_457 : i32 to index
      %get3A_461 = tpu.vector_load %arg9[%get3A_459, %get3A_460] {strides = array<i32>} : memref<4x4096xf32, #tpu.memory_space<vmem>>, vector<1x16xf32>,
      %get3A_462 = vector.shape_cast %get3A_461 : vector<1x16xf32> to vector<16xf32>
      %mul3A_463 = arith.constant 16 : i32
      %mul3A_464 = arith.muli %add3A_441, %mul3A_463 : i32
      %get3A_465 = arith.constant 3 : i32
      %get3A_466 = arith.index_cast %get3A_465 : i32 to index
      %get3A_467 = arith.index_cast %mul3A_464 : i32 to index
      %get3A_468 = tpu.vector_load %arg9[%get3A_466, %get3A_467] {strides = array<i32>} : memref<4x4096xf32, #tpu.memory_space<vmem>>, vector<1x16xf32>,
      %get3A_469 = vector.shape_cast %get3A_468 : vector<1x16xf32> to vector<16xf32>
      %parallel_loop3A_470 = arith.constant 0 : i32
      %parallel_loop3A_471 = arith.constant 2048 : i32
      %parallel_loop3A_472 = arith.constant 16 : i32
      scf.for %parallel_loop3A_734 = %parallel_loop3A_470 to %parallel_loop3A_471 step %parallel_loop3A_472  : i32 {
        %parallel_loop3A_735 = arith.constant 1 : i32
        %parallel_loop3A_736 = arith.constant 0 : i32
        %parallel_loop3A_737 = arith.index_cast %parallel_loop3A_735 : i32 to index
        %parallel_loop3A_738 = arith.index_cast %parallel_loop3A_736 : i32 to index
        %parallel_loop3A_739 = arith.index_cast %parallel_loop3A_734 : i32 to index
        %parallel_loop3A_740 = tpu.vector_load %arg10[%parallel_loop3A_737, %parallel_loop3A_738, %parallel_loop3A_739] {strides = array<i32>} : memref<2x8x2048xf32, #tpu.memory_space<vmem>>, vector<1x1x16xf32>,
        %parallel_loop3A_741 = vector.shape_cast %parallel_loop3A_740 : vector<1x1x16xf32> to vector<16xf32>
        %parallel_loop3A_742 = arith.constant 1 : i32
        %parallel_loop3A_743 = arith.constant 0 : i32
        %parallel_loop3A_744 = arith.index_cast %parallel_loop3A_742 : i32 to index
        %parallel_loop3A_745 = arith.index_cast %parallel_loop3A_743 : i32 to index
        %parallel_loop3A_746 = arith.index_cast %parallel_loop3A_734 : i32 to index
        %parallel_loop3A_747 = tpu.vector_load %arg11[%parallel_loop3A_744, %parallel_loop3A_745, %parallel_loop3A_746] {strides = array<i32>} : memref<2x8x2048xf32, #tpu.memory_space<vmem>>, vector<1x1x16xf32>,
        %parallel_loop3A_748 = vector.shape_cast %parallel_loop3A_747 : vector<1x1x16xf32> to vector<16xf32>
        %parallel_loop3A_749 = arith.mulf %get3A_455, %parallel_loop3A_741 : vector<16xf32>
        %parallel_loop3A_750 = arith.addf %get3A_448, %parallel_loop3A_749 : vector<16xf32>
        %parallel_loop3A_751 = arith.mulf %get3A_469, %parallel_loop3A_741 : vector<16xf32>
        %parallel_loop3A_752 = arith.addf %get3A_462, %parallel_loop3A_751 : vector<16xf32>
        %parallel_loop3A_753 = arith.mulf %parallel_loop3A_752, %parallel_loop3A_748 : vector<16xf32>
        %parallel_loop3A_754 = arith.addf %parallel_loop3A_750, %parallel_loop3A_753 : vector<16xf32>
        %parallel_loop3A_755 = arith.constant 1 : i32
        %parallel_loop3A_756 = arith.constant 0 : i32
        %parallel_loop3A_757 = arith.index_cast %parallel_loop3A_755 : i32 to index
        %parallel_loop3A_758 = arith.index_cast %parallel_loop3A_756 : i32 to index
        %parallel_loop3A_759 = arith.index_cast %parallel_loop3A_734 : i32 to index
        %parallel_loop3A_760 = tpu.vector_load %arg12[%parallel_loop3A_757, %parallel_loop3A_758, %parallel_loop3A_759] {strides = array<i32>} : memref<2x8x2048xf32, #tpu.memory_space<vmem>>, vector<1x1x16xf32>,
        %parallel_loop3A_761 = vector.shape_cast %parallel_loop3A_760 : vector<1x1x16xf32> to vector<16xf32>
        %parallel_loop3A_762 = vector.shape_cast %parallel_loop3A_754 : vector<16xf32> to vector<1x1x16xf32>
        tpu.vector_store %arg12[%parallel_loop3A_757, %parallel_loop3A_758, %parallel_loop3A_759], %parallel_loop3A_762 {strides = array<i32>} : memref<2x8x2048xf32, #tpu.memory_space<vmem>>, vector<1x1x16xf32>,
      } {sc.loop_unroll_factor = 8 : i64, sc.parallel_access}
      %mul3A_473 = arith.constant 8 : i32
      %mul3A_474 = arith.muli %add3A_403, %mul3A_473 : i32
      %add3A_475 = arith.constant 1 : i32
      %add3A_476 = arith.addi %mul3A_474, %add3A_475 : i32
      %mul3A_477 = arith.constant 16 : i32
      %mul3A_478 = arith.muli %add3A_476, %mul3A_477 : i32
      %get3A_479 = arith.constant 0 : i32
      %get3A_480 = arith.index_cast %get3A_479 : i32 to index
      %get3A_481 = arith.index_cast %mul3A_478 : i32 to index
      %get3A_482 = tpu.vector_load %arg9[%get3A_480, %get3A_481] {strides = array<i32>} : memref<4x4096xf32, #tpu.memory_space<vmem>>, vector<1x16xf32>,
      %get3A_483 = vector.shape_cast %get3A_482 : vector<1x16xf32> to vector<16xf32>
      %mul3A_484 = arith.constant 16 : i32
      %mul3A_485 = arith.muli %add3A_476, %mul3A_484 : i32
      %get3A_486 = arith.constant 1 : i32
      %get3A_487 = arith.index_cast %get3A_486 : i32 to index
      %get3A_488 = arith.index_cast %mul3A_485 : i32 to index
      %get3A_489 = tpu.vector_load %arg9[%get3A_487, %get3A_488] {strides = array<i32>} : memref<4x4096xf32, #tpu.memory_space<vmem>>, vector<1x16xf32>,
      %get3A_490 = vector.shape_cast %get3A_489 : vector<1x16xf32> to vector<16xf32>
      %mul3A_491 = arith.constant 16 : i32
      %mul3A_492 = arith.muli %add3A_476, %mul3A_491 : i32
      %get3A_493 = arith.constant 2 : i32
      %get3A_494 = arith.index_cast %get3A_493 : i32 to index
      %get3A_495 = arith.index_cast %mul3A_492 : i32 to index
      %get3A_496 = tpu.vector_load %arg9[%get3A_494, %get3A_495] {strides = array<i32>} : memref<4x4096xf32, #tpu.memory_space<vmem>>, vector<1x16xf32>,
      %get3A_497 = vector.shape_cast %get3A_496 : vector<1x16xf32> to vector<16xf32>
      %mul3A_498 = arith.constant 16 : i32
      %mul3A_499 = arith.muli %add3A_476, %mul3A_498 : i32
      %get3A_500 = arith.constant 3 : i32
      %get3A_501 = arith.index_cast %get3A_500 : i32 to index
      %get3A_502 = arith.index_cast %mul3A_499 : i32 to index
      %get3A_503 = tpu.vector_load %arg9[%get3A_501, %get3A_502] {strides = array<i32>} : memref<4x4096xf32, #tpu.memory_space<vmem>>, vector<1x16xf32>,
      %get3A_504 = vector.shape_cast %get3A_503 : vector<1x16xf32> to vector<16xf32>
      %parallel_loop3A_505 = arith.constant 0 : i32
      %parallel_loop3A_506 = arith.constant 2048 : i32
      %parallel_loop3A_507 = arith.constant 16 : i32
      scf.for %parallel_loop3A_734 = %parallel_loop3A_505 to %parallel_loop3A_506 step %parallel_loop3A_507  : i32 {
        %parallel_loop3A_735 = arith.constant 1 : i32
        %parallel_loop3A_736 = arith.constant 1 : i32
        %parallel_loop3A_737 = arith.index_cast %parallel_loop3A_735 : i32 to index
        %parallel_loop3A_738 = arith.index_cast %parallel_loop3A_736 : i32 to index
        %parallel_loop3A_739 = arith.index_cast %parallel_loop3A_734 : i32 to index
        %parallel_loop3A_740 = tpu.vector_load %arg10[%parallel_loop3A_737, %parallel_loop3A_738, %parallel_loop3A_739] {strides = array<i32>} : memref<2x8x2048xf32, #tpu.memory_space<vmem>>, vector<1x1x16xf32>,
        %parallel_loop3A_741 = vector.shape_cast %parallel_loop3A_740 : vector<1x1x16xf32> to vector<16xf32>
        %parallel_loop3A_742 = arith.constant 1 : i32
        %parallel_loop3A_743 = arith.constant 1 : i32
        %parallel_loop3A_744 = arith.index_cast %parallel_loop3A_742 : i32 to index
        %parallel_loop3A_745 = arith.index_cast %parallel_loop3A_743 : i32 to index
        %parallel_loop3A_746 = arith.index_cast %parallel_loop3A_734 : i32 to index
        %parallel_loop3A_747 = tpu.vector_load %arg11[%parallel_loop3A_744, %parallel_loop3A_745, %parallel_loop3A_746] {strides = array<i32>} : memref<2x8x2048xf32, #tpu.memory_space<vmem>>, vector<1x1x16xf32>,
        %parallel_loop3A_748 = vector.shape_cast %parallel_loop3A_747 : vector<1x1x16xf32> to vector<16xf32>
        %parallel_loop3A_749 = arith.mulf %get3A_490, %parallel_loop3A_741 : vector<16xf32>
        %parallel_loop3A_750 = arith.addf %get3A_483, %parallel_loop3A_749 : vector<16xf32>
        %parallel_loop3A_751 = arith.mulf %get3A_504, %parallel_loop3A_741 : vector<16xf32>
        %parallel_loop3A_752 = arith.addf %get3A_497, %parallel_loop3A_751 : vector<16xf32>
        %parallel_loop3A_753 = arith.mulf %parallel_loop3A_752, %parallel_loop3A_748 : vector<16xf32>
        %parallel_loop3A_754 = arith.addf %parallel_loop3A_750, %parallel_loop3A_753 : vector<16xf32>
        %parallel_loop3A_755 = arith.constant 1 : i32
        %parallel_loop3A_756 = arith.constant 1 : i32
        %parallel_loop3A_757 = arith.index_cast %parallel_loop3A_755 : i32 to index
        %parallel_loop3A_758 = arith.index_cast %parallel_loop3A_756 : i32 to index
        %parallel_loop3A_759 = arith.index_cast %parallel_loop3A_734 : i32 to index
        %parallel_loop3A_760 = tpu.vector_load %arg12[%parallel_loop3A_757, %parallel_loop3A_758, %parallel_loop3A_759] {strides = array<i32>} : memref<2x8x2048xf32, #tpu.memory_space<vmem>>, vector<1x1x16xf32>,
        %parallel_loop3A_761 = vector.shape_cast %parallel_loop3A_760 : vector<1x1x16xf32> to vector<16xf32>
        %parallel_loop3A_762 = vector.shape_cast %parallel_loop3A_754 : vector<16xf32> to vector<1x1x16xf32>
        tpu.vector_store %arg12[%parallel_loop3A_757, %parallel_loop3A_758, %parallel_loop3A_759], %parallel_loop3A_762 {strides = array<i32>} : memref<2x8x2048xf32, #tpu.memory_space<vmem>>, vector<1x1x16xf32>,
      } {sc.loop_unroll_factor = 8 : i64, sc.parallel_access}
      %mul3A_508 = arith.constant 8 : i32
      %mul3A_509 = arith.muli %add3A_403, %mul3A_508 : i32
      %add3A_510 = arith.constant 2 : i32
      %add3A_511 = arith.addi %mul3A_509, %add3A_510 : i32
      %mul3A_512 = arith.constant 16 : i32
      %mul3A_513 = arith.muli %add3A_511, %mul3A_512 : i32
      %get3A_514 = arith.constant 0 : i32
      %get3A_515 = arith.index_cast %get3A_514 : i32 to index
      %get3A_516 = arith.index_cast %mul3A_513 : i32 to index
      %get3A_517 = tpu.vector_load %arg9[%get3A_515, %get3A_516] {strides = array<i32>} : memref<4x4096xf32, #tpu.memory_space<vmem>>, vector<1x16xf32>,
      %get3A_518 = vector.shape_cast %get3A_517 : vector<1x16xf32> to vector<16xf32>
      %mul3A_519 = arith.constant 16 : i32
      %mul3A_520 = arith.muli %add3A_511, %mul3A_519 : i32
      %get3A_521 = arith.constant 1 : i32
      %get3A_522 = arith.index_cast %get3A_521 : i32 to index
      %get3A_523 = arith.index_cast %mul3A_520 : i32 to index
      %get3A_524 = tpu.vector_load %arg9[%get3A_522, %get3A_523] {strides = array<i32>} : memref<4x4096xf32, #tpu.memory_space<vmem>>, vector<1x16xf32>,
      %get3A_525 = vector.shape_cast %get3A_524 : vector<1x16xf32> to vector<16xf32>
      %mul3A_526 = arith.constant 16 : i32
      %mul3A_527 = arith.muli %add3A_511, %mul3A_526 : i32
      %get3A_528 = arith.constant 2 : i32
      %get3A_529 = arith.index_cast %get3A_528 : i32 to index
      %get3A_530 = arith.index_cast %mul3A_527 : i32 to index
      %get3A_531 = tpu.vector_load %arg9[%get3A_529, %get3A_530] {strides = array<i32>} : memref<4x4096xf32, #tpu.memory_space<vmem>>, vector<1x16xf32>,
      %get3A_532 = vector.shape_cast %get3A_531 : vector<1x16xf32> to vector<16xf32>
      %mul3A_533 = arith.constant 16 : i32
      %mul3A_534 = arith.muli %add3A_511, %mul3A_533 : i32
      %get3A_535 = arith.constant 3 : i32
      %get3A_536 = arith.index_cast %get3A_535 : i32 to index
      %get3A_537 = arith.index_cast %mul3A_534 : i32 to index
      %get3A_538 = tpu.vector_load %arg9[%get3A_536, %get3A_537] {strides = array<i32>} : memref<4x4096xf32, #tpu.memory_space<vmem>>, vector<1x16xf32>,
      %get3A_539 = vector.shape_cast %get3A_538 : vector<1x16xf32> to vector<16xf32>
      %parallel_loop3A_540 = arith.constant 0 : i32
      %parallel_loop3A_541 = arith.constant 2048 : i32
      %parallel_loop3A_542 = arith.constant 16 : i32
      scf.for %parallel_loop3A_734 = %parallel_loop3A_540 to %parallel_loop3A_541 step %parallel_loop3A_542  : i32 {
        %parallel_loop3A_735 = arith.constant 1 : i32
        %parallel_loop3A_736 = arith.constant 2 : i32
        %parallel_loop3A_737 = arith.index_cast %parallel_loop3A_735 : i32 to index
        %parallel_loop3A_738 = arith.index_cast %parallel_loop3A_736 : i32 to index
        %parallel_loop3A_739 = arith.index_cast %parallel_loop3A_734 : i32 to index
        %parallel_loop3A_740 = tpu.vector_load %arg10[%parallel_loop3A_737, %parallel_loop3A_738, %parallel_loop3A_739] {strides = array<i32>} : memref<2x8x2048xf32, #tpu.memory_space<vmem>>, vector<1x1x16xf32>,
        %parallel_loop3A_741 = vector.shape_cast %parallel_loop3A_740 : vector<1x1x16xf32> to vector<16xf32>
        %parallel_loop3A_742 = arith.constant 1 : i32
        %parallel_loop3A_743 = arith.constant 2 : i32
        %parallel_loop3A_744 = arith.index_cast %parallel_loop3A_742 : i32 to index
        %parallel_loop3A_745 = arith.index_cast %parallel_loop3A_743 : i32 to index
        %parallel_loop3A_746 = arith.index_cast %parallel_loop3A_734 : i32 to index
        %parallel_loop3A_747 = tpu.vector_load %arg11[%parallel_loop3A_744, %parallel_loop3A_745, %parallel_loop3A_746] {strides = array<i32>} : memref<2x8x2048xf32, #tpu.memory_space<vmem>>, vector<1x1x16xf32>,
        %parallel_loop3A_748 = vector.shape_cast %parallel_loop3A_747 : vector<1x1x16xf32> to vector<16xf32>
        %parallel_loop3A_749 = arith.mulf %get3A_525, %parallel_loop3A_741 : vector<16xf32>
        %parallel_loop3A_750 = arith.addf %get3A_518, %parallel_loop3A_749 : vector<16xf32>
        %parallel_loop3A_751 = arith.mulf %get3A_539, %parallel_loop3A_741 : vector<16xf32>
        %parallel_loop3A_752 = arith.addf %get3A_532, %parallel_loop3A_751 : vector<16xf32>
        %parallel_loop3A_753 = arith.mulf %parallel_loop3A_752, %parallel_loop3A_748 : vector<16xf32>
        %parallel_loop3A_754 = arith.addf %parallel_loop3A_750, %parallel_loop3A_753 : vector<16xf32>
        %parallel_loop3A_755 = arith.constant 1 : i32
        %parallel_loop3A_756 = arith.constant 2 : i32
        %parallel_loop3A_757 = arith.index_cast %parallel_loop3A_755 : i32 to index
        %parallel_loop3A_758 = arith.index_cast %parallel_loop3A_756 : i32 to index
        %parallel_loop3A_759 = arith.index_cast %parallel_loop3A_734 : i32 to index
        %parallel_loop3A_760 = tpu.vector_load %arg12[%parallel_loop3A_757, %parallel_loop3A_758, %parallel_loop3A_759] {strides = array<i32>} : memref<2x8x2048xf32, #tpu.memory_space<vmem>>, vector<1x1x16xf32>,
        %parallel_loop3A_761 = vector.shape_cast %parallel_loop3A_760 : vector<1x1x16xf32> to vector<16xf32>
        %parallel_loop3A_762 = vector.shape_cast %parallel_loop3A_754 : vector<16xf32> to vector<1x1x16xf32>
        tpu.vector_store %arg12[%parallel_loop3A_757, %parallel_loop3A_758, %parallel_loop3A_759], %parallel_loop3A_762 {strides = array<i32>} : memref<2x8x2048xf32, #tpu.memory_space<vmem>>, vector<1x1x16xf32>,
      } {sc.loop_unroll_factor = 8 : i64, sc.parallel_access}
      %mul3A_543 = arith.constant 8 : i32
      %mul3A_544 = arith.muli %add3A_403, %mul3A_543 : i32
      %add3A_545 = arith.constant 3 : i32
      %add3A_546 = arith.addi %mul3A_544, %add3A_545 : i32
      %mul3A_547 = arith.constant 16 : i32
      %mul3A_548 = arith.muli %add3A_546, %mul3A_547 : i32
      %get3A_549 = arith.constant 0 : i32
      %get3A_550 = arith.index_cast %get3A_549 : i32 to index
      %get3A_551 = arith.index_cast %mul3A_548 : i32 to index
      %get3A_552 = tpu.vector_load %arg9[%get3A_550, %get3A_551] {strides = array<i32>} : memref<4x4096xf32, #tpu.memory_space<vmem>>, vector<1x16xf32>,
      %get3A_553 = vector.shape_cast %get3A_552 : vector<1x16xf32> to vector<16xf32>
      %mul3A_554 = arith.constant 16 : i32
      %mul3A_555 = arith.muli %add3A_546, %mul3A_554 : i32
      %get3A_556 = arith.constant 1 : i32
      %get3A_557 = arith.index_cast %get3A_556 : i32 to index
      %get3A_558 = arith.index_cast %mul3A_555 : i32 to index
      %get3A_559 = tpu.vector_load %arg9[%get3A_557, %get3A_558] {strides = array<i32>} : memref<4x4096xf32, #tpu.memory_space<vmem>>, vector<1x16xf32>,
      %get3A_560 = vector.shape_cast %get3A_559 : vector<1x16xf32> to vector<16xf32>
      %mul3A_561 = arith.constant 16 : i32
      %mul3A_562 = arith.muli %add3A_546, %mul3A_561 : i32
      %get3A_563 = arith.constant 2 : i32
      %get3A_564 = arith.index_cast %get3A_563 : i32 to index
      %get3A_565 = arith.index_cast %mul3A_562 : i32 to index
      %get3A_566 = tpu.vector_load %arg9[%get3A_564, %get3A_565] {strides = array<i32>} : memref<4x4096xf32, #tpu.memory_space<vmem>>, vector<1x16xf32>,
      %get3A_567 = vector.shape_cast %get3A_566 : vector<1x16xf32> to vector<16xf32>
      %mul3A_568 = arith.constant 16 : i32
      %mul3A_569 = arith.muli %add3A_546, %mul3A_568 : i32
      %get3A_570 = arith.constant 3 : i32
      %get3A_571 = arith.index_cast %get3A_570 : i32 to index
      %get3A_572 = arith.index_cast %mul3A_569 : i32 to index
      %get3A_573 = tpu.vector_load %arg9[%get3A_571, %get3A_572] {strides = array<i32>} : memref<4x4096xf32, #tpu.memory_space<vmem>>, vector<1x16xf32>,
      %get3A_574 = vector.shape_cast %get3A_573 : vector<1x16xf32> to vector<16xf32>
      %parallel_loop3A_575 = arith.constant 0 : i32
      %parallel_loop3A_576 = arith.constant 2048 : i32
      %parallel_loop3A_577 = arith.constant 16 : i32
      scf.for %parallel_loop3A_734 = %parallel_loop3A_575 to %parallel_loop3A_576 step %parallel_loop3A_577  : i32 {
        %parallel_loop3A_735 = arith.constant 1 : i32
        %parallel_loop3A_736 = arith.constant 3 : i32
        %parallel_loop3A_737 = arith.index_cast %parallel_loop3A_735 : i32 to index
        %parallel_loop3A_738 = arith.index_cast %parallel_loop3A_736 : i32 to index
        %parallel_loop3A_739 = arith.index_cast %parallel_loop3A_734 : i32 to index
        %parallel_loop3A_740 = tpu.vector_load %arg10[%parallel_loop3A_737, %parallel_loop3A_738, %parallel_loop3A_739] {strides = array<i32>} : memref<2x8x2048xf32, #tpu.memory_space<vmem>>, vector<1x1x16xf32>,
        %parallel_loop3A_741 = vector.shape_cast %parallel_loop3A_740 : vector<1x1x16xf32> to vector<16xf32>
        %parallel_loop3A_742 = arith.constant 1 : i32
        %parallel_loop3A_743 = arith.constant 3 : i32
        %parallel_loop3A_744 = arith.index_cast %parallel_loop3A_742 : i32 to index
        %parallel_loop3A_745 = arith.index_cast %parallel_loop3A_743 : i32 to index
        %parallel_loop3A_746 = arith.index_cast %parallel_loop3A_734 : i32 to index
        %parallel_loop3A_747 = tpu.vector_load %arg11[%parallel_loop3A_744, %parallel_loop3A_745, %parallel_loop3A_746] {strides = array<i32>} : memref<2x8x2048xf32, #tpu.memory_space<vmem>>, vector<1x1x16xf32>,
        %parallel_loop3A_748 = vector.shape_cast %parallel_loop3A_747 : vector<1x1x16xf32> to vector<16xf32>
        %parallel_loop3A_749 = arith.mulf %get3A_560, %parallel_loop3A_741 : vector<16xf32>
        %parallel_loop3A_750 = arith.addf %get3A_553, %parallel_loop3A_749 : vector<16xf32>
        %parallel_loop3A_751 = arith.mulf %get3A_574, %parallel_loop3A_741 : vector<16xf32>
        %parallel_loop3A_752 = arith.addf %get3A_567, %parallel_loop3A_751 : vector<16xf32>
        %parallel_loop3A_753 = arith.mulf %parallel_loop3A_752, %parallel_loop3A_748 : vector<16xf32>
        %parallel_loop3A_754 = arith.addf %parallel_loop3A_750, %parallel_loop3A_753 : vector<16xf32>
        %parallel_loop3A_755 = arith.constant 1 : i32
        %parallel_loop3A_756 = arith.constant 3 : i32
        %parallel_loop3A_757 = arith.index_cast %parallel_loop3A_755 : i32 to index
        %parallel_loop3A_758 = arith.index_cast %parallel_loop3A_756 : i32 to index
        %parallel_loop3A_759 = arith.index_cast %parallel_loop3A_734 : i32 to index
        %parallel_loop3A_760 = tpu.vector_load %arg12[%parallel_loop3A_757, %parallel_loop3A_758, %parallel_loop3A_759] {strides = array<i32>} : memref<2x8x2048xf32, #tpu.memory_space<vmem>>, vector<1x1x16xf32>,
        %parallel_loop3A_761 = vector.shape_cast %parallel_loop3A_760 : vector<1x1x16xf32> to vector<16xf32>
        %parallel_loop3A_762 = vector.shape_cast %parallel_loop3A_754 : vector<16xf32> to vector<1x1x16xf32>
        tpu.vector_store %arg12[%parallel_loop3A_757, %parallel_loop3A_758, %parallel_loop3A_759], %parallel_loop3A_762 {strides = array<i32>} : memref<2x8x2048xf32, #tpu.memory_space<vmem>>, vector<1x1x16xf32>,
      } {sc.loop_unroll_factor = 8 : i64, sc.parallel_access}
      %mul3A_578 = arith.constant 8 : i32
      %mul3A_579 = arith.muli %add3A_403, %mul3A_578 : i32
      %add3A_580 = arith.constant 4 : i32
      %add3A_581 = arith.addi %mul3A_579, %add3A_580 : i32
      %mul3A_582 = arith.constant 16 : i32
      %mul3A_583 = arith.muli %add3A_581, %mul3A_582 : i32
      %get3A_584 = arith.constant 0 : i32
      %get3A_585 = arith.index_cast %get3A_584 : i32 to index
      %get3A_586 = arith.index_cast %mul3A_583 : i32 to index
      %get3A_587 = tpu.vector_load %arg9[%get3A_585, %get3A_586] {strides = array<i32>} : memref<4x4096xf32, #tpu.memory_space<vmem>>, vector<1x16xf32>,
      %get3A_588 = vector.shape_cast %get3A_587 : vector<1x16xf32> to vector<16xf32>
      %mul3A_589 = arith.constant 16 : i32
      %mul3A_590 = arith.muli %add3A_581, %mul3A_589 : i32
      %get3A_591 = arith.constant 1 : i32
      %get3A_592 = arith.index_cast %get3A_591 : i32 to index
      %get3A_593 = arith.index_cast %mul3A_590 : i32 to index
      %get3A_594 = tpu.vector_load %arg9[%get3A_592, %get3A_593] {strides = array<i32>} : memref<4x4096xf32, #tpu.memory_space<vmem>>, vector<1x16xf32>,
      %get3A_595 = vector.shape_cast %get3A_594 : vector<1x16xf32> to vector<16xf32>
      %mul3A_596 = arith.constant 16 : i32
      %mul3A_597 = arith.muli %add3A_581, %mul3A_596 : i32
      %get3A_598 = arith.constant 2 : i32
      %get3A_599 = arith.index_cast %get3A_598 : i32 to index
      %get3A_600 = arith.index_cast %mul3A_597 : i32 to index
      %get3A_601 = tpu.vector_load %arg9[%get3A_599, %get3A_600] {strides = array<i32>} : memref<4x4096xf32, #tpu.memory_space<vmem>>, vector<1x16xf32>,
      %get3A_602 = vector.shape_cast %get3A_601 : vector<1x16xf32> to vector<16xf32>
      %mul3A_603 = arith.constant 16 : i32
      %mul3A_604 = arith.muli %add3A_581, %mul3A_603 : i32
      %get3A_605 = arith.constant 3 : i32
      %get3A_606 = arith.index_cast %get3A_605 : i32 to index
      %get3A_607 = arith.index_cast %mul3A_604 : i32 to index
      %get3A_608 = tpu.vector_load %arg9[%get3A_606, %get3A_607] {strides = array<i32>} : memref<4x4096xf32, #tpu.memory_space<vmem>>, vector<1x16xf32>,
      %get3A_609 = vector.shape_cast %get3A_608 : vector<1x16xf32> to vector<16xf32>
      %parallel_loop3A_610 = arith.constant 0 : i32
      %parallel_loop3A_611 = arith.constant 2048 : i32
      %parallel_loop3A_612 = arith.constant 16 : i32
      scf.for %parallel_loop3A_734 = %parallel_loop3A_610 to %parallel_loop3A_611 step %parallel_loop3A_612  : i32 {
        %parallel_loop3A_735 = arith.constant 1 : i32
        %parallel_loop3A_736 = arith.constant 4 : i32
        %parallel_loop3A_737 = arith.index_cast %parallel_loop3A_735 : i32 to index
        %parallel_loop3A_738 = arith.index_cast %parallel_loop3A_736 : i32 to index
        %parallel_loop3A_739 = arith.index_cast %parallel_loop3A_734 : i32 to index
        %parallel_loop3A_740 = tpu.vector_load %arg10[%parallel_loop3A_737, %parallel_loop3A_738, %parallel_loop3A_739] {strides = array<i32>} : memref<2x8x2048xf32, #tpu.memory_space<vmem>>, vector<1x1x16xf32>,
        %parallel_loop3A_741 = vector.shape_cast %parallel_loop3A_740 : vector<1x1x16xf32> to vector<16xf32>
        %parallel_loop3A_742 = arith.constant 1 : i32
        %parallel_loop3A_743 = arith.constant 4 : i32
        %parallel_loop3A_744 = arith.index_cast %parallel_loop3A_742 : i32 to index
        %parallel_loop3A_745 = arith.index_cast %parallel_loop3A_743 : i32 to index
        %parallel_loop3A_746 = arith.index_cast %parallel_loop3A_734 : i32 to index
        %parallel_loop3A_747 = tpu.vector_load %arg11[%parallel_loop3A_744, %parallel_loop3A_745, %parallel_loop3A_746] {strides = array<i32>} : memref<2x8x2048xf32, #tpu.memory_space<vmem>>, vector<1x1x16xf32>,
        %parallel_loop3A_748 = vector.shape_cast %parallel_loop3A_747 : vector<1x1x16xf32> to vector<16xf32>
        %parallel_loop3A_749 = arith.mulf %get3A_595, %parallel_loop3A_741 : vector<16xf32>
        %parallel_loop3A_750 = arith.addf %get3A_588, %parallel_loop3A_749 : vector<16xf32>
        %parallel_loop3A_751 = arith.mulf %get3A_609, %parallel_loop3A_741 : vector<16xf32>
        %parallel_loop3A_752 = arith.addf %get3A_602, %parallel_loop3A_751 : vector<16xf32>
        %parallel_loop3A_753 = arith.mulf %parallel_loop3A_752, %parallel_loop3A_748 : vector<16xf32>
        %parallel_loop3A_754 = arith.addf %parallel_loop3A_750, %parallel_loop3A_753 : vector<16xf32>
        %parallel_loop3A_755 = arith.constant 1 : i32
        %parallel_loop3A_756 = arith.constant 4 : i32
        %parallel_loop3A_757 = arith.index_cast %parallel_loop3A_755 : i32 to index
        %parallel_loop3A_758 = arith.index_cast %parallel_loop3A_756 : i32 to index
        %parallel_loop3A_759 = arith.index_cast %parallel_loop3A_734 : i32 to index
        %parallel_loop3A_760 = tpu.vector_load %arg12[%parallel_loop3A_757, %parallel_loop3A_758, %parallel_loop3A_759] {strides = array<i32>} : memref<2x8x2048xf32, #tpu.memory_space<vmem>>, vector<1x1x16xf32>,
        %parallel_loop3A_761 = vector.shape_cast %parallel_loop3A_760 : vector<1x1x16xf32> to vector<16xf32>
        %parallel_loop3A_762 = vector.shape_cast %parallel_loop3A_754 : vector<16xf32> to vector<1x1x16xf32>
        tpu.vector_store %arg12[%parallel_loop3A_757, %parallel_loop3A_758, %parallel_loop3A_759], %parallel_loop3A_762 {strides = array<i32>} : memref<2x8x2048xf32, #tpu.memory_space<vmem>>, vector<1x1x16xf32>,
      } {sc.loop_unroll_factor = 8 : i64, sc.parallel_access}
      %mul3A_613 = arith.constant 8 : i32
      %mul3A_614 = arith.muli %add3A_403, %mul3A_613 : i32
      %add3A_615 = arith.constant 5 : i32
      %add3A_616 = arith.addi %mul3A_614, %add3A_615 : i32
      %mul3A_617 = arith.constant 16 : i32
      %mul3A_618 = arith.muli %add3A_616, %mul3A_617 : i32
      %get3A_619 = arith.constant 0 : i32
      %get3A_620 = arith.index_cast %get3A_619 : i32 to index
      %get3A_621 = arith.index_cast %mul3A_618 : i32 to index
      %get3A_622 = tpu.vector_load %arg9[%get3A_620, %get3A_621] {strides = array<i32>} : memref<4x4096xf32, #tpu.memory_space<vmem>>, vector<1x16xf32>,
      %get3A_623 = vector.shape_cast %get3A_622 : vector<1x16xf32> to vector<16xf32>
      %mul3A_624 = arith.constant 16 : i32
      %mul3A_625 = arith.muli %add3A_616, %mul3A_624 : i32
      %get3A_626 = arith.constant 1 : i32
      %get3A_627 = arith.index_cast %get3A_626 : i32 to index
      %get3A_628 = arith.index_cast %mul3A_625 : i32 to index
      %get3A_629 = tpu.vector_load %arg9[%get3A_627, %get3A_628] {strides = array<i32>} : memref<4x4096xf32, #tpu.memory_space<vmem>>, vector<1x16xf32>,
      %get3A_630 = vector.shape_cast %get3A_629 : vector<1x16xf32> to vector<16xf32>
      %mul3A_631 = arith.constant 16 : i32
      %mul3A_632 = arith.muli %add3A_616, %mul3A_631 : i32
      %get3A_633 = arith.constant 2 : i32
      %get3A_634 = arith.index_cast %get3A_633 : i32 to index
      %get3A_635 = arith.index_cast %mul3A_632 : i32 to index
      %get3A_636 = tpu.vector_load %arg9[%get3A_634, %get3A_635] {strides = array<i32>} : memref<4x4096xf32, #tpu.memory_space<vmem>>, vector<1x16xf32>,
      %get3A_637 = vector.shape_cast %get3A_636 : vector<1x16xf32> to vector<16xf32>
      %mul3A_638 = arith.constant 16 : i32
      %mul3A_639 = arith.muli %add3A_616, %mul3A_638 : i32
      %get3A_640 = arith.constant 3 : i32
      %get3A_641 = arith.index_cast %get3A_640 : i32 to index
      %get3A_642 = arith.index_cast %mul3A_639 : i32 to index
      %get3A_643 = tpu.vector_load %arg9[%get3A_641, %get3A_642] {strides = array<i32>} : memref<4x4096xf32, #tpu.memory_space<vmem>>, vector<1x16xf32>,
      %get3A_644 = vector.shape_cast %get3A_643 : vector<1x16xf32> to vector<16xf32>
      %parallel_loop3A_645 = arith.constant 0 : i32
      %parallel_loop3A_646 = arith.constant 2048 : i32
      %parallel_loop3A_647 = arith.constant 16 : i32
      scf.for %parallel_loop3A_734 = %parallel_loop3A_645 to %parallel_loop3A_646 step %parallel_loop3A_647  : i32 {
        %parallel_loop3A_735 = arith.constant 1 : i32
        %parallel_loop3A_736 = arith.constant 5 : i32
        %parallel_loop3A_737 = arith.index_cast %parallel_loop3A_735 : i32 to index
        %parallel_loop3A_738 = arith.index_cast %parallel_loop3A_736 : i32 to index
        %parallel_loop3A_739 = arith.index_cast %parallel_loop3A_734 : i32 to index
        %parallel_loop3A_740 = tpu.vector_load %arg10[%parallel_loop3A_737, %parallel_loop3A_738, %parallel_loop3A_739] {strides = array<i32>} : memref<2x8x2048xf32, #tpu.memory_space<vmem>>, vector<1x1x16xf32>,
        %parallel_loop3A_741 = vector.shape_cast %parallel_loop3A_740 : vector<1x1x16xf32> to vector<16xf32>
        %parallel_loop3A_742 = arith.constant 1 : i32
        %parallel_loop3A_743 = arith.constant 5 : i32
        %parallel_loop3A_744 = arith.index_cast %parallel_loop3A_742 : i32 to index
        %parallel_loop3A_745 = arith.index_cast %parallel_loop3A_743 : i32 to index
        %parallel_loop3A_746 = arith.index_cast %parallel_loop3A_734 : i32 to index
        %parallel_loop3A_747 = tpu.vector_load %arg11[%parallel_loop3A_744, %parallel_loop3A_745, %parallel_loop3A_746] {strides = array<i32>} : memref<2x8x2048xf32, #tpu.memory_space<vmem>>, vector<1x1x16xf32>,
        %parallel_loop3A_748 = vector.shape_cast %parallel_loop3A_747 : vector<1x1x16xf32> to vector<16xf32>
        %parallel_loop3A_749 = arith.mulf %get3A_630, %parallel_loop3A_741 : vector<16xf32>
        %parallel_loop3A_750 = arith.addf %get3A_623, %parallel_loop3A_749 : vector<16xf32>
        %parallel_loop3A_751 = arith.mulf %get3A_644, %parallel_loop3A_741 : vector<16xf32>
        %parallel_loop3A_752 = arith.addf %get3A_637, %parallel_loop3A_751 : vector<16xf32>
        %parallel_loop3A_753 = arith.mulf %parallel_loop3A_752, %parallel_loop3A_748 : vector<16xf32>
        %parallel_loop3A_754 = arith.addf %parallel_loop3A_750, %parallel_loop3A_753 : vector<16xf32>
        %parallel_loop3A_755 = arith.constant 1 : i32
        %parallel_loop3A_756 = arith.constant 5 : i32
        %parallel_loop3A_757 = arith.index_cast %parallel_loop3A_755 : i32 to index
        %parallel_loop3A_758 = arith.index_cast %parallel_loop3A_756 : i32 to index
        %parallel_loop3A_759 = arith.index_cast %parallel_loop3A_734 : i32 to index
        %parallel_loop3A_760 = tpu.vector_load %arg12[%parallel_loop3A_757, %parallel_loop3A_758, %parallel_loop3A_759] {strides = array<i32>} : memref<2x8x2048xf32, #tpu.memory_space<vmem>>, vector<1x1x16xf32>,
        %parallel_loop3A_761 = vector.shape_cast %parallel_loop3A_760 : vector<1x1x16xf32> to vector<16xf32>
        %parallel_loop3A_762 = vector.shape_cast %parallel_loop3A_754 : vector<16xf32> to vector<1x1x16xf32>
        tpu.vector_store %arg12[%parallel_loop3A_757, %parallel_loop3A_758, %parallel_loop3A_759], %parallel_loop3A_762 {strides = array<i32>} : memref<2x8x2048xf32, #tpu.memory_space<vmem>>, vector<1x1x16xf32>,
      } {sc.loop_unroll_factor = 8 : i64, sc.parallel_access}
      %mul3A_648 = arith.constant 8 : i32
      %mul3A_649 = arith.muli %add3A_403, %mul3A_648 : i32
      %add3A_650 = arith.constant 6 : i32
      %add3A_651 = arith.addi %mul3A_649, %add3A_650 : i32
      %mul3A_652 = arith.constant 16 : i32
      %mul3A_653 = arith.muli %add3A_651, %mul3A_652 : i32
      %get3A_654 = arith.constant 0 : i32
      %get3A_655 = arith.index_cast %get3A_654 : i32 to index
      %get3A_656 = arith.index_cast %mul3A_653 : i32 to index
      %get3A_657 = tpu.vector_load %arg9[%get3A_655, %get3A_656] {strides = array<i32>} : memref<4x4096xf32, #tpu.memory_space<vmem>>, vector<1x16xf32>,
      %get3A_658 = vector.shape_cast %get3A_657 : vector<1x16xf32> to vector<16xf32>
      %mul3A_659 = arith.constant 16 : i32
      %mul3A_660 = arith.muli %add3A_651, %mul3A_659 : i32
      %get3A_661 = arith.constant 1 : i32
      %get3A_662 = arith.index_cast %get3A_661 : i32 to index
      %get3A_663 = arith.index_cast %mul3A_660 : i32 to index
      %get3A_664 = tpu.vector_load %arg9[%get3A_662, %get3A_663] {strides = array<i32>} : memref<4x4096xf32, #tpu.memory_space<vmem>>, vector<1x16xf32>,
      %get3A_665 = vector.shape_cast %get3A_664 : vector<1x16xf32> to vector<16xf32>
      %mul3A_666 = arith.constant 16 : i32
      %mul3A_667 = arith.muli %add3A_651, %mul3A_666 : i32
      %get3A_668 = arith.constant 2 : i32
      %get3A_669 = arith.index_cast %get3A_668 : i32 to index
      %get3A_670 = arith.index_cast %mul3A_667 : i32 to index
      %get3A_671 = tpu.vector_load %arg9[%get3A_669, %get3A_670] {strides = array<i32>} : memref<4x4096xf32, #tpu.memory_space<vmem>>, vector<1x16xf32>,
      %get3A_672 = vector.shape_cast %get3A_671 : vector<1x16xf32> to vector<16xf32>
      %mul3A_673 = arith.constant 16 : i32
      %mul3A_674 = arith.muli %add3A_651, %mul3A_673 : i32
      %get3A_675 = arith.constant 3 : i32
      %get3A_676 = arith.index_cast %get3A_675 : i32 to index
      %get3A_677 = arith.index_cast %mul3A_674 : i32 to index
      %get3A_678 = tpu.vector_load %arg9[%get3A_676, %get3A_677] {strides = array<i32>} : memref<4x4096xf32, #tpu.memory_space<vmem>>, vector<1x16xf32>,
      %get3A_679 = vector.shape_cast %get3A_678 : vector<1x16xf32> to vector<16xf32>
      %parallel_loop3A_680 = arith.constant 0 : i32
      %parallel_loop3A_681 = arith.constant 2048 : i32
      %parallel_loop3A_682 = arith.constant 16 : i32
      scf.for %parallel_loop3A_734 = %parallel_loop3A_680 to %parallel_loop3A_681 step %parallel_loop3A_682  : i32 {
        %parallel_loop3A_735 = arith.constant 1 : i32
        %parallel_loop3A_736 = arith.constant 6 : i32
        %parallel_loop3A_737 = arith.index_cast %parallel_loop3A_735 : i32 to index
        %parallel_loop3A_738 = arith.index_cast %parallel_loop3A_736 : i32 to index
        %parallel_loop3A_739 = arith.index_cast %parallel_loop3A_734 : i32 to index
        %parallel_loop3A_740 = tpu.vector_load %arg10[%parallel_loop3A_737, %parallel_loop3A_738, %parallel_loop3A_739] {strides = array<i32>} : memref<2x8x2048xf32, #tpu.memory_space<vmem>>, vector<1x1x16xf32>,
        %parallel_loop3A_741 = vector.shape_cast %parallel_loop3A_740 : vector<1x1x16xf32> to vector<16xf32>
        %parallel_loop3A_742 = arith.constant 1 : i32
        %parallel_loop3A_743 = arith.constant 6 : i32
        %parallel_loop3A_744 = arith.index_cast %parallel_loop3A_742 : i32 to index
        %parallel_loop3A_745 = arith.index_cast %parallel_loop3A_743 : i32 to index
        %parallel_loop3A_746 = arith.index_cast %parallel_loop3A_734 : i32 to index
        %parallel_loop3A_747 = tpu.vector_load %arg11[%parallel_loop3A_744, %parallel_loop3A_745, %parallel_loop3A_746] {strides = array<i32>} : memref<2x8x2048xf32, #tpu.memory_space<vmem>>, vector<1x1x16xf32>,
        %parallel_loop3A_748 = vector.shape_cast %parallel_loop3A_747 : vector<1x1x16xf32> to vector<16xf32>
        %parallel_loop3A_749 = arith.mulf %get3A_665, %parallel_loop3A_741 : vector<16xf32>
        %parallel_loop3A_750 = arith.addf %get3A_658, %parallel_loop3A_749 : vector<16xf32>
        %parallel_loop3A_751 = arith.mulf %get3A_679, %parallel_loop3A_741 : vector<16xf32>
        %parallel_loop3A_752 = arith.addf %get3A_672, %parallel_loop3A_751 : vector<16xf32>
        %parallel_loop3A_753 = arith.mulf %parallel_loop3A_752, %parallel_loop3A_748 : vector<16xf32>
        %parallel_loop3A_754 = arith.addf %parallel_loop3A_750, %parallel_loop3A_753 : vector<16xf32>
        %parallel_loop3A_755 = arith.constant 1 : i32
        %parallel_loop3A_756 = arith.constant 6 : i32
        %parallel_loop3A_757 = arith.index_cast %parallel_loop3A_755 : i32 to index
        %parallel_loop3A_758 = arith.index_cast %parallel_loop3A_756 : i32 to index
        %parallel_loop3A_759 = arith.index_cast %parallel_loop3A_734 : i32 to index
        %parallel_loop3A_760 = tpu.vector_load %arg12[%parallel_loop3A_757, %parallel_loop3A_758, %parallel_loop3A_759] {strides = array<i32>} : memref<2x8x2048xf32, #tpu.memory_space<vmem>>, vector<1x1x16xf32>,
        %parallel_loop3A_761 = vector.shape_cast %parallel_loop3A_760 : vector<1x1x16xf32> to vector<16xf32>
        %parallel_loop3A_762 = vector.shape_cast %parallel_loop3A_754 : vector<16xf32> to vector<1x1x16xf32>
        tpu.vector_store %arg12[%parallel_loop3A_757, %parallel_loop3A_758, %parallel_loop3A_759], %parallel_loop3A_762 {strides = array<i32>} : memref<2x8x2048xf32, #tpu.memory_space<vmem>>, vector<1x1x16xf32>,
      } {sc.loop_unroll_factor = 8 : i64, sc.parallel_access}
      %mul3A_683 = arith.constant 8 : i32
      %mul3A_684 = arith.muli %add3A_403, %mul3A_683 : i32
      %add3A_685 = arith.constant 7 : i32
      %add3A_686 = arith.addi %mul3A_684, %add3A_685 : i32
      %mul3A_687 = arith.constant 16 : i32
      %mul3A_688 = arith.muli %add3A_686, %mul3A_687 : i32
      %get3A_689 = arith.constant 0 : i32
      %get3A_690 = arith.index_cast %get3A_689 : i32 to index
      %get3A_691 = arith.index_cast %mul3A_688 : i32 to index
      %get3A_692 = tpu.vector_load %arg9[%get3A_690, %get3A_691] {strides = array<i32>} : memref<4x4096xf32, #tpu.memory_space<vmem>>, vector<1x16xf32>,
      %get3A_693 = vector.shape_cast %get3A_692 : vector<1x16xf32> to vector<16xf32>
      %mul3A_694 = arith.constant 16 : i32
      %mul3A_695 = arith.muli %add3A_686, %mul3A_694 : i32
      %get3A_696 = arith.constant 1 : i32
      %get3A_697 = arith.index_cast %get3A_696 : i32 to index
      %get3A_698 = arith.index_cast %mul3A_695 : i32 to index
      %get3A_699 = tpu.vector_load %arg9[%get3A_697, %get3A_698] {strides = array<i32>} : memref<4x4096xf32, #tpu.memory_space<vmem>>, vector<1x16xf32>,
      %get3A_700 = vector.shape_cast %get3A_699 : vector<1x16xf32> to vector<16xf32>
      %mul3A_701 = arith.constant 16 : i32
      %mul3A_702 = arith.muli %add3A_686, %mul3A_701 : i32
      %get3A_703 = arith.constant 2 : i32
      %get3A_704 = arith.index_cast %get3A_703 : i32 to index
      %get3A_705 = arith.index_cast %mul3A_702 : i32 to index
      %get3A_706 = tpu.vector_load %arg9[%get3A_704, %get3A_705] {strides = array<i32>} : memref<4x4096xf32, #tpu.memory_space<vmem>>, vector<1x16xf32>,
      %get3A_707 = vector.shape_cast %get3A_706 : vector<1x16xf32> to vector<16xf32>
      %mul3A_708 = arith.constant 16 : i32
      %mul3A_709 = arith.muli %add3A_686, %mul3A_708 : i32
      %get3A_710 = arith.constant 3 : i32
      %get3A_711 = arith.index_cast %get3A_710 : i32 to index
      %get3A_712 = arith.index_cast %mul3A_709 : i32 to index
      %get3A_713 = tpu.vector_load %arg9[%get3A_711, %get3A_712] {strides = array<i32>} : memref<4x4096xf32, #tpu.memory_space<vmem>>, vector<1x16xf32>,
      %get3A_714 = vector.shape_cast %get3A_713 : vector<1x16xf32> to vector<16xf32>
      %parallel_loop3A_715 = arith.constant 0 : i32
      %parallel_loop3A_716 = arith.constant 2048 : i32
      %parallel_loop3A_717 = arith.constant 16 : i32
      scf.for %parallel_loop3A_734 = %parallel_loop3A_715 to %parallel_loop3A_716 step %parallel_loop3A_717  : i32 {
        %parallel_loop3A_735 = arith.constant 1 : i32
        %parallel_loop3A_736 = arith.constant 7 : i32
        %parallel_loop3A_737 = arith.index_cast %parallel_loop3A_735 : i32 to index
        %parallel_loop3A_738 = arith.index_cast %parallel_loop3A_736 : i32 to index
        %parallel_loop3A_739 = arith.index_cast %parallel_loop3A_734 : i32 to index
        %parallel_loop3A_740 = tpu.vector_load %arg10[%parallel_loop3A_737, %parallel_loop3A_738, %parallel_loop3A_739] {strides = array<i32>} : memref<2x8x2048xf32, #tpu.memory_space<vmem>>, vector<1x1x16xf32>,
        %parallel_loop3A_741 = vector.shape_cast %parallel_loop3A_740 : vector<1x1x16xf32> to vector<16xf32>
        %parallel_loop3A_742 = arith.constant 1 : i32
        %parallel_loop3A_743 = arith.constant 7 : i32
        %parallel_loop3A_744 = arith.index_cast %parallel_loop3A_742 : i32 to index
        %parallel_loop3A_745 = arith.index_cast %parallel_loop3A_743 : i32 to index
        %parallel_loop3A_746 = arith.index_cast %parallel_loop3A_734 : i32 to index
        %parallel_loop3A_747 = tpu.vector_load %arg11[%parallel_loop3A_744, %parallel_loop3A_745, %parallel_loop3A_746] {strides = array<i32>} : memref<2x8x2048xf32, #tpu.memory_space<vmem>>, vector<1x1x16xf32>,
        %parallel_loop3A_748 = vector.shape_cast %parallel_loop3A_747 : vector<1x1x16xf32> to vector<16xf32>
        %parallel_loop3A_749 = arith.mulf %get3A_700, %parallel_loop3A_741 : vector<16xf32>
        %parallel_loop3A_750 = arith.addf %get3A_693, %parallel_loop3A_749 : vector<16xf32>
        %parallel_loop3A_751 = arith.mulf %get3A_714, %parallel_loop3A_741 : vector<16xf32>
        %parallel_loop3A_752 = arith.addf %get3A_707, %parallel_loop3A_751 : vector<16xf32>
        %parallel_loop3A_753 = arith.mulf %parallel_loop3A_752, %parallel_loop3A_748 : vector<16xf32>
        %parallel_loop3A_754 = arith.addf %parallel_loop3A_750, %parallel_loop3A_753 : vector<16xf32>
        %parallel_loop3A_755 = arith.constant 1 : i32
        %parallel_loop3A_756 = arith.constant 7 : i32
        %parallel_loop3A_757 = arith.index_cast %parallel_loop3A_755 : i32 to index
        %parallel_loop3A_758 = arith.index_cast %parallel_loop3A_756 : i32 to index
        %parallel_loop3A_759 = arith.index_cast %parallel_loop3A_734 : i32 to index
        %parallel_loop3A_760 = tpu.vector_load %arg12[%parallel_loop3A_757, %parallel_loop3A_758, %parallel_loop3A_759] {strides = array<i32>} : memref<2x8x2048xf32, #tpu.memory_space<vmem>>, vector<1x1x16xf32>,
        %parallel_loop3A_761 = vector.shape_cast %parallel_loop3A_760 : vector<1x1x16xf32> to vector<16xf32>
        %parallel_loop3A_762 = vector.shape_cast %parallel_loop3A_754 : vector<16xf32> to vector<1x1x16xf32>
        tpu.vector_store %arg12[%parallel_loop3A_757, %parallel_loop3A_758, %parallel_loop3A_759], %parallel_loop3A_762 {strides = array<i32>} : memref<2x8x2048xf32, #tpu.memory_space<vmem>>, vector<1x1x16xf32>,
      } {sc.loop_unroll_factor = 8 : i64, sc.parallel_access}
      %mul3A_718 = arith.constant 8 : i32
      %mul3A_719 = arith.muli %add3A_403, %mul3A_718 : i32
      %add3A_720 = arith.addi %mul3A_2, %mul3A_719 : i32
      %dma_start3A_721 = arith.constant 1 : i32
      %dma_start3A_722 = arith.constant 0 : i32
      %dma_start3A_723 = arith.constant 0 : i32
      %dma_start3A_724 = tpu.memref_slice %arg12[%dma_start3A_721, %dma_start3A_722, %dma_start3A_723] : memref<2x8x2048xf32, #tpu.memory_space<vmem>> -> memref<1x8x2048xf32, #tpu.memory_space<vmem>>
      %dma_start3A_725 = tpu.memref_squeeze %dma_start3A_724 : memref<1x8x2048xf32, #tpu.memory_space<vmem>> -> memref<8x2048xf32, #tpu.memory_space<vmem>>
      %dma_start3A_726 = arith.constant 0 : i32
      %dma_start3A_727 = tpu.memref_slice %arg6[%add3A_720, %dma_start3A_726] : memref<8192x2048xf32, #tpu.memory_space<hbm>> -> memref<8x2048xf32, #tpu.memory_space<hbm>>
      %dma_start3A_728 = arith.constant 0 : i32
      %dma_start3A_729 = tpu.memref_slice %arg6[%add3A_720, %dma_start3A_728] : memref<8192x2048xf32, #tpu.memory_space<hbm>> -> memref<8x2048xf32, #tpu.memory_space<hbm>>
      %dma_start3A_730 = arith.constant 0 : i32
      %dma_start3A_731 = arith.constant 0 : i32
      %dma_start3A_732 = tpu.memref_slice %arg12[%dma_start3A_721, %dma_start3A_730, %dma_start3A_731] : memref<2x8x2048xf32, #tpu.memory_space<vmem>> -> memref<1x8x2048xf32, #tpu.memory_space<vmem>>
      %dma_start3A_733 = tpu.memref_squeeze %dma_start3A_732 : memref<1x8x2048xf32, #tpu.memory_space<vmem>> -> memref<8x2048xf32, #tpu.memory_space<vmem>>
      tpu.enqueue_dma source(%dma_start3A_733 : memref<8x2048xf32, #tpu.memory_space<vmem>>) target(%dma_start3A_729 : memref<8x2048xf32, #tpu.memory_space<hbm>>) target_semaphore(%arg16 : memref<!tpu.dma_semaphore, #tpu.memory_space<semaphore_mem>>)
    }
    %scan3A_41 = arith.constant 16 : i32
    %add3A_42 = arith.constant 240 : i32
    %add3A_43 = arith.addi %mul3A_2, %add3A_42 : i32
    %dma_wait3A = arith.constant 0 : i32
    %dma_wait3A_44 = arith.constant 0 : i32
    %dma_wait3A_45 = arith.constant 0 : i32
    %dma_wait3A_46 = tpu.memref_slice %arg12[%dma_wait3A, %dma_wait3A_44, %dma_wait3A_45] : memref<2x8x2048xf32, #tpu.memory_space<vmem>> -> memref<1x8x2048xf32, #tpu.memory_space<vmem>>
    %dma_wait3A_47 = tpu.memref_squeeze %dma_wait3A_46 : memref<1x8x2048xf32, #tpu.memory_space<vmem>> -> memref<8x2048xf32, #tpu.memory_space<vmem>>
    %dma_wait3A_48 = arith.constant 0 : i32
    %dma_wait3A_49 = tpu.memref_slice %arg6[%add3A_43, %dma_wait3A_48] : memref<8192x2048xf32, #tpu.memory_space<hbm>> -> memref<8x2048xf32, #tpu.memory_space<hbm>>
    %dma_wait3A_50 = arith.constant 0 : i32
    %dma_wait3A_51 = tpu.memref_slice %arg6[%add3A_43, %dma_wait3A_50] : memref<8192x2048xf32, #tpu.memory_space<hbm>> -> memref<8x2048xf32, #tpu.memory_space<hbm>>
    %dma_wait3A_52 = arith.constant 0 : i32
    %dma_wait3A_53 = arith.constant 0 : i32
    %dma_wait3A_54 = tpu.memref_slice %arg12[%dma_wait3A, %dma_wait3A_52, %dma_wait3A_53] : memref<2x8x2048xf32, #tpu.memory_space<vmem>> -> memref<1x8x2048xf32, #tpu.memory_space<vmem>>
    %dma_wait3A_55 = tpu.memref_squeeze %dma_wait3A_54 : memref<1x8x2048xf32, #tpu.memory_space<vmem>> -> memref<8x2048xf32, #tpu.memory_space<vmem>>
    tpu.wait_dma2 semaphore(%arg15 : memref<!tpu.dma_semaphore, #tpu.memory_space<semaphore_mem>>) src(%dma_wait3A_55 : memref<8x2048xf32, #tpu.memory_space<vmem>>) dst(%dma_wait3A_51 : memref<8x2048xf32, #tpu.memory_space<hbm>>)
    %add3A_56 = arith.constant 248 : i32
    %add3A_57 = arith.addi %mul3A_2, %add3A_56 : i32
    %dma_wait3A_58 = arith.constant 1 : i32
    %dma_wait3A_59 = arith.constant 0 : i32
    %dma_wait3A_60 = arith.constant 0 : i32
    %dma_wait3A_61 = tpu.memref_slice %arg12[%dma_wait3A_58, %dma_wait3A_59, %dma_wait3A_60] : memref<2x8x2048xf32, #tpu.memory_space<vmem>> -> memref<1x8x2048xf32, #tpu.memory_space<vmem>>
    %dma_wait3A_62 = tpu.memref_squeeze %dma_wait3A_61 : memref<1x8x2048xf32, #tpu.memory_space<vmem>> -> memref<8x2048xf32, #tpu.memory_space<vmem>>
    %dma_wait3A_63 = arith.constant 0 : i32
    %dma_wait3A_64 = tpu.memref_slice %arg6[%add3A_57, %dma_wait3A_63] : memref<8192x2048xf32, #tpu.memory_space<hbm>> -> memref<8x2048xf32, #tpu.memory_space<hbm>>
    %dma_wait3A_65 = arith.constant 0 : i32
    %dma_wait3A_66 = tpu.memref_slice %arg6[%add3A_57, %dma_wait3A_65] : memref<8192x2048xf32, #tpu.memory_space<hbm>> -> memref<8x2048xf32, #tpu.memory_space<hbm>>
    %dma_wait3A_67 = arith.constant 0 : i32
    %dma_wait3A_68 = arith.constant 0 : i32
    %dma_wait3A_69 = tpu.memref_slice %arg12[%dma_wait3A_58, %dma_wait3A_67, %dma_wait3A_68] : memref<2x8x2048xf32, #tpu.memory_space<vmem>> -> memref<1x8x2048xf32, #tpu.memory_space<vmem>>
    %dma_wait3A_70 = tpu.memref_squeeze %dma_wait3A_69 : memref<1x8x2048xf32, #tpu.memory_space<vmem>> -> memref<8x2048xf32, #tpu.memory_space<vmem>>
    tpu.wait_dma2 semaphore(%arg16 : memref<!tpu.dma_semaphore, #tpu.memory_space<semaphore_mem>>) src(%dma_wait3A_70 : memref<8x2048xf32, #tpu.memory_space<vmem>>) dst(%dma_wait3A_66 : memref<8x2048xf32, #tpu.memory_space<hbm>>)
    return
  }
}

module attributes {stable_mosaic.version = 14 : i64} {
  func.func @_coef_body(%arg0: memref<8192x16xf32, #tpu.memory_space<vmem>>, %arg1: memref<4x16xf32, #tpu.memory_space<vmem>>, %arg2: memref<4x8192xf32, #tpu.memory_space<vmem>>) attributes {dimension_semantics = [], scalar_prefetch = 0 : i64, scratch_operands = 0 : i64, tpu.core_type = #tpu.core_type<tc>} {
    %get3A = arith.constant 0 : index
    %get3A_0 = arith.constant 0 : index
    %get3A_1 = vector.load %arg0[%get3A, %get3A_0] : memref<8192x16xf32, #tpu.memory_space<vmem>>, vector<8192x16xf32>
    %reduce_max3A = arith.constant dense<0xFF800000> : vector<8192xf32>
    %reduce_max3A_2 = vector.multi_reduction <maximumf>, %get3A_1, %reduce_max3A [1] : vector<8192x16xf32> to vector<8192xf32>
    %broadcast_in_dim3A = vector.shape_cast %reduce_max3A_2 : vector<8192xf32> to vector<8192x1xf32>
    %sub3A = vector.broadcast %broadcast_in_dim3A : vector<8192x1xf32> to vector<8192x16xf32>
    %sub3A_3 = arith.subf %get3A_1, %sub3A : vector<8192x16xf32>
    %exp3A = math.exp %sub3A_3 : vector<8192x16xf32>
    %reduce_sum3A = arith.constant dense<0.000000e+00> : vector<8192xf32>
    %reduce_sum3A_4 = vector.multi_reduction <add>, %exp3A, %reduce_sum3A [1] : vector<8192x16xf32> to vector<8192xf32>
    %broadcast_in_dim3A_5 = vector.shape_cast %reduce_sum3A_4 : vector<8192xf32> to vector<8192x1xf32>
    %div3A = vector.broadcast %broadcast_in_dim3A_5 : vector<8192x1xf32> to vector<8192x16xf32>
    %div3A_6 = arith.divf %exp3A, %div3A : vector<8192x16xf32>
    %get3A_7 = arith.constant 0 : index
    %get3A_8 = arith.constant 0 : index
    %get3A_9 = vector.load %arg1[%get3A_7, %get3A_8] : memref<4x16xf32, #tpu.memory_space<vmem>>, vector<1x16xf32>
    %get3A_10 = vector.shape_cast %get3A_9 : vector<1x16xf32> to vector<16xf32>
    %broadcast_in_dim3A_11 = vector.shape_cast %get3A_10 : vector<16xf32> to vector<1x16xf32>
    %mul3A = vector.broadcast %broadcast_in_dim3A_11 : vector<1x16xf32> to vector<8192x16xf32>
    %mul3A_12 = arith.mulf %div3A_6, %mul3A : vector<8192x16xf32>
    %reduce_sum3A_13 = arith.constant dense<0.000000e+00> : vector<8192xf32>
    %reduce_sum3A_14 = vector.multi_reduction <add>, %mul3A_12, %reduce_sum3A_13 [1] : vector<8192x16xf32> to vector<8192xf32>
    %get3A_15 = arith.constant 1 : index
    %get3A_16 = arith.constant 0 : index
    %get3A_17 = vector.load %arg1[%get3A_15, %get3A_16] : memref<4x16xf32, #tpu.memory_space<vmem>>, vector<1x16xf32>
    %get3A_18 = vector.shape_cast %get3A_17 : vector<1x16xf32> to vector<16xf32>
    %broadcast_in_dim3A_19 = vector.shape_cast %get3A_18 : vector<16xf32> to vector<1x16xf32>
    %mul3A_20 = vector.broadcast %broadcast_in_dim3A_19 : vector<1x16xf32> to vector<8192x16xf32>
    %mul3A_21 = arith.mulf %div3A_6, %mul3A_20 : vector<8192x16xf32>
    %reduce_sum3A_22 = arith.constant dense<0.000000e+00> : vector<8192xf32>
    %reduce_sum3A_23 = vector.multi_reduction <add>, %mul3A_21, %reduce_sum3A_22 [1] : vector<8192x16xf32> to vector<8192xf32>
    %get3A_24 = arith.constant 2 : index
    %get3A_25 = arith.constant 0 : index
    %get3A_26 = vector.load %arg1[%get3A_24, %get3A_25] : memref<4x16xf32, #tpu.memory_space<vmem>>, vector<1x16xf32>
    %get3A_27 = vector.shape_cast %get3A_26 : vector<1x16xf32> to vector<16xf32>
    %broadcast_in_dim3A_28 = vector.shape_cast %get3A_27 : vector<16xf32> to vector<1x16xf32>
    %mul3A_29 = vector.broadcast %broadcast_in_dim3A_28 : vector<1x16xf32> to vector<8192x16xf32>
    %mul3A_30 = arith.mulf %div3A_6, %mul3A_29 : vector<8192x16xf32>
    %reduce_sum3A_31 = arith.constant dense<0.000000e+00> : vector<8192xf32>
    %reduce_sum3A_32 = vector.multi_reduction <add>, %mul3A_30, %reduce_sum3A_31 [1] : vector<8192x16xf32> to vector<8192xf32>
    %get3A_33 = arith.constant 3 : index
    %get3A_34 = arith.constant 0 : index
    %get3A_35 = vector.load %arg1[%get3A_33, %get3A_34] : memref<4x16xf32, #tpu.memory_space<vmem>>, vector<1x16xf32>
    %get3A_36 = vector.shape_cast %get3A_35 : vector<1x16xf32> to vector<16xf32>
    %broadcast_in_dim3A_37 = vector.shape_cast %get3A_36 : vector<16xf32> to vector<1x16xf32>
    %mul3A_38 = vector.broadcast %broadcast_in_dim3A_37 : vector<1x16xf32> to vector<8192x16xf32>
    %mul3A_39 = arith.mulf %div3A_6, %mul3A_38 : vector<8192x16xf32>
    %reduce_sum3A_40 = arith.constant dense<0.000000e+00> : vector<8192xf32>
    %reduce_sum3A_41 = vector.multi_reduction <add>, %mul3A_39, %reduce_sum3A_40 [1] : vector<8192x16xf32> to vector<8192xf32>
    %stack3A = vector.shape_cast %reduce_sum3A_14 : vector<8192xf32> to vector<1x8192xf32>
    %stack3A_42 = vector.shape_cast %reduce_sum3A_23 : vector<8192xf32> to vector<1x8192xf32>
    %stack3A_43 = vector.shape_cast %reduce_sum3A_32 : vector<8192xf32> to vector<1x8192xf32>
    %stack3A_44 = vector.shape_cast %reduce_sum3A_41 : vector<8192xf32> to vector<1x8192xf32>
    %stack3A_45 = tpu.concatenate %stack3A, %stack3A_42, %stack3A_43, %stack3A_44 in 0 : vector<1x8192xf32>, vector<1x8192xf32>, vector<1x8192xf32>, vector<1x8192xf32> -> vector<4x8192xf32>
    %swap3A = arith.constant 0 : index
    %swap3A_46 = arith.constant 0 : index
    %swap3A_47 = vector.load %arg2[%swap3A, %swap3A_46] : memref<4x8192xf32, #tpu.memory_space<vmem>>, vector<4x8192xf32>
    tpu.vector_store %arg2[%swap3A, %swap3A_46], %stack3A_45 {strides = array<i32>} : memref<4x8192xf32, #tpu.memory_space<vmem>>, vector<4x8192xf32>,
    return
  }
}

</mosaic_0001>

<sc_bundles>
// kernel: kernel.4.cloned.1.call-start
scs
__scs_entry_jumppad:
0x0: {  	(pc) =	sbr.rel $0x88, $3  }
0x1: {  	(tag) =	ssettag $0x0;
	lr =	simm.s32 $0x1  }
0x2: {  	[smem:$0x3F9D] =	sst lr;
	_ =	strace $0xD0000000  }
0x3: {  	_ = 	snop  }
0x4: {  	_ = 	snop  }
0x5: {  	_ = 	snop  }
0x6: {  	_ = 	snop  }
0x7: {  	_ = 	snop  }
__scs_overlays_trampoline_lowered:
0x8: {  	[smem:$0x3FAC] =	sst s0  }
0x9: {  	[smem:$0x3FAD] =	sst s1  }
0xa: {  	[smem:$0x3FAE] =	sst s2  }
0xb: {  	[smem:$0x3FAF] =	sst s3  }
0xc: {  	[smem:$0x3FB0] =	sst s4  }
0xd: {  	[smem:$0x3FB1] =	sst s5  }
0xe: {  	[smem:$0x3FB2] =	sst s6  }
0xf: {  	[smem:$0x3FB3] =	sst s7  }
0x10: {  	[smem:$0x3FB4] =	sst s8  }
0x11: {  	[smem:$0x3FB5] =	sst s9;
	s0 =	simm.s32 @!p0 $0x0  }
0x12: {  	s1 =	sld [smem:$0x3F9B];
	s0 =	simm.s32 @p0 $0x1  }
0x13: {  	[smem:$0x3FB6] =	sst s0;
	s0 =	simm.s32 @!p1 $0x0  }
0x14: {  	s2 =	sld [smem:$0x3F9A];
	s0 =	simm.s32 @p1 $0x1  }
0x15: {  	[smem:$0x3FB7] =	sst s0;
	s0 =	simm.s32 @!p2 $0x0  }
0x16: {  	s3 =	sld [smem:$0x3FDB];
	s0 =	simm.s32 @p2 $0x1  }
0x17: {  	s4 =	simm.s32 $0x1BF5;
	[smem:$0x3FB9] =	sst s0  }
0x18: {  	s0 =	sld [smem:$0x3F9C];
	_ =	swait.ge [sflag:s4], $0x0  }
0x19: {  	s7 =	sld [smem:$0x3F9D]  }
0x1a: {  	s8 =	sadd.s32 $0xFFFFE003, lr  }
0x1b: {  	s9 =	sadd.s32 $0xFFFFFEF7, lr;
	s5 =	simm.s32 $0xFFFFFFFF;
	p2 =	slt.u32 s8, $0xFFFFF086  }
0x1c: {  	p1 =	slt.u32 s9, $0xF7A;
	s5 =	simm.s32 @!p2 $0x0  }
0x1d: {  	s5 =	simm.s32 @p1 $0x1;
	p0 =	seq.s32 s7, s2  }
0x1e: {  	s7 =	smul.u32 @!p0 $0xF7A, s2;
	p2 =	seq.s32 @!p0 s5, $0x0  }
0x1f: {  	s9 =	smul.u32 $0xF7A, s1;
	s8 =	simm.s32 @!p0 $0x1BF5;
	p2 =	por !p2, p0  }
0x20: {  	[sflag:s8] =	ssyncset.s32 @!p0 $0xFFFFF086;
	s6 =	sadd.s32 @!p0 s3, s7;
	s7 =	simm.s32 @!p0 $0x108  }
0x21: {  	s3 =	sadd.s32 s3, s9;
	s6 =	sadd.s32 @!p0 $0x88, s6;
	s7 =	simm.s32 @p2 $0x1082  }
0x22: {  	[simem:s7], [sflag:s8] =	dma.local @!p0 [hbm:s6], $0xF7A  }
0x23: {  	s9 =	sor.u32 $0xD0000000, s2;
	s6 =	simm.s32 $0x108;
	_ =	swait.ge @!p0 [sflag:s8], $0x0  }
0x24: {  	s3 =	sadd.s32 $0x88, s3;
	s6 =	simm.s32 @!p1 $0x1082;
	[sflag:s4] =	ssyncset.s32 $0xFFFFF086  }
0x25: {  	[simem:s6], [sflag:s4] =	dma.local [hbm:s3], $0xF7A  }
0x26: {  	[smem:$0x3F9D] =	sst s1;
	(tag) =	ssettag s2;
	_ =	strace s9  }
0x27: {  	s1 =	sld [smem:$0x3FAD]  }
0x28: {  	s2 =	sld [smem:$0x3FAE]  }
0x29: {  	s4 =	sld [smem:$0x3FB0]  }
0x2a: {  	p0 =	seq.s32 s5, $0x0;
	s5 =	sld [smem:$0x3FB1]  }
0x2b: {  	s6 =	sld [smem:$0x3FB2]  }
0x2c: {  	s7 =	sld [smem:$0x3FB3]  }
0x2d: {  	s3 =	simm.s32 $0x108;
	s8 =	sld [smem:$0x3FB4]  }
0x2e: {  	s3 =	simm.s32 @!p0 $0x1082;
	s9 =	sld [smem:$0x3FB5]  }
0x2f: {  	lr =	sadd.s32 s0, s3;
	s0 =	sld [smem:$0x3FAC]  }
0x30: {  	s3 =	sld [smem:$0x3FAF]  }
0x31: {  	[smem:$0x3FB8] =	sst s10  }
0x32: {  	s10 =	sld [smem:$0x3FB6];
	_ =	sdelay $0x3  }
0x33: {  	p0 =	seq.s32 s10, $0x1;
	s10 =	sld [smem:$0x3FB8];
	_ =	sdelay $0x3  }
0x34: {  	[smem:$0x3FB8] =	sst s10  }
0x35: {  	s10 =	sld [smem:$0x3FB7];
	_ =	sdelay $0x3  }
0x36: {  	p1 =	seq.s32 s10, $0x1;
	s10 =	sld [smem:$0x3FB8];
	_ =	sdelay $0x3  }
0x37: {  	[smem:$0x3FB8] =	sst s10  }
0x38: {  	s10 =	sld [smem:$0x3FB9]  }
0x39: {  	_ = 	snop;
	(pc) =	sbr.ind lr, $3  }
0x3a: {  	_ = 	snop  }
0x3b: {  	_ = 	snop  }
0x3c: {  	p2 =	seq.s32 s10, $0x1;
	s10 =	sld [smem:$0x3FB8]  }
0x3d: {  	_ =	shalt  }
0x3e: {  	_ =	shalt  }
0x3f: {  	_ =	shalt  }
0x40: {  	_ =	shalt  }
0x41: {  	_ =	shalt  }
0x42: {  	_ =	shalt  }
0x43: {  	_ =	shalt  }
0x44: {  	_ =	shalt  }
0x45: {  	_ =	shalt  }
0x46: {  	_ =	shalt  }
0x47: {  	_ =	shalt  }
0x48: {  	_ =	shalt  }
0x49: {  	_ =	shalt  }
0x4a: {  	_ =	shalt  }
0x4b: {  	_ =	shalt  }
0x4c: {  	_ =	shalt  }
0x4d: {  	_ =	shalt  }
0x4e: {  	_ =	shalt  }
0x4f: {  	_ =	shalt  }
0x50: {  	_ =	shalt  }
0x51: {  	_ =	shalt  }
0x52: {  	_ =	shalt  }
0x53: {  	_ =	shalt  }
0x54: {  	_ =	shalt  }
0x55: {  	_ =	shalt  }
0x56: {  	_ =	shalt  }
0x57: {  	_ =	shalt  }
0x58: {  	_ =	shalt  }
0x59: {  	_ =	shalt  }
0x5a: {  	_ =	shalt  }
0x5b: {  	_ =	shalt  }
0x5c: {  	_ =	shalt  }
0x5d: {  	_ =	shalt  }
0x5e: {  	_ =	shalt  }
0x5f: {  	_ =	shalt  }
0x60: {  	_ =	shalt  }
0x61: {  	_ =	shalt  }
0x62: {  	_ =	shalt  }
0x63: {  	_ =	shalt  }
0x64: {  	_ =	shalt  }
0x65: {  	_ =	shalt  }
0x66: {  	_ =	shalt  }
0x67: {  	_ =	shalt  }
0x68: {  	_ =	shalt  }
0x69: {  	_ =	shalt  }
0x6a: {  	_ =	shalt  }
0x6b: {  	_ =	shalt  }
0x6c: {  	_ =	shalt  }
0x6d: {  	_ =	shalt  }
0x6e: {  	_ =	shalt  }
0x6f: {  	_ =	shalt  }
0x70: {  	_ =	shalt  }
0x71: {  	_ =	shalt  }
0x72: {  	_ =	shalt  }
0x73: {  	_ =	shalt  }
0x74: {  	_ =	shalt  }
0x75: {  	_ =	shalt  }
0x76: {  	_ =	shalt  }
0x77: {  	_ =	shalt  }
0x78: {  	_ =	shalt  }
0x79: {  	_ =	shalt  }
0x7a: {  	_ =	shalt  }
0x7b: {  	_ =	shalt  }
0x7c: {  	_ =	shalt  }
0x7d: {  	_ =	shalt  }
0x7e: {  	_ =	shalt  }
0x7f: {  	_ =	shalt  }
0x80: {  	_ =	shalt  }
0x81: {  	_ =	shalt  }
0x82: {  	_ =	shalt  }
0x83: {  	_ =	shalt  }
0x84: {  	_ =	shalt  }
0x85: {  	_ =	shalt  }
0x86: {  	_ =	shalt  }
0x87: {  	_ =	shalt  }
.Lfunc_end0:
.L_simem_size_0:
called_computation.1_lowered:
.L_overlay_start_0:
0x88: {  	s2 =	sld [smem:$0x3FD9]  }
0x89: {  	s3 =	sld [smem:$0x3FFE];
	_ =	sdelay $0x1  }
0x8a: {  	s1 =	srdreg.scid  }
0x8b: {  	s0 =	sand.u32 $0x1, s1  }
0x8c: {  	s17 =	sshll.u32 s0, $0xA;
	s2 =	sadd.s32 s3, s2  }
0x8d: {  	s2 =	sadd.s32 s2, s17  }
0x8e: {  	[smem:$0x3FC4] =	sst s2  }
0x8f: {  	_ = 	snop  }
0x90: {  	s2 =	sld [smem:$0x3FC7]  }
0x91: {  	s18 =	sld [smem:$0x3FC6]  }
0x92: {  	s4 =	sld [smem:$0x3FD0];
	(tm) =	ssettm $0x1  }
0x93: {  	s5 =	sld [smem:$0x3FFB];
	_ =	sdelay $0x3  }
0x94: {  	_ =	strace s5  }
0x95: {  	s5 =	sld [smem:$0x3FFC];
	_ =	sdelay $0x3  }
0x96: {  	_ =	strace s5  }
0x97: {  	s5 =	sld [smem:$0x3FFD];
	_ =	sdelay $0x3  }
0x98: {  	_ =	strace s5  }
0x99: {  	_ =	strace $0x8FFFFFFF  }
0x9a: {  	s19 =	sld [smem:$0x3FDB];
	_ =	sdelay $0x1  }
0x9b: {  	s6 =	simm.s32 $_scs_section_size  }
0x9c: {  	s7 =	simm.s32 $_size__tile_overlayer_lowered;
	s8 =	simm.s32 $_tile_overlayer_lowered  }
0x9d: {  	s22 =	simm.s32 $0x1BFF;
	s21 =	sshll.u32 s8, $0x1;
	s5 =	sadd.s32 s6, s19  }
0x9e: {  	s9 =	simm.s32 $0x0;
	s20 =	sshll.u32 s7, $0x1;
	s7 =	sadd.s32 s21, s5  }
0x9f: {  	[timem:s9], [sflag:s22] =	dma.local [hbm:s7], s20  }
0xa0: {  	_ =	swait.ge [sflag:s22], s20  }
0xa1: {  	s6 =	ssub.s32 $0x0, s20;
	[sflag:s22] =	ssyncset.done $0x0  }
0xa2: {  	[sflag:s22] =	ssyncadd.s32 s6;
	_ =	sdelay $0x1  }
0xa3: {  	s23 =	simm.s32 $0x1B8B  }
0xa4: {  	_ =	swait.ge [sflag:s23], $0x1  }
0xa5: {  	[sflag:s23] =	ssyncset.done $0x0  }
0xa6: {  	s25 =	simm.s32 $0x1B8E;
	s24 =	sld [smem:$0x3FFE];
	[sflag:s23] =	ssyncadd.s32 $0xFFFFFFFF  }
0xa7: {  	s26 =	simm.s32 $execute0_lowered;
	[smem:$0x3FD2] =	sst s25  }
0xa8: {  	s7 =	sshll.u32 s26, $0x1;
	_ =	strace $0x80000046;
	[dreg:$0x1] =	wrdreg $0xFFFFFFFF  }
0xa9: {  	s28 =	simm.s32 $_size_execute0_lowered;
	s5 =	sadd.s32 s5, s7;
	[dreg:$0x0] =	wrdreg $0x0  }
0xaa: {  	s7 =	sshll.u32 s28, $0x1;
	[dreg:$0x2] =	wrdreg s5  }
0xab: {  	[dreg:$0x3] =	wrdreg s7  }
0xac: {  	[dreg:$0x4] =	wrdreg $0xC0  }
0xad: {  	_ =	task [dreg:s9], $0x5FFFF  }
0xae: {  	[dreg:$0x1] =	wrdreg $0xFFFFFFFF  }
0xaf: {  	[dreg:$0x0] =	wrdreg $0x60  }
0xb0: {  	[dreg:$0x2] =	wrdreg s4  }
0xb1: {  	[dreg:$0x3] =	wrdreg s24  }
0xb2: {  	[dreg:$0x4] =	wrdreg s2  }
0xb3: {  	[dreg:$0x5] =	wrdreg s18  }
0xb4: {  	[dreg:$0x6] =	wrdreg $0x9  }
0xb5: {  	_ =	task.clear_ibuf [dreg:s9], $0x7FFFF;
	_ =	strace $0x90000046  }
0xb6: {  	s29 =	simm.s32 $0x9;
	_ =	strace $0x80000048  }
0xb7: {  	_ =	swait.ge [sflag:s29], $0x1  }
0xb8: {  	[sflag:s29] =	ssyncadd.s32 $0xFFFFFFFF  }
0xb9: {  	_ =	strace $0x90000048  }
0xba: {  	_ =	sfence  }
0xbb: {  	s30 =	sld [smem:$0x0];
	_ =	sdelay $0x2  }
0xbc: {  	s31 =	sshll.u32 s1, $0xD;
	s1 =	sshrl.u32 s1, $0x2  }
0xbd: {  	s3 =	sand.u32 $0x4000, s31;
	s1 =	sadd.s32 s1, s30  }
0xbe: {  	s0 =	sor.u32 s3, s0;
	s1 =	sshll.u32 s1, $0x11  }
0xbf: {  	s0 =	sor.u32 s1, s0  }
0xc0: {  	s0 =	sadd.s32 $0x8F2B, s0  }
0xc1: {  	[sflag:s0] =	ssyncadd.remote.s32 $0x1  }
0xc2: {  	_ =	sfence.sel $0xFFFF  }
0xc3: {  	[dreg:$0x0] =	wrdreg $0xFFFFFFFF;
	(pc) =	sbr.abs _section_cstart, $3  }
0xc4: {  	[dreg:$0x1] =	wrdreg $0xFFFFFFFF  }
0xc5: {  	_ =	task.clear_ibuf [dreg:s9], $0x2FFFF;
	_ =	strace $0x9FFFFFFF  }
0xc6: {  	(tm) =	ssettm $0x7FFFFFFF  }
0xc7: {  	_ =	shalt  }
tec
execute0_lowered:
.L_overlay_start_1:
0x0: {  	(tag) =	ssettag $0x1  }
0x1: {  	s1 =	rddreg [dreg:$0x0]  }
0x2: {  	s0 =	rddreg [dreg:$0x1]  }
0x3: {  	s2 =	rddreg [dreg:$0x2]  }
0x4: {  	s4 =	rddreg [dreg:$0x3]  }
0x5: {  	s5 =	srdreg.scid;
	s6 =	stileid.u32;
	s3 =	simm.s32 $0x0  }
0x6: {  	s21 =	simm.s32 $0x5;
	s18 =	simm.s32 $0x12A00;
	s19 =	simm.s32 $0x13200  }
0x7: {  	s28 =	simm.s32 $0x14200;
	s29 =	simm.s32 $0x18200;
	s30 =	simm.s32 $0x4  }
0x8: {  	s5 =	sand.u32 $0x1, s5;
	s6 =	sshll.u32 s6, $0x1;
	[smem:$0x7FF] =	sst s3  }
0x9: {  	s10 =	sadd.s32 $0x100, s1;
	s11 =	sadd.s32 $0x200, s1;
	s12 =	sadd.s32 $0x300, s1  }
0xa: {  	s13 =	sadd.s32 $0x400, s1;
	s14 =	sadd.s32 $0x500, s1;
	s15 =	sadd.s32 $0x600, s1  }
0xb: {  	s16 =	sadd.s32 $0x700, s1;
	s6 =	sor.u32 s5, s6;
	_ =	strace $0x80000047  }
0xc: {  	s5 =	ssub.s32 $0x2, s5;
	s7 =	sshll.u32 s6, $0xB;
	s24 =	sshll.u32 s6, $0x10  }
0xd: {  	s25 =	sshrl.u32 s5, $0x1;
	s6 =	sshll.u32 s6, $0x5;
	s9 =	sadd.s32 s7, s0  }
0xe: {  	s0 =	sadd.s32 s24, s0;
	s5 =	ssub.s32 s5, s25;
	s2 =	sadd.s32 s2, s6  }
0xf: {  	s26 =	sadd.s32 s4, s6;
	s24 =	simm.s32 $0x1;
	[dreg:$0x5] =	wrdreg s2  }
0x10: {  	s25 =	simm.s32 $0x2;
	[dreg:$0x6] =	wrdreg s26;
	s6 =	sadd.s32 $0xA00, s9  }
0x11: {  	v0 =	vlaneseq.u32;
	s7 =	sadd.s32 $0xA10, s9;
	s8 =	sadd.s32 $0xA20, s9;
	s9 =	sadd.s32 $0xA30, s9  }
0x12: {  	v1 =	vshrl.u32 v0, $0x3;
	s17 =	sadd.s32 $0x10A00, s0;
	s31 =	smax.u32 s5, $0x1;
	s5 =	simm.s32 $0x12200  }
0x13: {  	vm0 =	vmmov $0xffff;
	v0 =	vand.u32 $0x7, v0;
	v1 =	vmul.u32 $0x8, v1;
	s26 =	simm.s32 $0x13A00;
	s2 =	simm.s32 $0x0;
	[dreg:$0x7] =	wrdreg s31  }
.LBB2_1:
0x14: {  	[dreg:$0x8] =	wrdreg s2  }
0x15: {  	s0 =	rddreg [dreg:$0x5]  }
0x16: {  	[tilespmem:s3], [sflag:$0x5] =	stream.linear.gather [hbm4b:s0+s3], $0x100, $0x38;
	[tilespmem:$0x1C200] =	vst v63  }
0x17: {  	_ =	swait.ge [sflag:s21], $0x100  }
0x18: {  	[sflag:s21] =	ssyncset.done $0x0  }
0x19: {  	s31 =	simm.s32 $0x100;
	s23 =	rddreg [dreg:$0x6];
	[sflag:s21] =	ssyncadd.s32 $0xFFFFFF00  }
0x1a: {  	[tilespmem:s31], [sflag:$0x5] =	stream.linear.gather [hbm4b:s23+s3], $0x100, $0x38;
	[tilespmem:$0x1C200] =	vst v63  }
0x1b: {  	_ =	swait.ge [sflag:s21], $0x100  }
0x1c: {  	s2 =	simm.s32 $0x40;
	s20 =	sadd.s32 $0x0, s6;
	[sflag:s21] =	ssyncset.done $0x0  }
0x1d: {  	s4 =	simm.s32 $0x400;
	s0 =	simm.s32 $0x200;
	[sflag:s21] =	ssyncadd.s32 $0xFFFFFF00  }
.LBB2_2:
0x1e: {  	[tilespmem:s0], [sflag:$0x5] =	stream.linear.gather [hbm4b:s20+s3], $0x80, $0x38;
	[tilespmem:$0x1C200] =	vst v63  }
0x1f: {  	s20 =	smov.u32 s2;
	s0 =	smov.u32 s4;
	p0 =	sne.s32 s2, $0x7C0  }
.Ltmp0:
0x20: {  	s2 =	sadd.s32 $0x40, s2;
	(pc) =	sbr.rel @p0 .LBB2_2-.Ltmp0, $2  }
0x21: {  	_ =	sdelay $0x2  }
0x22: {  	s4 =	sadd.s32 $0x200, s4;
	s20 =	sadd.s32 s20, s6  }
0x23: {  	[tilespmem:s0], [sflag:$0x5] =	stream.linear.gather [hbm4b:s20+s3], $0x80, $0x38;
	[tilespmem:$0x1C200] =	vst v63  }
0x24: {  	_ =	swait.ge [sflag:s21], $0x1000  }
0x25: {  	s0 =	simm.s32 $0x280;
	s2 =	simm.s32 $0x40;
	[sflag:s21] =	ssyncset.done $0x0  }
0x26: {  	s20 =	sadd.s32 $0x0, s7;
	s4 =	simm.s32 $0x480;
	[sflag:s21] =	ssyncadd.s32 $0xFFFFF000  }
.LBB2_4:
0x27: {  	[tilespmem:s0], [sflag:$0x5] =	stream.linear.gather [hbm4b:s20+s3], $0x80, $0x38;
	[tilespmem:$0x1C200] =	vst v63  }
0x28: {  	s20 =	smov.u32 s2;
	s0 =	smov.u32 s4;
	p0 =	sne.s32 s2, $0x7C0  }
.Ltmp1:
0x29: {  	s2 =	sadd.s32 $0x40, s2;
	(pc) =	sbr.rel @p0 .LBB2_4-.Ltmp1, $2  }
0x2a: {  	_ =	sdelay $0x2  }
0x2b: {  	s4 =	sadd.s32 $0x200, s4;
	s20 =	sadd.s32 s20, s7  }
0x2c: {  	[tilespmem:s0], [sflag:$0x5] =	stream.linear.gather [hbm4b:s20+s3], $0x80, $0x38;
	[tilespmem:$0x1C200] =	vst v63  }
0x2d: {  	_ =	swait.ge [sflag:s21], $0x1000  }
0x2e: {  	s0 =	simm.s32 $0x300;
	s2 =	simm.s32 $0x40;
	[sflag:s21] =	ssyncset.done $0x0  }
0x2f: {  	s20 =	sadd.s32 $0x0, s8;
	s4 =	simm.s32 $0x500;
	[sflag:s21] =	ssyncadd.s32 $0xFFFFF000  }
.LBB2_6:
0x30: {  	[tilespmem:s0], [sflag:$0x5] =	stream.linear.gather [hbm4b:s20+s3], $0x80, $0x38;
	[tilespmem:$0x1C200] =	vst v63  }
0x31: {  	s20 =	smov.u32 s2;
	s0 =	smov.u32 s4;
	p0 =	sne.s32 s2, $0x7C0  }
.Ltmp2:
0x32: {  	s2 =	sadd.s32 $0x40, s2;
	(pc) =	sbr.rel @p0 .LBB2_6-.Ltmp2, $2  }
0x33: {  	_ =	sdelay $0x2  }
0x34: {  	s4 =	sadd.s32 $0x200, s4;
	s20 =	sadd.s32 s20, s8  }
0x35: {  	[tilespmem:s0], [sflag:$0x5] =	stream.linear.gather [hbm4b:s20+s3], $0x80, $0x38;
	[tilespmem:$0x1C200] =	vst v63  }
0x36: {  	_ =	swait.ge [sflag:s21], $0x1000  }
0x37: {  	s0 =	simm.s32 $0x380;
	s2 =	simm.s32 $0x40;
	[sflag:s21] =	ssyncset.done $0x0  }
0x38: {  	s20 =	sadd.s32 $0x0, s9;
	s4 =	simm.s32 $0x580;
	[sflag:s21] =	ssyncadd.s32 $0xFFFFF000  }
.LBB2_8:
0x39: {  	[tilespmem:s0], [sflag:$0x5] =	stream.linear.gather [hbm4b:s20+s3], $0x80, $0x38;
	[tilespmem:$0x1C200] =	vst v63  }
0x3a: {  	s20 =	smov.u32 s2;
	s0 =	smov.u32 s4;
	p0 =	sne.s32 s2, $0x7C0  }
.Ltmp3:
0x3b: {  	s2 =	sadd.s32 $0x40, s2;
	(pc) =	sbr.rel @p0 .LBB2_8-.Ltmp3, $2  }
0x3c: {  	_ =	sdelay $0x2  }
0x3d: {  	s4 =	sadd.s32 $0x200, s4;
	s20 =	sadd.s32 s20, s9  }
0x3e: {  	[tilespmem:s0], [sflag:$0x5] =	stream.linear.gather [hbm4b:s20+s3], $0x80, $0x38;
	[tilespmem:$0x1C200] =	vst v63  }
0x3f: {  	_ =	swait.ge [sflag:s21], $0x1000  }
0x40: {  	[sflag:s21] =	ssyncset.done $0x0  }
0x41: {  	[sflag:s21] =	ssyncadd.s32 $0xFFFFF000  }
0x42: {  	v2 =	vld.msk [tilespmem:$0x0], $0xff;
	_ =	sdelay $0x4  }
0x43: {  	v3 =	vshll.u32 v2, $0x4  }
0x44: {  	v2 =	vand.u32 $0x7, v2;
	v3 =	vand.u32 $0xFFFFFF80, v3  }
0x45: {  	v2 =	vor.u32 v2, v3  }
0x46: {  	v2 =	vperm.xlane v2, v0;
	_ =	sdelay $0x1  }
0x47: {  	v2 =	vadd.s32 v1, v2;
	_ =	sdelay $0x3  }
0x48: {  	s31 =	simm.s32 $0x0;
	s20 =	simm.s32 $0x4200  }
0x49: {  	[tilespmem:s20], [sflag:$0x1] =	stream.indirect_vreg.gather [hbm4b:s1+s31], $0x80, v2, vm0, $0xb8;
	[tilespmem:$0x1C200] =	vst v63  }
0x4a: {  	s21 =	simm.s32 $0x4A00  }
0x4b: {  	[tilespmem:s21], [sflag:$0x1] =	stream.indirect_vreg.gather [hbm4b:s10+s31], $0x80, v2, vm0, $0xb8;
	[tilespmem:$0x1C200] =	vst v63  }
0x4c: {  	s22 =	simm.s32 $0x5200  }
0x4d: {  	[tilespmem:s22], [sflag:$0x1] =	stream.indirect_vreg.gather [hbm4b:s11+s31], $0x80, v2, vm0, $0xb8;
	[tilespmem:$0x1C200] =	vst v63  }
0x4e: {  	s23 =	simm.s32 $0x5A00  }
0x4f: {  	[tilespmem:s23], [sflag:$0x1] =	stream.indirect_vreg.gather [hbm4b:s12+s31], $0x80, v2, vm0, $0xb8;
	[tilespmem:$0x1C200] =	vst v63  }
0x50: {  	s2 =	simm.s32 $0x6200  }
0x51: {  	[tilespmem:s2], [sflag:$0x1] =	stream.indirect_vreg.gather [hbm4b:s13+s31], $0x80, v2, vm0, $0xb8;
	[tilespmem:$0x1C200] =	vst v63  }
0x52: {  	s4 =	simm.s32 $0x6A00  }
0x53: {  	[tilespmem:s4], [sflag:$0x1] =	stream.indirect_vreg.gather [hbm4b:s14+s31], $0x80, v2, vm0, $0xb8;
	[tilespmem:$0x1C200] =	vst v63  }
0x54: {  	s20 =	simm.s32 $0x7200  }
0x55: {  	[tilespmem:s20], [sflag:$0x1] =	stream.indirect_vreg.gather [hbm4b:s15+s31], $0x80, v2, vm0, $0xb8;
	[tilespmem:$0x1C200] =	vst v63  }
0x56: {  	s21 =	simm.s32 $0x7A00  }
0x57: {  	[tilespmem:s21], [sflag:$0x1] =	stream.indirect_vreg.gather [hbm4b:s16+s31], $0x80, v2, vm0, $0xb8;
	[tilespmem:$0x1C200] =	vst v63  }
0x58: {  	v2 =	vld.msk [tilespmem:$0x100], $0xff;
	_ =	sdelay $0x4  }
0x59: {  	v3 =	vshll.u32 v2, $0x4  }
0x5a: {  	v2 =	vand.u32 $0x7, v2;
	v3 =	vand.u32 $0xFFFFFF80, v3  }
0x5b: {  	v2 =	vor.u32 v2, v3  }
0x5c: {  	v2 =	vperm.xlane v2, v0;
	_ =	sdelay $0x1  }
0x5d: {  	v2 =	vadd.s32 v1, v2;
	_ =	sdelay $0x3  }
0x5e: {  	s22 =	simm.s32 $0xC200  }
0x5f: {  	[tilespmem:s22], [sflag:$0x2] =	stream.indirect_vreg.gather [hbm4b:s1+s31], $0x80, v2, vm0, $0xb8;
	[tilespmem:$0x1C200] =	vst v63  }
0x60: {  	s23 =	simm.s32 $0xCA00  }
0x61: {  	[tilespmem:s23], [sflag:$0x2] =	stream.indirect_vreg.gather [hbm4b:s10+s31], $0x80, v2, vm0, $0xb8;
	[tilespmem:$0x1C200] =	vst v63  }
0x62: {  	s2 =	simm.s32 $0xD200  }
0x63: {  	[tilespmem:s2], [sflag:$0x2] =	stream.indirect_vreg.gather [hbm4b:s11+s31], $0x80, v2, vm0, $0xb8;
	[tilespmem:$0x1C200] =	vst v63  }
0x64: {  	s4 =	simm.s32 $0xDA00  }
0x65: {  	[tilespmem:s4], [sflag:$0x2] =	stream.indirect_vreg.gather [hbm4b:s12+s31], $0x80, v2, vm0, $0xb8;
	[tilespmem:$0x1C200] =	vst v63  }
0x66: {  	s20 =	simm.s32 $0xE200  }
0x67: {  	[tilespmem:s20], [sflag:$0x2] =	stream.indirect_vreg.gather [hbm4b:s13+s31], $0x80, v2, vm0, $0xb8;
	[tilespmem:$0x1C200] =	vst v63  }
0x68: {  	s21 =	simm.s32 $0xEA00  }
0x69: {  	[tilespmem:s21], [sflag:$0x2] =	stream.indirect_vreg.gather [hbm4b:s14+s31], $0x80, v2, vm0, $0xb8;
	[tilespmem:$0x1C200] =	vst v63  }
0x6a: {  	s22 =	simm.s32 $0xF200  }
0x6b: {  	[tilespmem:s22], [sflag:$0x2] =	stream.indirect_vreg.gather [hbm4b:s15+s31], $0x80, v2, vm0, $0xb8;
	[tilespmem:$0x1C200] =	vst v63  }
0x6c: {  	s23 =	simm.s32 $0xFA00  }
0x6d: {  	[tilespmem:s23], [sflag:$0x2] =	stream.indirect_vreg.gather [hbm4b:s16+s31], $0x80, v2, vm0, $0xb8;
	[tilespmem:$0x1C200] =	vst v63  }
.LBB2_10:
0x6e: {  	_ =	swait.ge [sflag:s24], $0x4000  }
0x6f: {  	[sflag:s24] =	ssyncset.done $0x0  }
0x70: {  	[sflag:s24] =	ssyncadd.s32 $0xFFFFC000  }
0x71: {  	_ =	swait.ge [sflag:s25], $0x4000  }
0x72: {  	s0 =	sshllo.u32 s31, $0x1;
	[sflag:s25] =	ssyncset.done $0x0  }
0x73: {  	s2 =	sshll.u32 s0, $0x3;
	[sflag:s25] =	ssyncadd.s32 $0xFFFFC000  }
0x74: {  	v2 =	vld.msk [tilespmem:s2+$0x0], $0xff;
	_ =	sdelay $0x4  }
0x75: {  	v3 =	vshll.u32 v2, $0x4  }
0x76: {  	v2 =	vand.u32 $0x7, v2;
	v3 =	vand.u32 $0xFFFFFF80, v3  }
0x77: {  	v2 =	vor.u32 v2, v3  }
0x78: {  	v2 =	vperm.xlane v2, v0;
	_ =	sdelay $0x1  }
0x79: {  	v2 =	vadd.s32 v1, v2;
	_ =	sdelay $0x3  }
0x7a: {  	s4 =	simm.s32 $0x8200  }
0x7b: {  	[tilespmem:s4], [sflag:$0x1] =	stream.indirect_vreg.gather [hbm4b:s1+s3], $0x80, v2, vm0, $0xb8;
	[tilespmem:$0x1C200] =	vst v63  }
0x7c: {  	s21 =	simm.s32 $0x8A00  }
0x7d: {  	[tilespmem:s21], [sflag:$0x1] =	stream.indirect_vreg.gather [hbm4b:s10+s3], $0x80, v2, vm0, $0xb8;
	[tilespmem:$0x1C200] =	vst v63  }
0x7e: {  	s22 =	simm.s32 $0x9200  }
0x7f: {  	[tilespmem:s22], [sflag:$0x1] =	stream.indirect_vreg.gather [hbm4b:s11+s3], $0x80, v2, vm0, $0xb8;
	[tilespmem:$0x1C200] =	vst v63  }
0x80: {  	s23 =	simm.s32 $0x9A00  }
0x81: {  	[tilespmem:s23], [sflag:$0x1] =	stream.indirect_vreg.gather [hbm4b:s12+s3], $0x80, v2, vm0, $0xb8;
	[tilespmem:$0x1C200] =	vst v63  }
0x82: {  	s20 =	simm.s32 $0xA200  }
0x83: {  	[tilespmem:s20], [sflag:$0x1] =	stream.indirect_vreg.gather [hbm4b:s13+s3], $0x80, v2, vm0, $0xb8;
	[tilespmem:$0x1C200] =	vst v63  }
0x84: {  	s21 =	simm.s32 $0xAA00  }
0x85: {  	[tilespmem:s21], [sflag:$0x1] =	stream.indirect_vreg.gather [hbm4b:s14+s3], $0x80, v2, vm0, $0xb8;
	[tilespmem:$0x1C200] =	vst v63  }
0x86: {  	s22 =	simm.s32 $0xB200  }
0x87: {  	[tilespmem:s22], [sflag:$0x1] =	stream.indirect_vreg.gather [hbm4b:s15+s3], $0x80, v2, vm0, $0xb8;
	[tilespmem:$0x1C200] =	vst v63  }
0x88: {  	s23 =	simm.s32 $0xBA00  }
0x89: {  	[tilespmem:s23], [sflag:$0x1] =	stream.indirect_vreg.gather [hbm4b:s16+s3], $0x80, v2, vm0, $0xb8;
	[tilespmem:$0x1C200] =	vst v63  }
0x8a: {  	v2 =	vld.msk [tilespmem:s2+$0x100], $0xff;
	_ =	sdelay $0x4  }
0x8b: {  	v3 =	vshll.u32 v2, $0x4  }
0x8c: {  	v2 =	vand.u32 $0x7, v2;
	v3 =	vand.u32 $0xFFFFFF80, v3  }
0x8d: {  	v2 =	vor.u32 v2, v3  }
0x8e: {  	v2 =	vperm.xlane v2, v0;
	_ =	sdelay $0x1  }
0x8f: {  	v2 =	vadd.s32 v1, v2;
	_ =	sdelay $0x3  }
0x90: {  	s4 =	simm.s32 $0x10200  }
0x91: {  	[tilespmem:s4], [sflag:$0x2] =	stream.indirect_vreg.gather [hbm4b:s1+s3], $0x80, v2, vm0, $0xb8;
	[tilespmem:$0x1C200] =	vst v63  }
0x92: {  	s20 =	simm.s32 $0x10A00  }
0x93: {  	[tilespmem:s20], [sflag:$0x2] =	stream.indirect_vreg.gather [hbm4b:s10+s3], $0x80, v2, vm0, $0xb8;
	[tilespmem:$0x1C200] =	vst v63  }
0x94: {  	s21 =	simm.s32 $0x11200  }
0x95: {  	[tilespmem:s21], [sflag:$0x2] =	stream.indirect_vreg.gather [hbm4b:s11+s3], $0x80, v2, vm0, $0xb8;
	[tilespmem:$0x1C200] =	vst v63  }
0x96: {  	s22 =	simm.s32 $0x11A00  }
0x97: {  	[tilespmem:s22], [sflag:$0x2] =	stream.indirect_vreg.gather [hbm4b:s12+s3], $0x80, v2, vm0, $0xb8;
	[tilespmem:$0x1C200] =	vst v63  }
0x98: {  	_ = 	snop  }
0x99: {  	[tilespmem:s5], [sflag:$0x2] =	stream.indirect_vreg.gather [hbm4b:s13+s3], $0x80, v2, vm0, $0xb8;
	[tilespmem:$0x1C200] =	vst v63  }
0x9a: {  	_ = 	snop  }
0x9b: {  	[tilespmem:s18], [sflag:$0x2] =	stream.indirect_vreg.gather [hbm4b:s14+s3], $0x80, v2, vm0, $0xb8;
	[tilespmem:$0x1C200] =	vst v63  }
0x9c: {  	p0 =	seq.s32 s31, $0x0  }
0x9d: {  	[tilespmem:s19], [sflag:$0x2] =	stream.indirect_vreg.gather [hbm4b:s15+s3], $0x80, v2, vm0, $0xb8;
	[tilespmem:$0x1C200] =	vst v63  }
0x9e: {  	s4 =	simm.s32 @!p0 $0x3  }
0x9f: {  	[tilespmem:s26], [sflag:$0x2] =	stream.indirect_vreg.gather [hbm4b:s16+s3], $0x80, v2, vm0, $0xb8;
	[tilespmem:$0x1C200] =	vst v63  }
0xa0: {  	_ =	swait.ge @!p0 [sflag:s4], $0x4000  }
0xa1: {  	s2 =	sshll.u32 s31, $0xC;
	[sflag:s4] =	ssyncset.done @!p0 $0x0  }
0xa2: {  	s20 =	sshrl.u32 s2, $0x2;
	[sflag:s4] =	ssyncadd.s32 @!p0 $0xFFFFC000  }
0xa3: {  	v2 =	vld [tilespmem:s20+$0x200]  }
0xa4: {  	v3 =	vld [tilespmem:s20+$0x280]  }
0xa5: {  	v4 =	vld [tilespmem:s20+$0x300]  }
0xa6: {  	s23 =	simm.s32 $0x4240;
	v5 =	vld [tilespmem:s20+$0x380]  }
0xa7: {  	v6 =	vld [tilespmem:s23+$0x30]  }
0xa8: {  	v7 =	vld [tilespmem:s23+$0xFFFFFFD0]  }
0xa9: {  	v8 =	vld [tilespmem:s23+$0xFFFFFFE0]  }
0xaa: {  	v9 =	vld [tilespmem:s23+$0xFFFFFFF0]  }
0xab: {  	v11 =	vld [tilespmem:s23+$0x0]  }
0xac: {  	v14 =	vld [tilespmem:s23+$0x10]  }
0xad: {  	s21 =	simm.s32 $0xC240;
	v20 =	vld [tilespmem:s23+$0x20];
	v12 =	vmul.f32 v6, v5  }
0xae: {  	v10 =	vld [tilespmem:s21+$0x30];
	v16 =	vmul.f32 v7, v3;
	v7 =	vmul.f32 v7, v5  }
0xaf: {  	v18 =	vld [tilespmem:s23+$0xFFFFFFC0];
	v13 =	vmul.f32 v8, v5;
	v15 =	vmul.f32 v6, v3  }
0xb0: {  	v6 =	vmul.f32 v8, v3;
	v17 =	vmul.f32 v9, v5  }
0xb1: {  	v19 =	vmul.f32 v11, v5;
	v11 =	vmul.f32 v11, v3;
	v12 =	vadd.f32 v12, v4  }
0xb2: {  	v24 =	vld [tilespmem:s21+$0xFFFFFFD0];
	v21 =	vmul.f32 v14, v5;
	v25 =	vmul.f32 v20, v5;
	v22 =	vadd.f32 v7, v4  }
0xb3: {  	v7 =	vld [tilespmem:s21+$0xFFFFFFC0];
	v8 =	vadd.f32 v13, v4;
	v13 =	vadd.f32 v15, v2;
	v12 =	vmul.f32 v12, v10  }
0xb4: {  	v26 =	vmul.f32 v18, v3;
	v27 =	vmul.f32 v18, v5;
	v15 =	vld [tilespmem:s21+$0xFFFFFFE0]  }
0xb5: {  	v10 =	vmul.f32 v9, v3;
	v9 =	vadd.f32 v17, v4;
	v17 =	vld [tilespmem:s21+$0xFFFFFFF0];
	v23 =	vadd.f32 v12, v13  }
0xb6: {  	v13 =	vadd.f32 v19, v4;
	v12 =	vmul.f32 v14, v3;
	v19 =	vld [tilespmem:s21+$0x0];
	v14 =	vadd.f32 v21, v4  }
0xb7: {  	s22 =	simm.s32 $0x14240;
	v18 =	vld [tilespmem:s21+$0x10];
	v20 =	vmul.f32 v20, v3;
	v21 =	vadd.f32 v16, v2;
	v16 =	vadd.f32 v25, v4  }
0xb8: {  	s4 =	simm.s32 $0x4640;
	s23 =	simm.s32 $0x0;
	v24 =	vmul.f32 v22, v24;
	v22 =	vld [tilespmem:s21+$0x20];
	v25 =	vadd.f32 v27, v4;
	[tilespmem:s22+$0x30] =	vst v23;
	v23 =	vadd.f32 v26, v2  }
.LBB2_11:
0xb9: {  	v26 =	vld [tilespmem:s4+$0x30];
	s23 =	sadd.s32 $0x80, s23;
	v6 =	vadd.f32 v6, v2;
	v8 =	vmul.f32 v8, v15;
	v10 =	vadd.f32 v10, v2  }
0xba: {  	v11 =	vadd.f32 v11, v2;
	v15 =	vld [tilespmem:s4+$0xFFFFFFD0];
	p0 =	slt.u32 s23, $0x780;
	v7 =	vmul.f32 v25, v7;
	v9 =	vmul.f32 v9, v17  }
0xbb: {  	v12 =	vadd.f32 v12, v2;
	v17 =	vld [tilespmem:s4+$0xFFFFFFE0];
	v13 =	vmul.f32 v13, v19;
	v19 =	vadd.f32 v20, v2  }
0xbc: {  	s21 =	sadd.s32 $0x400, s21;
	v21 =	vadd.f32 v24, v21;
	v20 =	vld [tilespmem:s4+$0xFFFFFFF0];
	v7 =	vadd.f32 v7, v23;
	v14 =	vmul.f32 v14, v18  }
0xbd: {  	v6 =	vadd.f32 v8, v6;
	v8 =	vadd.f32 v9, v10;
	v18 =	vld [tilespmem:s21+$0x30];
	v9 =	vmul.f32 v16, v22  }
0xbe: {  	v11 =	vadd.f32 v13, v11;
	v16 =	vld [tilespmem:s4+$0x0];
	v10 =	vmul.f32 v26, v5;
	[tilespmem:s22+$0xFFFFFFC0] =	vst v7;
	v12 =	vadd.f32 v14, v12  }
0xbf: {  	v22 =	vmul.f32 v15, v3;
	v7 =	vmul.f32 v15, v5;
	v14 =	vld [tilespmem:s4+$0x10];
	[tilespmem:s22+$0xFFFFFFD0] =	vst v21;
	v13 =	vadd.f32 v9, v19  }
0xc0: {  	v15 =	vmul.f32 v26, v3;
	v9 =	vmul.f32 v17, v5;
	v23 =	vld [tilespmem:s4+$0x20];
	v10 =	vadd.f32 v10, v4;
	[tilespmem:s22+$0xFFFFFFE0] =	vst v6  }
0xc1: {  	v6 =	vmul.f32 v17, v3;
	v19 =	vld [tilespmem:s4+$0xFFFFFFC0];
	v24 =	vadd.f32 v7, v4;
	v17 =	vmul.f32 v20, v5;
	[tilespmem:s22+$0xFFFFFFF0] =	vst v8  }
0xc2: {  	v21 =	vadd.f32 v15, v2;
	v7 =	vld [tilespmem:s21+$0xFFFFFFC0];
	v8 =	vadd.f32 v9, v4;
	v18 =	vmul.f32 v10, v18;
	[tilespmem:s22+$0x0] =	vst v11  }
0xc3: {  	v10 =	vmul.f32 v20, v3;
	v26 =	vld [tilespmem:s21+$0xFFFFFFD0];
	v9 =	vadd.f32 v17, v4;
	v20 =	vmul.f32 v16, v5;
	[tilespmem:s22+$0x10] =	vst v12  }
.Ltmp4:
0xc4: {  	v11 =	vmul.f32 v16, v3;
	v15 =	vld [tilespmem:s21+$0xFFFFFFE0];
	v16 =	vmul.f32 v14, v5;
	v18 =	vadd.f32 v18, v21;
	[tilespmem:s22+$0x20] =	vst v13;
	(pc) =	sbr.rel @p0 .LBB2_11-.Ltmp4, $4  }
0xc5: {  	v12 =	vmul.f32 v14, v3;
	s22 =	sadd.s32 $0x400, s22;
	v17 =	vld [tilespmem:s21+$0xFFFFFFF0];
	v13 =	vadd.f32 v20, v4;
	v25 =	vmul.f32 v23, v5  }
0xc6: {  	v27 =	vmul.f32 v19, v3;
	v28 =	vmul.f32 v19, v5;
	v19 =	vld [tilespmem:s21+$0x0];
	v14 =	vadd.f32 v16, v4;
	[tilespmem:s22+$0x30] =	vst v18  }
0xc7: {  	v21 =	vadd.f32 v22, v2;
	v20 =	vmul.f32 v23, v3;
	v18 =	vld [tilespmem:s21+$0x10];
	v16 =	vadd.f32 v25, v4  }
0xc8: {  	s4 =	sadd.s32 $0x400, s4;
	v23 =	vadd.f32 v27, v2;
	v25 =	vadd.f32 v28, v4;
	v24 =	vmul.f32 v24, v26;
	v22 =	vld [tilespmem:s21+$0x20]  }
0xc9: {  	_ = 	snop  }
0xca: {  	v3 =	vmul.f32 v25, v7  }
0xcb: {  	v4 =	vadd.f32 v6, v2;
	v5 =	vmul.f32 v8, v15;
	v8 =	vadd.f32 v24, v21  }
0xcc: {  	v6 =	vadd.f32 v10, v2;
	v7 =	vmul.f32 v9, v17;
	v3 =	vadd.f32 v3, v23  }
0xcd: {  	v9 =	vadd.f32 v11, v2;
	v10 =	vmul.f32 v13, v19;
	v4 =	vadd.f32 v5, v4;
	[tilespmem:s22+$0xFFFFFFD0] =	vst v8  }
0xce: {  	v5 =	vmul.f32 v14, v18;
	v6 =	vadd.f32 v7, v6;
	[tilespmem:s22+$0xFFFFFFC0] =	vst v3;
	v3 =	vadd.f32 v12, v2  }
0xcf: {  	v7 =	vmul.f32 v16, v22;
	v8 =	vadd.f32 v10, v9;
	[tilespmem:s22+$0xFFFFFFE0] =	vst v4;
	v2 =	vadd.f32 v20, v2  }
0xd0: {  	[tilespmem:s22+$0xFFFFFFF0] =	vst v6;
	v3 =	vadd.f32 v5, v3  }
0xd1: {  	[tilespmem:s22+$0x0] =	vst v8;
	v2 =	vadd.f32 v7, v2  }
0xd2: {  	[tilespmem:s22+$0x10] =	vst v3  }
0xd3: {  	[tilespmem:s22+$0x20] =	vst v2  }
0xd4: {  	v2 =	vld [tilespmem:s20+$0x210]  }
0xd5: {  	v3 =	vld [tilespmem:s20+$0x290]  }
0xd6: {  	v4 =	vld [tilespmem:s20+$0x310]  }
0xd7: {  	s4 =	simm.s32 $0x42F0;
	v5 =	vld [tilespmem:s20+$0x390]  }
0xd8: {  	v6 =	vld [tilespmem:s4+$0x0]  }
0xd9: {  	v7 =	vld [tilespmem:s4+$0xFFFFFFA0]  }
0xda: {  	v8 =	vld [tilespmem:s4+$0xFFFFFFB0]  }
0xdb: {  	v9 =	vld [tilespmem:s4+$0xFFFFFFC0]  }
0xdc: {  	v11 =	vld [tilespmem:s4+$0xFFFFFFD0]  }
0xdd: {  	v14 =	vld [tilespmem:s4+$0xFFFFFFE0]  }
0xde: {  	s21 =	simm.s32 $0xC2F0;
	v20 =	vld [tilespmem:s4+$0xFFFFFFF0];
	v12 =	vmul.f32 v6, v5  }
0xdf: {  	v10 =	vld [tilespmem:s21+$0x0];
	v16 =	vmul.f32 v7, v3;
	v7 =	vmul.f32 v7, v5  }
0xe0: {  	v18 =	vld [tilespmem:s4+$0xFFFFFF90];
	v13 =	vmul.f32 v8, v5;
	v15 =	vmul.f32 v6, v3  }
0xe1: {  	v6 =	vmul.f32 v8, v3;
	v17 =	vmul.f32 v9, v5  }
0xe2: {  	v19 =	vmul.f32 v11, v5;
	v11 =	vmul.f32 v11, v3;
	v12 =	vadd.f32 v12, v4  }
0xe3: {  	v24 =	vld [tilespmem:s21+$0xFFFFFFA0];
	v21 =	vmul.f32 v14, v5;
	v25 =	vmul.f32 v20, v5;
	v22 =	vadd.f32 v7, v4  }
0xe4: {  	v7 =	vld [tilespmem:s21+$0xFFFFFF90];
	v8 =	vadd.f32 v13, v4;
	v13 =	vadd.f32 v15, v2;
	v12 =	vmul.f32 v12, v10  }
0xe5: {  	v26 =	vmul.f32 v18, v3;
	v27 =	vmul.f32 v18, v5;
	v15 =	vld [tilespmem:s21+$0xFFFFFFB0]  }
0xe6: {  	v10 =	vmul.f32 v9, v3;
	v9 =	vadd.f32 v17, v4;
	v17 =	vld [tilespmem:s21+$0xFFFFFFC0];
	v23 =	vadd.f32 v12, v13  }
0xe7: {  	v13 =	vadd.f32 v19, v4;
	v12 =	vmul.f32 v14, v3;
	v19 =	vld [tilespmem:s21+$0xFFFFFFD0];
	v14 =	vadd.f32 v21, v4  }
0xe8: {  	s22 =	simm.s32 $0x142F0;
	v18 =	vld [tilespmem:s21+$0xFFFFFFE0];
	v20 =	vmul.f32 v20, v3;
	v21 =	vadd.f32 v16, v2;
	v16 =	vadd.f32 v25, v4  }
0xe9: {  	s23 =	simm.s32 $0x0;
	s4 =	simm.s32 $0x46F0;
	v24 =	vmul.f32 v22, v24;
	v22 =	vld [tilespmem:s21+$0xFFFFFFF0];
	v25 =	vadd.f32 v27, v4;
	[tilespmem:s22+$0x0] =	vst v23;
	v23 =	vadd.f32 v26, v2  }
.LBB2_13:
0xea: {  	v26 =	vld [tilespmem:s4+$0x0];
	s23 =	sadd.s32 $0x80, s23;
	v6 =	vadd.f32 v6, v2;
	v8 =	vmul.f32 v8, v15;
	v10 =	vadd.f32 v10, v2  }
0xeb: {  	v11 =	vadd.f32 v11, v2;
	v15 =	vld [tilespmem:s4+$0xFFFFFFA0];
	p0 =	slt.u32 s23, $0x780;
	v7 =	vmul.f32 v25, v7;
	v9 =	vmul.f32 v9, v17  }
0xec: {  	v12 =	vadd.f32 v12, v2;
	v17 =	vld [tilespmem:s4+$0xFFFFFFB0];
	v13 =	vmul.f32 v13, v19;
	v19 =	vadd.f32 v20, v2  }
0xed: {  	s21 =	sadd.s32 $0x400, s21;
	v21 =	vadd.f32 v24, v21;
	v20 =	vld [tilespmem:s4+$0xFFFFFFC0];
	v7 =	vadd.f32 v7, v23;
	v14 =	vmul.f32 v14, v18  }
0xee: {  	v6 =	vadd.f32 v8, v6;
	v8 =	vadd.f32 v9, v10;
	v18 =	vld [tilespmem:s21+$0x0];
	v9 =	vmul.f32 v16, v22  }
0xef: {  	v11 =	vadd.f32 v13, v11;
	v16 =	vld [tilespmem:s4+$0xFFFFFFD0];
	v10 =	vmul.f32 v26, v5;
	[tilespmem:s22+$0xFFFFFF90] =	vst v7;
	v12 =	vadd.f32 v14, v12  }
0xf0: {  	v22 =	vmul.f32 v15, v3;
	v7 =	vmul.f32 v15, v5;
	v14 =	vld [tilespmem:s4+$0xFFFFFFE0];
	[tilespmem:s22+$0xFFFFFFA0] =	vst v21;
	v13 =	vadd.f32 v9, v19  }
0xf1: {  	v15 =	vmul.f32 v26, v3;
	v9 =	vmul.f32 v17, v5;
	v23 =	vld [tilespmem:s4+$0xFFFFFFF0];
	v10 =	vadd.f32 v10, v4;
	[tilespmem:s22+$0xFFFFFFB0] =	vst v6  }
0xf2: {  	v6 =	vmul.f32 v17, v3;
	v19 =	vld [tilespmem:s4+$0xFFFFFF90];
	v24 =	vadd.f32 v7, v4;
	v17 =	vmul.f32 v20, v5;
	[tilespmem:s22+$0xFFFFFFC0] =	vst v8  }
0xf3: {  	v21 =	vadd.f32 v15, v2;
	v7 =	vld [tilespmem:s21+$0xFFFFFF90];
	v8 =	vadd.f32 v9, v4;
	v18 =	vmul.f32 v10, v18;
	[tilespmem:s22+$0xFFFFFFD0] =	vst v11  }
0xf4: {  	v10 =	vmul.f32 v20, v3;
	v26 =	vld [tilespmem:s21+$0xFFFFFFA0];
	v9 =	vadd.f32 v17, v4;
	v20 =	vmul.f32 v16, v5;
	[tilespmem:s22+$0xFFFFFFE0] =	vst v12  }
.Ltmp5:
0xf5: {  	v11 =	vmul.f32 v16, v3;
	v15 =	vld [tilespmem:s21+$0xFFFFFFB0];
	v16 =	vmul.f32 v14, v5;
	v18 =	vadd.f32 v18, v21;
	[tilespmem:s22+$0xFFFFFFF0] =	vst v13;
	(pc) =	sbr.rel @p0 .LBB2_13-.Ltmp5, $4  }
0xf6: {  	v12 =	vmul.f32 v14, v3;
	s22 =	sadd.s32 $0x400, s22;
	v17 =	vld [tilespmem:s21+$0xFFFFFFC0];
	v13 =	vadd.f32 v20, v4;
	v25 =	vmul.f32 v23, v5  }
0xf7: {  	v27 =	vmul.f32 v19, v3;
	v28 =	vmul.f32 v19, v5;
	v19 =	vld [tilespmem:s21+$0xFFFFFFD0];
	v14 =	vadd.f32 v16, v4;
	[tilespmem:s22+$0x0] =	vst v18  }
0xf8: {  	v21 =	vadd.f32 v22, v2;
	v20 =	vmul.f32 v23, v3;
	v18 =	vld [tilespmem:s21+$0xFFFFFFE0];
	v16 =	vadd.f32 v25, v4  }
0xf9: {  	s4 =	sadd.s32 $0x400, s4;
	v23 =	vadd.f32 v27, v2;
	v25 =	vadd.f32 v28, v4;
	v24 =	vmul.f32 v24, v26;
	v22 =	vld [tilespmem:s21+$0xFFFFFFF0]  }
0xfa: {  	_ = 	snop  }
0xfb: {  	v3 =	vmul.f32 v25, v7  }
0xfc: {  	v4 =	vadd.f32 v6, v2;
	v5 =	vmul.f32 v8, v15;
	v8 =	vadd.f32 v24, v21  }
0xfd: {  	v6 =	vadd.f32 v10, v2;
	v7 =	vmul.f32 v9, v17;
	v3 =	vadd.f32 v3, v23  }
0xfe: {  	v9 =	vadd.f32 v11, v2;
	v10 =	vmul.f32 v13, v19;
	v4 =	vadd.f32 v5, v4;
	[tilespmem:s22+$0xFFFFFFA0] =	vst v8  }
0xff: {  	v5 =	vmul.f32 v14, v18;
	v6 =	vadd.f32 v7, v6;
	[tilespmem:s22+$0xFFFFFF90] =	vst v3;
	v3 =	vadd.f32 v12, v2  }
0x100: {  	v7 =	vmul.f32 v16, v22;
	v8 =	vadd.f32 v10, v9;
	[tilespmem:s22+$0xFFFFFFB0] =	vst v4;
	v2 =	vadd.f32 v20, v2  }
0x101: {  	[tilespmem:s22+$0xFFFFFFC0] =	vst v6;
	v3 =	vadd.f32 v5, v3  }
0x102: {  	[tilespmem:s22+$0xFFFFFFD0] =	vst v8;
	v2 =	vadd.f32 v7, v2  }
0x103: {  	[tilespmem:s22+$0xFFFFFFE0] =	vst v3  }
0x104: {  	[tilespmem:s22+$0xFFFFFFF0] =	vst v2  }
0x105: {  	v2 =	vld [tilespmem:s20+$0x220]  }
0x106: {  	v3 =	vld [tilespmem:s20+$0x2A0]  }
0x107: {  	v4 =	vld [tilespmem:s20+$0x320]  }
0x108: {  	s4 =	simm.s32 $0x4370;
	v5 =	vld [tilespmem:s20+$0x3A0]  }
0x109: {  	v6 =	vld [tilespmem:s4+$0x0]  }
0x10a: {  	v7 =	vld [tilespmem:s4+$0xFFFFFFA0]  }
0x10b: {  	v8 =	vld [tilespmem:s4+$0xFFFFFFB0]  }
0x10c: {  	v9 =	vld [tilespmem:s4+$0xFFFFFFC0]  }
0x10d: {  	v11 =	vld [tilespmem:s4+$0xFFFFFFD0]  }
0x10e: {  	v14 =	vld [tilespmem:s4+$0xFFFFFFE0]  }
0x10f: {  	s21 =	simm.s32 $0xC370;
	v20 =	vld [tilespmem:s4+$0xFFFFFFF0];
	v12 =	vmul.f32 v6, v5  }
0x110: {  	v10 =	vld [tilespmem:s21+$0x0];
	v16 =	vmul.f32 v7, v3;
	v7 =	vmul.f32 v7, v5  }
0x111: {  	v18 =	vld [tilespmem:s4+$0xFFFFFF90];
	v13 =	vmul.f32 v8, v5;
	v15 =	vmul.f32 v6, v3  }
0x112: {  	v6 =	vmul.f32 v8, v3;
	v17 =	vmul.f32 v9, v5  }
0x113: {  	v19 =	vmul.f32 v11, v5;
	v11 =	vmul.f32 v11, v3;
	v12 =	vadd.f32 v12, v4  }
0x114: {  	v24 =	vld [tilespmem:s21+$0xFFFFFFA0];
	v21 =	vmul.f32 v14, v5;
	v25 =	vmul.f32 v20, v5;
	v22 =	vadd.f32 v7, v4  }
0x115: {  	v7 =	vld [tilespmem:s21+$0xFFFFFF90];
	v8 =	vadd.f32 v13, v4;
	v13 =	vadd.f32 v15, v2;
	v12 =	vmul.f32 v12, v10  }
0x116: {  	v26 =	vmul.f32 v18, v3;
	v27 =	vmul.f32 v18, v5;
	v15 =	vld [tilespmem:s21+$0xFFFFFFB0]  }
0x117: {  	v10 =	vmul.f32 v9, v3;
	v9 =	vadd.f32 v17, v4;
	v17 =	vld [tilespmem:s21+$0xFFFFFFC0];
	v23 =	vadd.f32 v12, v13  }
0x118: {  	v13 =	vadd.f32 v19, v4;
	v12 =	vmul.f32 v14, v3;
	v19 =	vld [tilespmem:s21+$0xFFFFFFD0];
	v14 =	vadd.f32 v21, v4  }
0x119: {  	s22 =	simm.s32 $0x14370;
	v18 =	vld [tilespmem:s21+$0xFFFFFFE0];
	v20 =	vmul.f32 v20, v3;
	v21 =	vadd.f32 v16, v2;
	v16 =	vadd.f32 v25, v4  }
0x11a: {  	s23 =	simm.s32 $0x0;
	s4 =	simm.s32 $0x4770;
	v24 =	vmul.f32 v22, v24;
	v22 =	vld [tilespmem:s21+$0xFFFFFFF0];
	v25 =	vadd.f32 v27, v4;
	[tilespmem:s22+$0x0] =	vst v23;
	v23 =	vadd.f32 v26, v2  }
.LBB2_15:
0x11b: {  	v26 =	vld [tilespmem:s4+$0x0];
	s23 =	sadd.s32 $0x80, s23;
	v6 =	vadd.f32 v6, v2;
	v8 =	vmul.f32 v8, v15;
	v10 =	vadd.f32 v10, v2  }
0x11c: {  	v11 =	vadd.f32 v11, v2;
	v15 =	vld [tilespmem:s4+$0xFFFFFFA0];
	p0 =	slt.u32 s23, $0x780;
	v7 =	vmul.f32 v25, v7;
	v9 =	vmul.f32 v9, v17  }
0x11d: {  	v12 =	vadd.f32 v12, v2;
	v17 =	vld [tilespmem:s4+$0xFFFFFFB0];
	v13 =	vmul.f32 v13, v19;
	v19 =	vadd.f32 v20, v2  }
0x11e: {  	s21 =	sadd.s32 $0x400, s21;
	v21 =	vadd.f32 v24, v21;
	v20 =	vld [tilespmem:s4+$0xFFFFFFC0];
	v7 =	vadd.f32 v7, v23;
	v14 =	vmul.f32 v14, v18  }
0x11f: {  	v6 =	vadd.f32 v8, v6;
	v8 =	vadd.f32 v9, v10;
	v18 =	vld [tilespmem:s21+$0x0];
	v9 =	vmul.f32 v16, v22  }
0x120: {  	v11 =	vadd.f32 v13, v11;
	v16 =	vld [tilespmem:s4+$0xFFFFFFD0];
	v10 =	vmul.f32 v26, v5;
	[tilespmem:s22+$0xFFFFFF90] =	vst v7;
	v12 =	vadd.f32 v14, v12  }
0x121: {  	v22 =	vmul.f32 v15, v3;
	v7 =	vmul.f32 v15, v5;
	v14 =	vld [tilespmem:s4+$0xFFFFFFE0];
	[tilespmem:s22+$0xFFFFFFA0] =	vst v21;
	v13 =	vadd.f32 v9, v19  }
0x122: {  	v15 =	vmul.f32 v26, v3;
	v9 =	vmul.f32 v17, v5;
	v23 =	vld [tilespmem:s4+$0xFFFFFFF0];
	v10 =	vadd.f32 v10, v4;
	[tilespmem:s22+$0xFFFFFFB0] =	vst v6  }
0x123: {  	v6 =	vmul.f32 v17, v3;
	v19 =	vld [tilespmem:s4+$0xFFFFFF90];
	v24 =	vadd.f32 v7, v4;
	v17 =	vmul.f32 v20, v5;
	[tilespmem:s22+$0xFFFFFFC0] =	vst v8  }
0x124: {  	v21 =	vadd.f32 v15, v2;
	v7 =	vld [tilespmem:s21+$0xFFFFFF90];
	v8 =	vadd.f32 v9, v4;
	v18 =	vmul.f32 v10, v18;
	[tilespmem:s22+$0xFFFFFFD0] =	vst v11  }
0x125: {  	v10 =	vmul.f32 v20, v3;
	v26 =	vld [tilespmem:s21+$0xFFFFFFA0];
	v9 =	vadd.f32 v17, v4;
	v20 =	vmul.f32 v16, v5;
	[tilespmem:s22+$0xFFFFFFE0] =	vst v12  }
.Ltmp6:
0x126: {  	v11 =	vmul.f32 v16, v3;
	v15 =	vld [tilespmem:s21+$0xFFFFFFB0];
	v16 =	vmul.f32 v14, v5;
	v18 =	vadd.f32 v18, v21;
	[tilespmem:s22+$0xFFFFFFF0] =	vst v13;
	(pc) =	sbr.rel @p0 .LBB2_15-.Ltmp6, $4  }
0x127: {  	v12 =	vmul.f32 v14, v3;
	s22 =	sadd.s32 $0x400, s22;
	v17 =	vld [tilespmem:s21+$0xFFFFFFC0];
	v13 =	vadd.f32 v20, v4;
	v25 =	vmul.f32 v23, v5  }
0x128: {  	v27 =	vmul.f32 v19, v3;
	v28 =	vmul.f32 v19, v5;
	v19 =	vld [tilespmem:s21+$0xFFFFFFD0];
	v14 =	vadd.f32 v16, v4;
	[tilespmem:s22+$0x0] =	vst v18  }
0x129: {  	v21 =	vadd.f32 v22, v2;
	v20 =	vmul.f32 v23, v3;
	v18 =	vld [tilespmem:s21+$0xFFFFFFE0];
	v16 =	vadd.f32 v25, v4  }
0x12a: {  	s4 =	sadd.s32 $0x400, s4;
	v23 =	vadd.f32 v27, v2;
	v25 =	vadd.f32 v28, v4;
	v24 =	vmul.f32 v24, v26;
	v22 =	vld [tilespmem:s21+$0xFFFFFFF0]  }
0x12b: {  	_ = 	snop  }
0x12c: {  	v3 =	vmul.f32 v25, v7  }
0x12d: {  	v4 =	vadd.f32 v6, v2;
	v5 =	vmul.f32 v8, v15;
	v8 =	vadd.f32 v24, v21  }
0x12e: {  	v6 =	vadd.f32 v10, v2;
	v7 =	vmul.f32 v9, v17;
	v3 =	vadd.f32 v3, v23  }
0x12f: {  	v9 =	vadd.f32 v11, v2;
	v10 =	vmul.f32 v13, v19;
	v4 =	vadd.f32 v5, v4;
	[tilespmem:s22+$0xFFFFFFA0] =	vst v8  }
0x130: {  	v5 =	vmul.f32 v14, v18;
	v6 =	vadd.f32 v7, v6;
	[tilespmem:s22+$0xFFFFFF90] =	vst v3;
	v3 =	vadd.f32 v12, v2  }
0x131: {  	v7 =	vmul.f32 v16, v22;
	v8 =	vadd.f32 v10, v9;
	[tilespmem:s22+$0xFFFFFFB0] =	vst v4;
	v2 =	vadd.f32 v20, v2  }
0x132: {  	[tilespmem:s22+$0xFFFFFFC0] =	vst v6;
	v3 =	vadd.f32 v5, v3  }
0x133: {  	[tilespmem:s22+$0xFFFFFFD0] =	vst v8;
	v2 =	vadd.f32 v7, v2  }
0x134: {  	[tilespmem:s22+$0xFFFFFFE0] =	vst v3  }
0x135: {  	[tilespmem:s22+$0xFFFFFFF0] =	vst v2  }
0x136: {  	v2 =	vld [tilespmem:s20+$0x230]  }
0x137: {  	v3 =	vld [tilespmem:s20+$0x2B0]  }
0x138: {  	v4 =	vld [tilespmem:s20+$0x330]  }
0x139: {  	s4 =	simm.s32 $0x43F0;
	v5 =	vld [tilespmem:s20+$0x3B0]  }
0x13a: {  	v6 =	vld [tilespmem:s4+$0x0]  }
0x13b: {  	v7 =	vld [tilespmem:s4+$0xFFFFFFA0]  }
0x13c: {  	v8 =	vld [tilespmem:s4+$0xFFFFFFB0]  }
0x13d: {  	v9 =	vld [tilespmem:s4+$0xFFFFFFC0]  }
0x13e: {  	v11 =	vld [tilespmem:s4+$0xFFFFFFD0]  }
0x13f: {  	v14 =	vld [tilespmem:s4+$0xFFFFFFE0]  }
0x140: {  	s21 =	simm.s32 $0xC3F0;
	v20 =	vld [tilespmem:s4+$0xFFFFFFF0];
	v12 =	vmul.f32 v6, v5  }
0x141: {  	v10 =	vld [tilespmem:s21+$0x0];
	v16 =	vmul.f32 v7, v3;
	v7 =	vmul.f32 v7, v5  }
0x142: {  	v18 =	vld [tilespmem:s4+$0xFFFFFF90];
	v13 =	vmul.f32 v8, v5;
	v15 =	vmul.f32 v6, v3  }
0x143: {  	v6 =	vmul.f32 v8, v3;
	v17 =	vmul.f32 v9, v5  }
0x144: {  	v19 =	vmul.f32 v11, v5;
	v11 =	vmul.f32 v11, v3;
	v12 =	vadd.f32 v12, v4  }
0x145: {  	v24 =	vld [tilespmem:s21+$0xFFFFFFA0];
	v21 =	vmul.f32 v14, v5;
	v25 =	vmul.f32 v20, v5;
	v22 =	vadd.f32 v7, v4  }
0x146: {  	v7 =	vld [tilespmem:s21+$0xFFFFFF90];
	v8 =	vadd.f32 v13, v4;
	v13 =	vadd.f32 v15, v2;
	v12 =	vmul.f32 v12, v10  }
0x147: {  	v26 =	vmul.f32 v18, v3;
	v27 =	vmul.f32 v18, v5;
	v15 =	vld [tilespmem:s21+$0xFFFFFFB0]  }
0x148: {  	v10 =	vmul.f32 v9, v3;
	v9 =	vadd.f32 v17, v4;
	v17 =	vld [tilespmem:s21+$0xFFFFFFC0];
	v23 =	vadd.f32 v12, v13  }
0x149: {  	v13 =	vadd.f32 v19, v4;
	v12 =	vmul.f32 v14, v3;
	v19 =	vld [tilespmem:s21+$0xFFFFFFD0];
	v14 =	vadd.f32 v21, v4  }
0x14a: {  	s22 =	simm.s32 $0x143F0;
	v18 =	vld [tilespmem:s21+$0xFFFFFFE0];
	v20 =	vmul.f32 v20, v3;
	v21 =	vadd.f32 v16, v2;
	v16 =	vadd.f32 v25, v4  }
0x14b: {  	s23 =	simm.s32 $0x0;
	s4 =	simm.s32 $0x47F0;
	v24 =	vmul.f32 v22, v24;
	v22 =	vld [tilespmem:s21+$0xFFFFFFF0];
	v25 =	vadd.f32 v27, v4;
	[tilespmem:s22+$0x0] =	vst v23;
	v23 =	vadd.f32 v26, v2  }
.LBB2_17:
0x14c: {  	v26 =	vld [tilespmem:s4+$0x0];
	s23 =	sadd.s32 $0x80, s23;
	v6 =	vadd.f32 v6, v2;
	v8 =	vmul.f32 v8, v15;
	v10 =	vadd.f32 v10, v2  }
0x14d: {  	v11 =	vadd.f32 v11, v2;
	v15 =	vld [tilespmem:s4+$0xFFFFFFA0];
	p0 =	slt.u32 s23, $0x780;
	v7 =	vmul.f32 v25, v7;
	v9 =	vmul.f32 v9, v17  }
0x14e: {  	v12 =	vadd.f32 v12, v2;
	v17 =	vld [tilespmem:s4+$0xFFFFFFB0];
	v13 =	vmul.f32 v13, v19;
	v19 =	vadd.f32 v20, v2  }
0x14f: {  	s21 =	sadd.s32 $0x400, s21;
	v21 =	vadd.f32 v24, v21;
	v20 =	vld [tilespmem:s4+$0xFFFFFFC0];
	v7 =	vadd.f32 v7, v23;
	v14 =	vmul.f32 v14, v18  }
0x150: {  	v6 =	vadd.f32 v8, v6;
	v8 =	vadd.f32 v9, v10;
	v18 =	vld [tilespmem:s21+$0x0];
	v9 =	vmul.f32 v16, v22  }
0x151: {  	v11 =	vadd.f32 v13, v11;
	v16 =	vld [tilespmem:s4+$0xFFFFFFD0];
	v10 =	vmul.f32 v26, v5;
	[tilespmem:s22+$0xFFFFFF90] =	vst v7;
	v12 =	vadd.f32 v14, v12  }
0x152: {  	v22 =	vmul.f32 v15, v3;
	v7 =	vmul.f32 v15, v5;
	v14 =	vld [tilespmem:s4+$0xFFFFFFE0];
	[tilespmem:s22+$0xFFFFFFA0] =	vst v21;
	v13 =	vadd.f32 v9, v19  }
0x153: {  	v15 =	vmul.f32 v26, v3;
	v9 =	vmul.f32 v17, v5;
	v23 =	vld [tilespmem:s4+$0xFFFFFFF0];
	v10 =	vadd.f32 v10, v4;
	[tilespmem:s22+$0xFFFFFFB0] =	vst v6  }
0x154: {  	v6 =	vmul.f32 v17, v3;
	v19 =	vld [tilespmem:s4+$0xFFFFFF90];
	v24 =	vadd.f32 v7, v4;
	v17 =	vmul.f32 v20, v5;
	[tilespmem:s22+$0xFFFFFFC0] =	vst v8  }
0x155: {  	v21 =	vadd.f32 v15, v2;
	v7 =	vld [tilespmem:s21+$0xFFFFFF90];
	v8 =	vadd.f32 v9, v4;
	v18 =	vmul.f32 v10, v18;
	[tilespmem:s22+$0xFFFFFFD0] =	vst v11  }
0x156: {  	v10 =	vmul.f32 v20, v3;
	v26 =	vld [tilespmem:s21+$0xFFFFFFA0];
	v9 =	vadd.f32 v17, v4;
	v20 =	vmul.f32 v16, v5;
	[tilespmem:s22+$0xFFFFFFE0] =	vst v12  }
.Ltmp7:
0x157: {  	v11 =	vmul.f32 v16, v3;
	v15 =	vld [tilespmem:s21+$0xFFFFFFB0];
	v16 =	vmul.f32 v14, v5;
	v18 =	vadd.f32 v18, v21;
	[tilespmem:s22+$0xFFFFFFF0] =	vst v13;
	(pc) =	sbr.rel @p0 .LBB2_17-.Ltmp7, $4  }
0x158: {  	v12 =	vmul.f32 v14, v3;
	s22 =	sadd.s32 $0x400, s22;
	v17 =	vld [tilespmem:s21+$0xFFFFFFC0];
	v13 =	vadd.f32 v20, v4;
	v25 =	vmul.f32 v23, v5  }
0x159: {  	v27 =	vmul.f32 v19, v3;
	v28 =	vmul.f32 v19, v5;
	v19 =	vld [tilespmem:s21+$0xFFFFFFD0];
	v14 =	vadd.f32 v16, v4;
	[tilespmem:s22+$0x0] =	vst v18  }
0x15a: {  	v21 =	vadd.f32 v22, v2;
	v20 =	vmul.f32 v23, v3;
	v18 =	vld [tilespmem:s21+$0xFFFFFFE0];
	v16 =	vadd.f32 v25, v4  }
0x15b: {  	s4 =	sadd.s32 $0x400, s4;
	v23 =	vadd.f32 v27, v2;
	v25 =	vadd.f32 v28, v4;
	v24 =	vmul.f32 v24, v26;
	v22 =	vld [tilespmem:s21+$0xFFFFFFF0]  }
0x15c: {  	_ = 	snop  }
0x15d: {  	v3 =	vmul.f32 v25, v7  }
0x15e: {  	v4 =	vadd.f32 v6, v2;
	v5 =	vmul.f32 v8, v15;
	v8 =	vadd.f32 v24, v21  }
0x15f: {  	v6 =	vadd.f32 v10, v2;
	v7 =	vmul.f32 v9, v17;
	v3 =	vadd.f32 v3, v23  }
0x160: {  	v9 =	vadd.f32 v11, v2;
	v10 =	vmul.f32 v13, v19;
	v4 =	vadd.f32 v5, v4;
	[tilespmem:s22+$0xFFFFFFA0] =	vst v8  }
0x161: {  	v5 =	vmul.f32 v14, v18;
	v6 =	vadd.f32 v7, v6;
	[tilespmem:s22+$0xFFFFFF90] =	vst v3;
	v3 =	vadd.f32 v12, v2  }
0x162: {  	v7 =	vmul.f32 v16, v22;
	v8 =	vadd.f32 v10, v9;
	[tilespmem:s22+$0xFFFFFFB0] =	vst v4;
	v2 =	vadd.f32 v20, v2  }
0x163: {  	[tilespmem:s22+$0xFFFFFFC0] =	vst v6;
	v3 =	vadd.f32 v5, v3  }
0x164: {  	[tilespmem:s22+$0xFFFFFFD0] =	vst v8;
	v2 =	vadd.f32 v7, v2  }
0x165: {  	[tilespmem:s22+$0xFFFFFFE0] =	vst v3  }
0x166: {  	[tilespmem:s22+$0xFFFFFFF0] =	vst v2  }
0x167: {  	v2 =	vld [tilespmem:s20+$0x240]  }
0x168: {  	v3 =	vld [tilespmem:s20+$0x2C0]  }
0x169: {  	v4 =	vld [tilespmem:s20+$0x340]  }
0x16a: {  	s4 =	simm.s32 $0x4470;
	v5 =	vld [tilespmem:s20+$0x3C0]  }
0x16b: {  	v6 =	vld [tilespmem:s4+$0x0]  }
0x16c: {  	v7 =	vld [tilespmem:s4+$0xFFFFFFA0]  }
0x16d: {  	v8 =	vld [tilespmem:s4+$0xFFFFFFB0]  }
0x16e: {  	v9 =	vld [tilespmem:s4+$0xFFFFFFC0]  }
0x16f: {  	v11 =	vld [tilespmem:s4+$0xFFFFFFD0]  }
0x170: {  	v14 =	vld [tilespmem:s4+$0xFFFFFFE0]  }
0x171: {  	s21 =	simm.s32 $0xC470;
	v20 =	vld [tilespmem:s4+$0xFFFFFFF0];
	v12 =	vmul.f32 v6, v5  }
0x172: {  	v10 =	vld [tilespmem:s21+$0x0];
	v16 =	vmul.f32 v7, v3;
	v7 =	vmul.f32 v7, v5  }
0x173: {  	v18 =	vld [tilespmem:s4+$0xFFFFFF90];
	v13 =	vmul.f32 v8, v5;
	v15 =	vmul.f32 v6, v3  }
0x174: {  	v6 =	vmul.f32 v8, v3;
	v17 =	vmul.f32 v9, v5  }
0x175: {  	v19 =	vmul.f32 v11, v5;
	v11 =	vmul.f32 v11, v3;
	v12 =	vadd.f32 v12, v4  }
0x176: {  	v24 =	vld [tilespmem:s21+$0xFFFFFFA0];
	v21 =	vmul.f32 v14, v5;
	v25 =	vmul.f32 v20, v5;
	v22 =	vadd.f32 v7, v4  }
0x177: {  	v7 =	vld [tilespmem:s21+$0xFFFFFF90];
	v8 =	vadd.f32 v13, v4;
	v13 =	vadd.f32 v15, v2;
	v12 =	vmul.f32 v12, v10  }
0x178: {  	v26 =	vmul.f32 v18, v3;
	v27 =	vmul.f32 v18, v5;
	v15 =	vld [tilespmem:s21+$0xFFFFFFB0]  }
0x179: {  	v10 =	vmul.f32 v9, v3;
	v9 =	vadd.f32 v17, v4;
	v17 =	vld [tilespmem:s21+$0xFFFFFFC0];
	v23 =	vadd.f32 v12, v13  }
0x17a: {  	v13 =	vadd.f32 v19, v4;
	v12 =	vmul.f32 v14, v3;
	v19 =	vld [tilespmem:s21+$0xFFFFFFD0];
	v14 =	vadd.f32 v21, v4  }
0x17b: {  	s22 =	simm.s32 $0x14470;
	v18 =	vld [tilespmem:s21+$0xFFFFFFE0];
	v20 =	vmul.f32 v20, v3;
	v21 =	vadd.f32 v16, v2;
	v16 =	vadd.f32 v25, v4  }
0x17c: {  	s23 =	simm.s32 $0x0;
	s4 =	simm.s32 $0x4870;
	v24 =	vmul.f32 v22, v24;
	v22 =	vld [tilespmem:s21+$0xFFFFFFF0];
	v25 =	vadd.f32 v27, v4;
	[tilespmem:s22+$0x0] =	vst v23;
	v23 =	vadd.f32 v26, v2  }
.LBB2_19:
0x17d: {  	v26 =	vld [tilespmem:s4+$0x0];
	s23 =	sadd.s32 $0x80, s23;
	v6 =	vadd.f32 v6, v2;
	v8 =	vmul.f32 v8, v15;
	v10 =	vadd.f32 v10, v2  }
0x17e: {  	v11 =	vadd.f32 v11, v2;
	v15 =	vld [tilespmem:s4+$0xFFFFFFA0];
	p0 =	slt.u32 s23, $0x780;
	v7 =	vmul.f32 v25, v7;
	v9 =	vmul.f32 v9, v17  }
0x17f: {  	v12 =	vadd.f32 v12, v2;
	v17 =	vld [tilespmem:s4+$0xFFFFFFB0];
	v13 =	vmul.f32 v13, v19;
	v19 =	vadd.f32 v20, v2  }
0x180: {  	s21 =	sadd.s32 $0x400, s21;
	v21 =	vadd.f32 v24, v21;
	v20 =	vld [tilespmem:s4+$0xFFFFFFC0];
	v7 =	vadd.f32 v7, v23;
	v14 =	vmul.f32 v14, v18  }
0x181: {  	v6 =	vadd.f32 v8, v6;
	v8 =	vadd.f32 v9, v10;
	v18 =	vld [tilespmem:s21+$0x0];
	v9 =	vmul.f32 v16, v22  }
0x182: {  	v11 =	vadd.f32 v13, v11;
	v16 =	vld [tilespmem:s4+$0xFFFFFFD0];
	v10 =	vmul.f32 v26, v5;
	[tilespmem:s22+$0xFFFFFF90] =	vst v7;
	v12 =	vadd.f32 v14, v12  }
0x183: {  	v22 =	vmul.f32 v15, v3;
	v7 =	vmul.f32 v15, v5;
	v14 =	vld [tilespmem:s4+$0xFFFFFFE0];
	[tilespmem:s22+$0xFFFFFFA0] =	vst v21;
	v13 =	vadd.f32 v9, v19  }
0x184: {  	v15 =	vmul.f32 v26, v3;
	v9 =	vmul.f32 v17, v5;
	v23 =	vld [tilespmem:s4+$0xFFFFFFF0];
	v10 =	vadd.f32 v10, v4;
	[tilespmem:s22+$0xFFFFFFB0] =	vst v6  }
0x185: {  	v6 =	vmul.f32 v17, v3;
	v19 =	vld [tilespmem:s4+$0xFFFFFF90];
	v24 =	vadd.f32 v7, v4;
	v17 =	vmul.f32 v20, v5;
	[tilespmem:s22+$0xFFFFFFC0] =	vst v8  }
0x186: {  	v21 =	vadd.f32 v15, v2;
	v7 =	vld [tilespmem:s21+$0xFFFFFF90];
	v8 =	vadd.f32 v9, v4;
	v18 =	vmul.f32 v10, v18;
	[tilespmem:s22+$0xFFFFFFD0] =	vst v11  }
0x187: {  	v10 =	vmul.f32 v20, v3;
	v26 =	vld [tilespmem:s21+$0xFFFFFFA0];
	v9 =	vadd.f32 v17, v4;
	v20 =	vmul.f32 v16, v5;
	[tilespmem:s22+$0xFFFFFFE0] =	vst v12  }
.Ltmp8:
0x188: {  	v11 =	vmul.f32 v16, v3;
	v15 =	vld [tilespmem:s21+$0xFFFFFFB0];
	v16 =	vmul.f32 v14, v5;
	v18 =	vadd.f32 v18, v21;
	[tilespmem:s22+$0xFFFFFFF0] =	vst v13;
	(pc) =	sbr.rel @p0 .LBB2_19-.Ltmp8, $4  }
0x189: {  	v12 =	vmul.f32 v14, v3;
	s22 =	sadd.s32 $0x400, s22;
	v17 =	vld [tilespmem:s21+$0xFFFFFFC0];
	v13 =	vadd.f32 v20, v4;
	v25 =	vmul.f32 v23, v5  }
0x18a: {  	v27 =	vmul.f32 v19, v3;
	v28 =	vmul.f32 v19, v5;
	v19 =	vld [tilespmem:s21+$0xFFFFFFD0];
	v14 =	vadd.f32 v16, v4;
	[tilespmem:s22+$0x0] =	vst v18  }
0x18b: {  	v21 =	vadd.f32 v22, v2;
	v20 =	vmul.f32 v23, v3;
	v18 =	vld [tilespmem:s21+$0xFFFFFFE0];
	v16 =	vadd.f32 v25, v4  }
0x18c: {  	s4 =	sadd.s32 $0x400, s4;
	v23 =	vadd.f32 v27, v2;
	v25 =	vadd.f32 v28, v4;
	v24 =	vmul.f32 v24, v26;
	v22 =	vld [tilespmem:s21+$0xFFFFFFF0]  }
0x18d: {  	_ = 	snop  }
0x18e: {  	v3 =	vmul.f32 v25, v7  }
0x18f: {  	v4 =	vadd.f32 v6, v2;
	v5 =	vmul.f32 v8, v15;
	v8 =	vadd.f32 v24, v21  }
0x190: {  	v6 =	vadd.f32 v10, v2;
	v7 =	vmul.f32 v9, v17;
	v3 =	vadd.f32 v3, v23  }
0x191: {  	v9 =	vadd.f32 v11, v2;
	v10 =	vmul.f32 v13, v19;
	v4 =	vadd.f32 v5, v4;
	[tilespmem:s22+$0xFFFFFFA0] =	vst v8  }
0x192: {  	v5 =	vmul.f32 v14, v18;
	v6 =	vadd.f32 v7, v6;
	[tilespmem:s22+$0xFFFFFF90] =	vst v3;
	v3 =	vadd.f32 v12, v2  }
0x193: {  	v7 =	vmul.f32 v16, v22;
	v8 =	vadd.f32 v10, v9;
	[tilespmem:s22+$0xFFFFFFB0] =	vst v4;
	v2 =	vadd.f32 v20, v2  }
0x194: {  	[tilespmem:s22+$0xFFFFFFC0] =	vst v6;
	v3 =	vadd.f32 v5, v3  }
0x195: {  	[tilespmem:s22+$0xFFFFFFD0] =	vst v8;
	v2 =	vadd.f32 v7, v2  }
0x196: {  	[tilespmem:s22+$0xFFFFFFE0] =	vst v3  }
0x197: {  	[tilespmem:s22+$0xFFFFFFF0] =	vst v2  }
0x198: {  	v2 =	vld [tilespmem:s20+$0x250]  }
0x199: {  	v3 =	vld [tilespmem:s20+$0x2D0]  }
0x19a: {  	v4 =	vld [tilespmem:s20+$0x350]  }
0x19b: {  	s4 =	simm.s32 $0x44F0;
	v5 =	vld [tilespmem:s20+$0x3D0]  }
0x19c: {  	v6 =	vld [tilespmem:s4+$0x0]  }
0x19d: {  	v7 =	vld [tilespmem:s4+$0xFFFFFFA0]  }
0x19e: {  	v8 =	vld [tilespmem:s4+$0xFFFFFFB0]  }
0x19f: {  	v9 =	vld [tilespmem:s4+$0xFFFFFFC0]  }
0x1a0: {  	v11 =	vld [tilespmem:s4+$0xFFFFFFD0]  }
0x1a1: {  	v14 =	vld [tilespmem:s4+$0xFFFFFFE0]  }
0x1a2: {  	s21 =	simm.s32 $0xC4F0;
	v20 =	vld [tilespmem:s4+$0xFFFFFFF0];
	v12 =	vmul.f32 v6, v5  }
0x1a3: {  	v10 =	vld [tilespmem:s21+$0x0];
	v16 =	vmul.f32 v7, v3;
	v7 =	vmul.f32 v7, v5  }
0x1a4: {  	v18 =	vld [tilespmem:s4+$0xFFFFFF90];
	v13 =	vmul.f32 v8, v5;
	v15 =	vmul.f32 v6, v3  }
0x1a5: {  	v6 =	vmul.f32 v8, v3;
	v17 =	vmul.f32 v9, v5  }
0x1a6: {  	v19 =	vmul.f32 v11, v5;
	v11 =	vmul.f32 v11, v3;
	v12 =	vadd.f32 v12, v4  }
0x1a7: {  	v24 =	vld [tilespmem:s21+$0xFFFFFFA0];
	v21 =	vmul.f32 v14, v5;
	v25 =	vmul.f32 v20, v5;
	v22 =	vadd.f32 v7, v4  }
0x1a8: {  	v7 =	vld [tilespmem:s21+$0xFFFFFF90];
	v8 =	vadd.f32 v13, v4;
	v13 =	vadd.f32 v15, v2;
	v12 =	vmul.f32 v12, v10  }
0x1a9: {  	v26 =	vmul.f32 v18, v3;
	v27 =	vmul.f32 v18, v5;
	v15 =	vld [tilespmem:s21+$0xFFFFFFB0]  }
0x1aa: {  	v10 =	vmul.f32 v9, v3;
	v9 =	vadd.f32 v17, v4;
	v17 =	vld [tilespmem:s21+$0xFFFFFFC0];
	v23 =	vadd.f32 v12, v13  }
0x1ab: {  	v13 =	vadd.f32 v19, v4;
	v12 =	vmul.f32 v14, v3;
	v19 =	vld [tilespmem:s21+$0xFFFFFFD0];
	v14 =	vadd.f32 v21, v4  }
0x1ac: {  	s22 =	simm.s32 $0x144F0;
	v18 =	vld [tilespmem:s21+$0xFFFFFFE0];
	v20 =	vmul.f32 v20, v3;
	v21 =	vadd.f32 v16, v2;
	v16 =	vadd.f32 v25, v4  }
0x1ad: {  	s23 =	simm.s32 $0x0;
	s4 =	simm.s32 $0x48F0;
	v24 =	vmul.f32 v22, v24;
	v22 =	vld [tilespmem:s21+$0xFFFFFFF0];
	v25 =	vadd.f32 v27, v4;
	[tilespmem:s22+$0x0] =	vst v23;
	v23 =	vadd.f32 v26, v2  }
.LBB2_21:
0x1ae: {  	v26 =	vld [tilespmem:s4+$0x0];
	s23 =	sadd.s32 $0x80, s23;
	v6 =	vadd.f32 v6, v2;
	v8 =	vmul.f32 v8, v15;
	v10 =	vadd.f32 v10, v2  }
0x1af: {  	v11 =	vadd.f32 v11, v2;
	v15 =	vld [tilespmem:s4+$0xFFFFFFA0];
	p0 =	slt.u32 s23, $0x780;
	v7 =	vmul.f32 v25, v7;
	v9 =	vmul.f32 v9, v17  }
0x1b0: {  	v12 =	vadd.f32 v12, v2;
	v17 =	vld [tilespmem:s4+$0xFFFFFFB0];
	v13 =	vmul.f32 v13, v19;
	v19 =	vadd.f32 v20, v2  }
0x1b1: {  	s21 =	sadd.s32 $0x400, s21;
	v21 =	vadd.f32 v24, v21;
	v20 =	vld [tilespmem:s4+$0xFFFFFFC0];
	v7 =	vadd.f32 v7, v23;
	v14 =	vmul.f32 v14, v18  }
0x1b2: {  	v6 =	vadd.f32 v8, v6;
	v8 =	vadd.f32 v9, v10;
	v18 =	vld [tilespmem:s21+$0x0];
	v9 =	vmul.f32 v16, v22  }
0x1b3: {  	v11 =	vadd.f32 v13, v11;
	v16 =	vld [tilespmem:s4+$0xFFFFFFD0];
	v10 =	vmul.f32 v26, v5;
	[tilespmem:s22+$0xFFFFFF90] =	vst v7;
	v12 =	vadd.f32 v14, v12  }
0x1b4: {  	v22 =	vmul.f32 v15, v3;
	v7 =	vmul.f32 v15, v5;
	v14 =	vld [tilespmem:s4+$0xFFFFFFE0];
	[tilespmem:s22+$0xFFFFFFA0] =	vst v21;
	v13 =	vadd.f32 v9, v19  }
0x1b5: {  	v15 =	vmul.f32 v26, v3;
	v9 =	vmul.f32 v17, v5;
	v23 =	vld [tilespmem:s4+$0xFFFFFFF0];
	v10 =	vadd.f32 v10, v4;
	[tilespmem:s22+$0xFFFFFFB0] =	vst v6  }
0x1b6: {  	v6 =	vmul.f32 v17, v3;
	v19 =	vld [tilespmem:s4+$0xFFFFFF90];
	v24 =	vadd.f32 v7, v4;
	v17 =	vmul.f32 v20, v5;
	[tilespmem:s22+$0xFFFFFFC0] =	vst v8  }
0x1b7: {  	v21 =	vadd.f32 v15, v2;
	v7 =	vld [tilespmem:s21+$0xFFFFFF90];
	v8 =	vadd.f32 v9, v4;
	v18 =	vmul.f32 v10, v18;
	[tilespmem:s22+$0xFFFFFFD0] =	vst v11  }
0x1b8: {  	v10 =	vmul.f32 v20, v3;
	v26 =	vld [tilespmem:s21+$0xFFFFFFA0];
	v9 =	vadd.f32 v17, v4;
	v20 =	vmul.f32 v16, v5;
	[tilespmem:s22+$0xFFFFFFE0] =	vst v12  }
.Ltmp9:
0x1b9: {  	v11 =	vmul.f32 v16, v3;
	v15 =	vld [tilespmem:s21+$0xFFFFFFB0];
	v16 =	vmul.f32 v14, v5;
	v18 =	vadd.f32 v18, v21;
	[tilespmem:s22+$0xFFFFFFF0] =	vst v13;
	(pc) =	sbr.rel @p0 .LBB2_21-.Ltmp9, $4  }
0x1ba: {  	v12 =	vmul.f32 v14, v3;
	s22 =	sadd.s32 $0x400, s22;
	v17 =	vld [tilespmem:s21+$0xFFFFFFC0];
	v13 =	vadd.f32 v20, v4;
	v25 =	vmul.f32 v23, v5  }
0x1bb: {  	v27 =	vmul.f32 v19, v3;
	v28 =	vmul.f32 v19, v5;
	v19 =	vld [tilespmem:s21+$0xFFFFFFD0];
	v14 =	vadd.f32 v16, v4;
	[tilespmem:s22+$0x0] =	vst v18  }
0x1bc: {  	v21 =	vadd.f32 v22, v2;
	v20 =	vmul.f32 v23, v3;
	v18 =	vld [tilespmem:s21+$0xFFFFFFE0];
	v16 =	vadd.f32 v25, v4  }
0x1bd: {  	s4 =	sadd.s32 $0x400, s4;
	v23 =	vadd.f32 v27, v2;
	v25 =	vadd.f32 v28, v4;
	v24 =	vmul.f32 v24, v26;
	v22 =	vld [tilespmem:s21+$0xFFFFFFF0]  }
0x1be: {  	_ = 	snop  }
0x1bf: {  	v3 =	vmul.f32 v25, v7  }
0x1c0: {  	v4 =	vadd.f32 v6, v2;
	v5 =	vmul.f32 v8, v15;
	v8 =	vadd.f32 v24, v21  }
0x1c1: {  	v6 =	vadd.f32 v10, v2;
	v7 =	vmul.f32 v9, v17;
	v3 =	vadd.f32 v3, v23  }
0x1c2: {  	v9 =	vadd.f32 v11, v2;
	v10 =	vmul.f32 v13, v19;
	v4 =	vadd.f32 v5, v4;
	[tilespmem:s22+$0xFFFFFFA0] =	vst v8  }
0x1c3: {  	v5 =	vmul.f32 v14, v18;
	v6 =	vadd.f32 v7, v6;
	[tilespmem:s22+$0xFFFFFF90] =	vst v3;
	v3 =	vadd.f32 v12, v2  }
0x1c4: {  	v7 =	vmul.f32 v16, v22;
	v8 =	vadd.f32 v10, v9;
	[tilespmem:s22+$0xFFFFFFB0] =	vst v4;
	v2 =	vadd.f32 v20, v2  }
0x1c5: {  	[tilespmem:s22+$0xFFFFFFC0] =	vst v6;
	v3 =	vadd.f32 v5, v3  }
0x1c6: {  	[tilespmem:s22+$0xFFFFFFD0] =	vst v8;
	v2 =	vadd.f32 v7, v2  }
0x1c7: {  	[tilespmem:s22+$0xFFFFFFE0] =	vst v3  }
0x1c8: {  	[tilespmem:s22+$0xFFFFFFF0] =	vst v2  }
0x1c9: {  	v2 =	vld [tilespmem:s20+$0x260]  }
0x1ca: {  	v3 =	vld [tilespmem:s20+$0x2E0]  }
0x1cb: {  	v4 =	vld [tilespmem:s20+$0x360]  }
0x1cc: {  	s4 =	simm.s32 $0x4570;
	v5 =	vld [tilespmem:s20+$0x3E0]  }
0x1cd: {  	v6 =	vld [tilespmem:s4+$0x0]  }
0x1ce: {  	v7 =	vld [tilespmem:s4+$0xFFFFFFA0]  }
0x1cf: {  	v8 =	vld [tilespmem:s4+$0xFFFFFFB0]  }
0x1d0: {  	v9 =	vld [tilespmem:s4+$0xFFFFFFC0]  }
0x1d1: {  	v11 =	vld [tilespmem:s4+$0xFFFFFFD0]  }
0x1d2: {  	v14 =	vld [tilespmem:s4+$0xFFFFFFE0]  }
0x1d3: {  	s21 =	simm.s32 $0xC570;
	v20 =	vld [tilespmem:s4+$0xFFFFFFF0];
	v12 =	vmul.f32 v6, v5  }
0x1d4: {  	v10 =	vld [tilespmem:s21+$0x0];
	v16 =	vmul.f32 v7, v3;
	v7 =	vmul.f32 v7, v5  }
0x1d5: {  	v18 =	vld [tilespmem:s4+$0xFFFFFF90];
	v13 =	vmul.f32 v8, v5;
	v15 =	vmul.f32 v6, v3  }
0x1d6: {  	v6 =	vmul.f32 v8, v3;
	v17 =	vmul.f32 v9, v5  }
0x1d7: {  	v19 =	vmul.f32 v11, v5;
	v11 =	vmul.f32 v11, v3;
	v12 =	vadd.f32 v12, v4  }
0x1d8: {  	v24 =	vld [tilespmem:s21+$0xFFFFFFA0];
	v21 =	vmul.f32 v14, v5;
	v25 =	vmul.f32 v20, v5;
	v22 =	vadd.f32 v7, v4  }
0x1d9: {  	v7 =	vld [tilespmem:s21+$0xFFFFFF90];
	v8 =	vadd.f32 v13, v4;
	v13 =	vadd.f32 v15, v2;
	v12 =	vmul.f32 v12, v10  }
0x1da: {  	v26 =	vmul.f32 v18, v3;
	v27 =	vmul.f32 v18, v5;
	v15 =	vld [tilespmem:s21+$0xFFFFFFB0]  }
0x1db: {  	v10 =	vmul.f32 v9, v3;
	v9 =	vadd.f32 v17, v4;
	v17 =	vld [tilespmem:s21+$0xFFFFFFC0];
	v23 =	vadd.f32 v12, v13  }
0x1dc: {  	v13 =	vadd.f32 v19, v4;
	v12 =	vmul.f32 v14, v3;
	v19 =	vld [tilespmem:s21+$0xFFFFFFD0];
	v14 =	vadd.f32 v21, v4  }
0x1dd: {  	s22 =	simm.s32 $0x14570;
	v18 =	vld [tilespmem:s21+$0xFFFFFFE0];
	v20 =	vmul.f32 v20, v3;
	v21 =	vadd.f32 v16, v2;
	v16 =	vadd.f32 v25, v4  }
0x1de: {  	s23 =	simm.s32 $0x0;
	s4 =	simm.s32 $0x4970;
	v24 =	vmul.f32 v22, v24;
	v22 =	vld [tilespmem:s21+$0xFFFFFFF0];
	v25 =	vadd.f32 v27, v4;
	[tilespmem:s22+$0x0] =	vst v23;
	v23 =	vadd.f32 v26, v2  }
.LBB2_23:
0x1df: {  	v26 =	vld [tilespmem:s4+$0x0];
	s23 =	sadd.s32 $0x80, s23;
	v6 =	vadd.f32 v6, v2;
	v8 =	vmul.f32 v8, v15;
	v10 =	vadd.f32 v10, v2  }
0x1e0: {  	v11 =	vadd.f32 v11, v2;
	v15 =	vld [tilespmem:s4+$0xFFFFFFA0];
	p0 =	slt.u32 s23, $0x780;
	v7 =	vmul.f32 v25, v7;
	v9 =	vmul.f32 v9, v17  }
0x1e1: {  	v12 =	vadd.f32 v12, v2;
	v17 =	vld [tilespmem:s4+$0xFFFFFFB0];
	v13 =	vmul.f32 v13, v19;
	v19 =	vadd.f32 v20, v2  }
0x1e2: {  	s21 =	sadd.s32 $0x400, s21;
	v21 =	vadd.f32 v24, v21;
	v20 =	vld [tilespmem:s4+$0xFFFFFFC0];
	v7 =	vadd.f32 v7, v23;
	v14 =	vmul.f32 v14, v18  }
0x1e3: {  	v6 =	vadd.f32 v8, v6;
	v8 =	vadd.f32 v9, v10;
	v18 =	vld [tilespmem:s21+$0x0];
	v9 =	vmul.f32 v16, v22  }
0x1e4: {  	v11 =	vadd.f32 v13, v11;
	v16 =	vld [tilespmem:s4+$0xFFFFFFD0];
	v10 =	vmul.f32 v26, v5;
	[tilespmem:s22+$0xFFFFFF90] =	vst v7;
	v12 =	vadd.f32 v14, v12  }
0x1e5: {  	v22 =	vmul.f32 v15, v3;
	v7 =	vmul.f32 v15, v5;
	v14 =	vld [tilespmem:s4+$0xFFFFFFE0];
	[tilespmem:s22+$0xFFFFFFA0] =	vst v21;
	v13 =	vadd.f32 v9, v19  }
0x1e6: {  	v15 =	vmul.f32 v26, v3;
	v9 =	vmul.f32 v17, v5;
	v23 =	vld [tilespmem:s4+$0xFFFFFFF0];
	v10 =	vadd.f32 v10, v4;
	[tilespmem:s22+$0xFFFFFFB0] =	vst v6  }
0x1e7: {  	v6 =	vmul.f32 v17, v3;
	v19 =	vld [tilespmem:s4+$0xFFFFFF90];
	v24 =	vadd.f32 v7, v4;
	v17 =	vmul.f32 v20, v5;
	[tilespmem:s22+$0xFFFFFFC0] =	vst v8  }
0x1e8: {  	v21 =	vadd.f32 v15, v2;
	v7 =	vld [tilespmem:s21+$0xFFFFFF90];
	v8 =	vadd.f32 v9, v4;
	v18 =	vmul.f32 v10, v18;
	[tilespmem:s22+$0xFFFFFFD0] =	vst v11  }
0x1e9: {  	v10 =	vmul.f32 v20, v3;
	v26 =	vld [tilespmem:s21+$0xFFFFFFA0];
	v9 =	vadd.f32 v17, v4;
	v20 =	vmul.f32 v16, v5;
	[tilespmem:s22+$0xFFFFFFE0] =	vst v12  }
.Ltmp10:
0x1ea: {  	v11 =	vmul.f32 v16, v3;
	v15 =	vld [tilespmem:s21+$0xFFFFFFB0];
	v16 =	vmul.f32 v14, v5;
	v18 =	vadd.f32 v18, v21;
	[tilespmem:s22+$0xFFFFFFF0] =	vst v13;
	(pc) =	sbr.rel @p0 .LBB2_23-.Ltmp10, $4  }
0x1eb: {  	v12 =	vmul.f32 v14, v3;
	s22 =	sadd.s32 $0x400, s22;
	v17 =	vld [tilespmem:s21+$0xFFFFFFC0];
	v13 =	vadd.f32 v20, v4;
	v25 =	vmul.f32 v23, v5  }
0x1ec: {  	v27 =	vmul.f32 v19, v3;
	v28 =	vmul.f32 v19, v5;
	v19 =	vld [tilespmem:s21+$0xFFFFFFD0];
	v14 =	vadd.f32 v16, v4;
	[tilespmem:s22+$0x0] =	vst v18  }
0x1ed: {  	v21 =	vadd.f32 v22, v2;
	v20 =	vmul.f32 v23, v3;
	v18 =	vld [tilespmem:s21+$0xFFFFFFE0];
	v16 =	vadd.f32 v25, v4  }
0x1ee: {  	s4 =	sadd.s32 $0x400, s4;
	v23 =	vadd.f32 v27, v2;
	v25 =	vadd.f32 v28, v4;
	v24 =	vmul.f32 v24, v26;
	v22 =	vld [tilespmem:s21+$0xFFFFFFF0]  }
0x1ef: {  	_ = 	snop  }
0x1f0: {  	v3 =	vmul.f32 v25, v7  }
0x1f1: {  	v4 =	vadd.f32 v6, v2;
	v5 =	vmul.f32 v8, v15;
	v8 =	vadd.f32 v24, v21  }
0x1f2: {  	v6 =	vadd.f32 v10, v2;
	v7 =	vmul.f32 v9, v17;
	v3 =	vadd.f32 v3, v23  }
0x1f3: {  	v9 =	vadd.f32 v11, v2;
	v10 =	vmul.f32 v13, v19;
	v4 =	vadd.f32 v5, v4;
	[tilespmem:s22+$0xFFFFFFA0] =	vst v8  }
0x1f4: {  	v5 =	vmul.f32 v14, v18;
	v6 =	vadd.f32 v7, v6;
	[tilespmem:s22+$0xFFFFFF90] =	vst v3;
	v3 =	vadd.f32 v12, v2  }
0x1f5: {  	v7 =	vmul.f32 v16, v22;
	v8 =	vadd.f32 v10, v9;
	[tilespmem:s22+$0xFFFFFFB0] =	vst v4;
	v2 =	vadd.f32 v20, v2  }
0x1f6: {  	[tilespmem:s22+$0xFFFFFFC0] =	vst v6;
	v3 =	vadd.f32 v5, v3  }
0x1f7: {  	[tilespmem:s22+$0xFFFFFFD0] =	vst v8;
	v2 =	vadd.f32 v7, v2  }
0x1f8: {  	[tilespmem:s22+$0xFFFFFFE0] =	vst v3  }
0x1f9: {  	[tilespmem:s22+$0xFFFFFFF0] =	vst v2  }
0x1fa: {  	v2 =	vld [tilespmem:s20+$0x270]  }
0x1fb: {  	v3 =	vld [tilespmem:s20+$0x2F0]  }
0x1fc: {  	v4 =	vld [tilespmem:s20+$0x370]  }
0x1fd: {  	s4 =	simm.s32 $0x45F0;
	v5 =	vld [tilespmem:s20+$0x3F0]  }
0x1fe: {  	v6 =	vld [tilespmem:s4+$0x0]  }
0x1ff: {  	v7 =	vld [tilespmem:s4+$0xFFFFFFA0]  }
0x200: {  	v8 =	vld [tilespmem:s4+$0xFFFFFFB0]  }
0x201: {  	v9 =	vld [tilespmem:s4+$0xFFFFFFC0]  }
0x202: {  	v11 =	vld [tilespmem:s4+$0xFFFFFFD0]  }
0x203: {  	v14 =	vld [tilespmem:s4+$0xFFFFFFE0]  }
0x204: {  	s20 =	simm.s32 $0xC5F0;
	v20 =	vld [tilespmem:s4+$0xFFFFFFF0];
	v12 =	vmul.f32 v6, v5  }
0x205: {  	v10 =	vld [tilespmem:s20+$0x0];
	v16 =	vmul.f32 v7, v3;
	v7 =	vmul.f32 v7, v5  }
0x206: {  	v18 =	vld [tilespmem:s4+$0xFFFFFF90];
	v13 =	vmul.f32 v8, v5;
	v15 =	vmul.f32 v6, v3  }
0x207: {  	v6 =	vmul.f32 v8, v3;
	v17 =	vmul.f32 v9, v5  }
0x208: {  	v19 =	vmul.f32 v11, v5;
	v11 =	vmul.f32 v11, v3;
	v12 =	vadd.f32 v12, v4  }
0x209: {  	v24 =	vld [tilespmem:s20+$0xFFFFFFA0];
	v21 =	vmul.f32 v14, v5;
	v25 =	vmul.f32 v20, v5;
	v22 =	vadd.f32 v7, v4  }
0x20a: {  	v7 =	vld [tilespmem:s20+$0xFFFFFF90];
	v8 =	vadd.f32 v13, v4;
	v13 =	vadd.f32 v15, v2;
	v12 =	vmul.f32 v12, v10  }
0x20b: {  	v26 =	vmul.f32 v18, v3;
	v27 =	vmul.f32 v18, v5;
	v15 =	vld [tilespmem:s20+$0xFFFFFFB0]  }
0x20c: {  	v10 =	vmul.f32 v9, v3;
	v9 =	vadd.f32 v17, v4;
	v17 =	vld [tilespmem:s20+$0xFFFFFFC0];
	v23 =	vadd.f32 v12, v13  }
0x20d: {  	v13 =	vadd.f32 v19, v4;
	v12 =	vmul.f32 v14, v3;
	v19 =	vld [tilespmem:s20+$0xFFFFFFD0];
	v14 =	vadd.f32 v21, v4  }
0x20e: {  	s21 =	simm.s32 $0x145F0;
	v18 =	vld [tilespmem:s20+$0xFFFFFFE0];
	v20 =	vmul.f32 v20, v3;
	v21 =	vadd.f32 v16, v2;
	v16 =	vadd.f32 v25, v4  }
0x20f: {  	s22 =	simm.s32 $0x0;
	s4 =	simm.s32 $0x49F0;
	v24 =	vmul.f32 v22, v24;
	v22 =	vld [tilespmem:s20+$0xFFFFFFF0];
	v25 =	vadd.f32 v27, v4;
	[tilespmem:s21+$0x0] =	vst v23;
	v23 =	vadd.f32 v26, v2  }
.LBB2_25:
0x210: {  	v26 =	vld [tilespmem:s4+$0x0];
	s22 =	sadd.s32 $0x80, s22;
	v6 =	vadd.f32 v6, v2;
	v8 =	vmul.f32 v8, v15;
	v10 =	vadd.f32 v10, v2  }
0x211: {  	v11 =	vadd.f32 v11, v2;
	v15 =	vld [tilespmem:s4+$0xFFFFFFA0];
	p0 =	slt.u32 s22, $0x780;
	v7 =	vmul.f32 v25, v7;
	v9 =	vmul.f32 v9, v17  }
0x212: {  	v12 =	vadd.f32 v12, v2;
	v17 =	vld [tilespmem:s4+$0xFFFFFFB0];
	v13 =	vmul.f32 v13, v19;
	v19 =	vadd.f32 v20, v2  }
0x213: {  	s20 =	sadd.s32 $0x400, s20;
	v21 =	vadd.f32 v24, v21;
	v20 =	vld [tilespmem:s4+$0xFFFFFFC0];
	v7 =	vadd.f32 v7, v23;
	v14 =	vmul.f32 v14, v18  }
0x214: {  	v6 =	vadd.f32 v8, v6;
	v8 =	vadd.f32 v9, v10;
	v18 =	vld [tilespmem:s20+$0x0];
	v9 =	vmul.f32 v16, v22  }
0x215: {  	v11 =	vadd.f32 v13, v11;
	v16 =	vld [tilespmem:s4+$0xFFFFFFD0];
	v10 =	vmul.f32 v26, v5;
	[tilespmem:s21+$0xFFFFFF90] =	vst v7;
	v12 =	vadd.f32 v14, v12  }
0x216: {  	v22 =	vmul.f32 v15, v3;
	v7 =	vmul.f32 v15, v5;
	v14 =	vld [tilespmem:s4+$0xFFFFFFE0];
	[tilespmem:s21+$0xFFFFFFA0] =	vst v21;
	v13 =	vadd.f32 v9, v19  }
0x217: {  	v15 =	vmul.f32 v26, v3;
	v9 =	vmul.f32 v17, v5;
	v23 =	vld [tilespmem:s4+$0xFFFFFFF0];
	v10 =	vadd.f32 v10, v4;
	[tilespmem:s21+$0xFFFFFFB0] =	vst v6  }
0x218: {  	v6 =	vmul.f32 v17, v3;
	v19 =	vld [tilespmem:s4+$0xFFFFFF90];
	v24 =	vadd.f32 v7, v4;
	v17 =	vmul.f32 v20, v5;
	[tilespmem:s21+$0xFFFFFFC0] =	vst v8  }
0x219: {  	v21 =	vadd.f32 v15, v2;
	v7 =	vld [tilespmem:s20+$0xFFFFFF90];
	v8 =	vadd.f32 v9, v4;
	v18 =	vmul.f32 v10, v18;
	[tilespmem:s21+$0xFFFFFFD0] =	vst v11  }
0x21a: {  	v10 =	vmul.f32 v20, v3;
	v26 =	vld [tilespmem:s20+$0xFFFFFFA0];
	v9 =	vadd.f32 v17, v4;
	v20 =	vmul.f32 v16, v5;
	[tilespmem:s21+$0xFFFFFFE0] =	vst v12  }
.Ltmp11:
0x21b: {  	v11 =	vmul.f32 v16, v3;
	v15 =	vld [tilespmem:s20+$0xFFFFFFB0];
	v16 =	vmul.f32 v14, v5;
	v18 =	vadd.f32 v18, v21;
	[tilespmem:s21+$0xFFFFFFF0] =	vst v13;
	(pc) =	sbr.rel @p0 .LBB2_25-.Ltmp11, $4  }
0x21c: {  	v12 =	vmul.f32 v14, v3;
	s21 =	sadd.s32 $0x400, s21;
	v17 =	vld [tilespmem:s20+$0xFFFFFFC0];
	v13 =	vadd.f32 v20, v4;
	v25 =	vmul.f32 v23, v5  }
0x21d: {  	v27 =	vmul.f32 v19, v3;
	v28 =	vmul.f32 v19, v5;
	v19 =	vld [tilespmem:s20+$0xFFFFFFD0];
	v14 =	vadd.f32 v16, v4;
	[tilespmem:s21+$0x0] =	vst v18  }
0x21e: {  	v21 =	vadd.f32 v22, v2;
	v20 =	vmul.f32 v23, v3;
	v18 =	vld [tilespmem:s20+$0xFFFFFFE0];
	v16 =	vadd.f32 v25, v4  }
0x21f: {  	s4 =	sadd.s32 $0x400, s4;
	v23 =	vadd.f32 v27, v2;
	v25 =	vadd.f32 v28, v4;
	v24 =	vmul.f32 v24, v26;
	v22 =	vld [tilespmem:s20+$0xFFFFFFF0]  }
0x220: {  	_ = 	snop  }
0x221: {  	v3 =	vmul.f32 v25, v7  }
0x222: {  	v4 =	vadd.f32 v6, v2;
	v5 =	vmul.f32 v8, v15;
	v8 =	vadd.f32 v24, v21  }
0x223: {  	v6 =	vadd.f32 v10, v2;
	v7 =	vmul.f32 v9, v17;
	v3 =	vadd.f32 v3, v23  }
0x224: {  	v9 =	vadd.f32 v11, v2;
	v10 =	vmul.f32 v13, v19;
	v4 =	vadd.f32 v5, v4;
	[tilespmem:s21+$0xFFFFFFA0] =	vst v8  }
0x225: {  	v5 =	vmul.f32 v14, v18;
	v6 =	vadd.f32 v7, v6;
	[tilespmem:s21+$0xFFFFFF90] =	vst v3;
	v3 =	vadd.f32 v12, v2  }
0x226: {  	v7 =	vmul.f32 v16, v22;
	v8 =	vadd.f32 v10, v9;
	[tilespmem:s21+$0xFFFFFFB0] =	vst v4;
	v2 =	vadd.f32 v20, v2  }
0x227: {  	[tilespmem:s21+$0xFFFFFFC0] =	vst v6;
	v3 =	vadd.f32 v5, v3  }
0x228: {  	[tilespmem:s21+$0xFFFFFFD0] =	vst v8;
	v2 =	vadd.f32 v7, v2  }
0x229: {  	[tilespmem:s21+$0xFFFFFFE0] =	vst v3  }
0x22a: {  	s2 =	sadd.s32 s2, s17;
	[tilespmem:s21+$0xFFFFFFF0] =	vst v2  }
0x22b: {  	[hbm4b:s2+s3] =	stream.linear.scatter [tilespmem:s28], [sflag:$0x3], $0x4000, $0x38;
	[tilespmem:$0x1C200] =	vst v63  }
0x22c: {  	_ =	swait.ge [sflag:s24], $0x4000  }
0x22d: {  	[sflag:s24] =	ssyncset.done $0x0  }
0x22e: {  	[sflag:s24] =	ssyncadd.s32 $0xFFFFC000  }
0x22f: {  	_ =	swait.ge [sflag:s25], $0x4000  }
0x230: {  	p0 =	seq.s32 s31, $0xF;
	[sflag:s25] =	ssyncset.done $0x0  }
0x231: {  	s2 =	sshll.u32 @!p0 s31, $0x4;
	[sflag:s25] =	ssyncadd.s32 $0xFFFFC000  }
0x232: {  	v2 =	vld.msk @!p0 [tilespmem:s2+$0x10], $0xff;
	_ =	sdelay $0x4  }
0x233: {  	v3 =	vshll.u32 @!p0 v2, $0x4  }
0x234: {  	v4 =	vlaneseq.u32 @!p0;
	v2 =	vand.u32 @!p0 $0x7, v2;
	v3 =	vand.u32 @!p0 $0xFFFFFF80, v3  }
0x235: {  	v2 =	vor.u32 @!p0 v2, v3;
	v3 =	vand.u32 @!p0 $0x7, v4;
	v4 =	vshrl.u32 @!p0 v4, $0x3  }
0x236: {  	v2 =	vperm.xlane @!p0 v2, v3;
	v4 =	vmul.u32 @!p0 $0x8, v4;
	_ =	sdelay $0x1  }
0x237: {  	v2 =	vadd.s32 @!p0 v4, v2;
	_ =	sdelay $0x3  }
0x238: {  	vm1 =	vmmov @!p0 $0xffff;
	s4 =	simm.s32 @!p0 $0x0;
	s20 =	simm.s32 @!p0 $0x4200  }
0x239: {  	[tilespmem:s20], [sflag:$0x1] =	stream.indirect_vreg.gather @!p0 [hbm4b:s1+s4], $0x80, v2, vm1, $0xb8;
	[tilespmem:$0x1C200] =	vst v63  }
0x23a: {  	s20 =	simm.s32 @!p0 $0x4A00  }
0x23b: {  	[tilespmem:s20], [sflag:$0x1] =	stream.indirect_vreg.gather @!p0 [hbm4b:s10+s4], $0x80, v2, vm1, $0xb8;
	[tilespmem:$0x1C200] =	vst v63  }
0x23c: {  	s20 =	simm.s32 @!p0 $0x5200  }
0x23d: {  	[tilespmem:s20], [sflag:$0x1] =	stream.indirect_vreg.gather @!p0 [hbm4b:s11+s4], $0x80, v2, vm1, $0xb8;
	[tilespmem:$0x1C200] =	vst v63  }
0x23e: {  	s20 =	simm.s32 @!p0 $0x5A00  }
0x23f: {  	[tilespmem:s20], [sflag:$0x1] =	stream.indirect_vreg.gather @!p0 [hbm4b:s12+s4], $0x80, v2, vm1, $0xb8;
	[tilespmem:$0x1C200] =	vst v63  }
0x240: {  	s20 =	simm.s32 @!p0 $0x6200  }
0x241: {  	[tilespmem:s20], [sflag:$0x1] =	stream.indirect_vreg.gather @!p0 [hbm4b:s13+s4], $0x80, v2, vm1, $0xb8;
	[tilespmem:$0x1C200] =	vst v63  }
0x242: {  	s20 =	simm.s32 @!p0 $0x6A00  }
0x243: {  	[tilespmem:s20], [sflag:$0x1] =	stream.indirect_vreg.gather @!p0 [hbm4b:s14+s4], $0x80, v2, vm1, $0xb8;
	[tilespmem:$0x1C200] =	vst v63  }
0x244: {  	s20 =	simm.s32 @!p0 $0x7200  }
0x245: {  	[tilespmem:s20], [sflag:$0x1] =	stream.indirect_vreg.gather @!p0 [hbm4b:s15+s4], $0x80, v2, vm1, $0xb8;
	[tilespmem:$0x1C200] =	vst v63  }
0x246: {  	s20 =	simm.s32 @!p0 $0x7A00  }
0x247: {  	[tilespmem:s20], [sflag:$0x1] =	stream.indirect_vreg.gather @!p0 [hbm4b:s16+s4], $0x80, v2, vm1, $0xb8;
	[tilespmem:$0x1C200] =	vst v63  }
0x248: {  	v2 =	vld.msk @!p0 [tilespmem:s2+$0x110], $0xff;
	_ =	sdelay $0x4  }
0x249: {  	v5 =	vshll.u32 @!p0 v2, $0x4  }
0x24a: {  	v2 =	vand.u32 @!p0 $0x7, v2;
	v5 =	vand.u32 @!p0 $0xFFFFFF80, v5  }
0x24b: {  	v2 =	vor.u32 @!p0 v2, v5  }
0x24c: {  	v2 =	vperm.xlane @!p0 v2, v3;
	_ =	sdelay $0x1  }
0x24d: {  	v2 =	vadd.s32 @!p0 v4, v2;
	_ =	sdelay $0x3  }
0x24e: {  	s2 =	simm.s32 @!p0 $0xC200  }
0x24f: {  	[tilespmem:s2], [sflag:$0x2] =	stream.indirect_vreg.gather @!p0 [hbm4b:s1+s4], $0x80, v2, vm1, $0xb8;
	[tilespmem:$0x1C200] =	vst v63  }
0x250: {  	s2 =	simm.s32 @!p0 $0xCA00  }
0x251: {  	[tilespmem:s2], [sflag:$0x2] =	stream.indirect_vreg.gather @!p0 [hbm4b:s10+s4], $0x80, v2, vm1, $0xb8;
	[tilespmem:$0x1C200] =	vst v63  }
0x252: {  	s2 =	simm.s32 @!p0 $0xD200  }
0x253: {  	[tilespmem:s2], [sflag:$0x2] =	stream.indirect_vreg.gather @!p0 [hbm4b:s11+s4], $0x80, v2, vm1, $0xb8;
	[tilespmem:$0x1C200] =	vst v63  }
0x254: {  	s2 =	simm.s32 @!p0 $0xDA00  }
0x255: {  	[tilespmem:s2], [sflag:$0x2] =	stream.indirect_vreg.gather @!p0 [hbm4b:s12+s4], $0x80, v2, vm1, $0xb8;
	[tilespmem:$0x1C200] =	vst v63  }
0x256: {  	s2 =	simm.s32 @!p0 $0xE200  }
0x257: {  	[tilespmem:s2], [sflag:$0x2] =	stream.indirect_vreg.gather @!p0 [hbm4b:s13+s4], $0x80, v2, vm1, $0xb8;
	[tilespmem:$0x1C200] =	vst v63  }
0x258: {  	s2 =	simm.s32 @!p0 $0xEA00  }
0x259: {  	[tilespmem:s2], [sflag:$0x2] =	stream.indirect_vreg.gather @!p0 [hbm4b:s14+s4], $0x80, v2, vm1, $0xb8;
	[tilespmem:$0x1C200] =	vst v63  }
0x25a: {  	s2 =	simm.s32 @!p0 $0xF200  }
0x25b: {  	[tilespmem:s2], [sflag:$0x2] =	stream.indirect_vreg.gather @!p0 [hbm4b:s15+s4], $0x80, v2, vm1, $0xb8;
	[tilespmem:$0x1C200] =	vst v63  }
0x25c: {  	p1 =	seq.s32 @!p0 s31, $0x0;
	s2 =	simm.s32 @!p0 $0xFA00  }
0x25d: {  	[tilespmem:s2], [sflag:$0x2] =	stream.indirect_vreg.gather @!p0 [hbm4b:s16+s4], $0x80, v2, vm1, $0xb8;
	[tilespmem:$0x1C200] =	vst v63  }
0x25e: {  	p0 =	por p0, !p1  }
0x25f: {  	_ =	swait.ge @p0 [sflag:s30], $0x4000  }
0x260: {  	s0 =	sshll.u32 s0, $0xB;
	[sflag:s30] =	ssyncset.done @p0 $0x0  }
0x261: {  	s2 =	sshrl.u32 s0, $0x2;
	[sflag:s30] =	ssyncadd.s32 @p0 $0xFFFFC000  }
0x262: {  	v2 =	vld [tilespmem:s2+$0x200]  }
0x263: {  	v4 =	vld [tilespmem:s2+$0x280]  }
0x264: {  	v3 =	vld [tilespmem:s2+$0x300]  }
0x265: {  	s20 =	simm.s32 $0x0;
	v5 =	vld [tilespmem:s2+$0x380]  }
0x266: {  	v7 =	vld [tilespmem:s20+$0x8270]  }
0x267: {  	v8 =	vld [tilespmem:s20+$0x8200]  }
0x268: {  	v9 =	vld [tilespmem:s20+$0x8210]  }
0x269: {  	v11 =	vld [tilespmem:s20+$0x8220]  }
0x26a: {  	v14 =	vld [tilespmem:s20+$0x8230]  }
0x26b: {  	v15 =	vld [tilespmem:s20+$0x8240]  }
0x26c: {  	v18 =	vld [tilespmem:s20+$0x8250];
	v10 =	vmul.f32 v7, v5  }
0x26d: {  	v12 =	vld [tilespmem:s20+$0x10270];
	v6 =	vmul.f32 v8, v4;
	v8 =	vmul.f32 v8, v5  }
0x26e: {  	v22 =	vld [tilespmem:s20+$0x8260];
	v13 =	vmul.f32 v9, v5;
	v16 =	vmul.f32 v7, v4  }
0x26f: {  	v7 =	vmul.f32 v9, v4;
	v9 =	vmul.f32 v11, v5  }
0x270: {  	v19 =	vmul.f32 v14, v5;
	v23 =	vmul.f32 v15, v5;
	v17 =	vadd.f32 v10, v3  }
0x271: {  	v21 =	vld [tilespmem:s20+$0x10200];
	v15 =	vmul.f32 v15, v4;
	v26 =	vmul.f32 v18, v5  }
0x272: {  	v10 =	vadd.f32 v13, v3;
	v16 =	vadd.f32 v16, v2;
	v13 =	vld [tilespmem:s20+$0x10210];
	v17 =	vmul.f32 v17, v12  }
0x273: {  	v18 =	vmul.f32 v18, v4;
	v24 =	vmul.f32 v22, v5;
	v20 =	vadd.f32 v8, v3;
	v12 =	vld [tilespmem:s20+$0x10220]  }
0x274: {  	v8 =	vmul.f32 v11, v4;
	v11 =	vmul.f32 v14, v4;
	v14 =	vld [tilespmem:s20+$0x10230];
	v25 =	vadd.f32 v17, v16  }
0x275: {  	v22 =	vmul.f32 v22, v4;
	v9 =	vadd.f32 v9, v3;
	v16 =	vadd.f32 v19, v3;
	v17 =	vld [tilespmem:s20+$0x10240]  }
0x276: {  	s21 =	simm.s32 $0x0;
	s4 =	simm.s32 $0x1000;
	v19 =	vadd.f32 v23, v3;
	v23 =	vmul.f32 v20, v21;
	v20 =	vld [tilespmem:s20+$0x10250];
	v21 =	vadd.f32 v26, v3;
	[tilespmem:s20+$0x18270] =	vst v25  }
.LBB2_27:
0x277: {  	s22 =	sshra.s32 s4, $0x2;
	s21 =	sadd.s32 $0x80, s21;
	v6 =	vadd.f32 v6, v2;
	v10 =	vmul.f32 v10, v13;
	v13 =	vld [tilespmem:s20+$0x10260];
	v24 =	vadd.f32 v24, v3  }
0x278: {  	v7 =	vadd.f32 v7, v2;
	v8 =	vadd.f32 v8, v2;
	v25 =	vld [tilespmem:s22+$0x8270];
	p0 =	slt.u32 s21, $0x780;
	v9 =	vmul.f32 v9, v12  }
0x279: {  	v11 =	vadd.f32 v11, v2;
	v15 =	vadd.f32 v15, v2;
	v12 =	vld [tilespmem:s22+$0x8200];
	v14 =	vmul.f32 v16, v14  }
0x27a: {  	v18 =	vadd.f32 v18, v2;
	v16 =	vld [tilespmem:s22+$0x8210];
	v17 =	vmul.f32 v19, v17;
	v19 =	vadd.f32 v22, v2  }
0x27b: {  	v6 =	vadd.f32 v23, v6;
	v7 =	vadd.f32 v10, v7;
	v22 =	vld [tilespmem:s22+$0x8220];
	v10 =	vmul.f32 v21, v20  }
0x27c: {  	v8 =	vadd.f32 v9, v8;
	v9 =	vadd.f32 v14, v11;
	v20 =	vld [tilespmem:s22+$0x10270];
	v11 =	vmul.f32 v24, v13  }
0x27d: {  	v15 =	vadd.f32 v17, v15;
	v14 =	vld [tilespmem:s22+$0x8230];
	v13 =	vmul.f32 v25, v5;
	[tilespmem:s20+$0x18200] =	vst v6;
	v17 =	vadd.f32 v10, v18  }
0x27e: {  	v6 =	vmul.f32 v12, v4;
	v10 =	vmul.f32 v12, v5;
	v18 =	vld [tilespmem:s22+$0x8240];
	[tilespmem:s20+$0x18210] =	vst v7;
	v19 =	vadd.f32 v11, v19  }
0x27f: {  	v12 =	vmul.f32 v25, v4;
	v11 =	vmul.f32 v16, v5;
	v21 =	vld [tilespmem:s22+$0x8250];
	v13 =	vadd.f32 v13, v3;
	[tilespmem:s20+$0x18220] =	vst v8  }
0x280: {  	v7 =	vmul.f32 v16, v4;
	v23 =	vadd.f32 v10, v3;
	v16 =	vmul.f32 v22, v5;
	v25 =	vld [tilespmem:s22+$0x8260];
	[tilespmem:s20+$0x18230] =	vst v9  }
0x281: {  	v24 =	vadd.f32 v12, v2;
	v26 =	vld [tilespmem:s22+$0x10200];
	v10 =	vadd.f32 v11, v3;
	v20 =	vmul.f32 v13, v20;
	[tilespmem:s20+$0x18240] =	vst v15  }
.Ltmp12:
0x282: {  	v8 =	vmul.f32 v22, v4;
	v13 =	vld [tilespmem:s22+$0x10210];
	v9 =	vadd.f32 v16, v3;
	v15 =	vmul.f32 v14, v5;
	[tilespmem:s20+$0x18250] =	vst v17;
	(pc) =	sbr.rel @p0 .LBB2_27-.Ltmp12, $4  }
0x283: {  	v11 =	vmul.f32 v14, v4;
	v12 =	vld [tilespmem:s22+$0x10220];
	v22 =	vmul.f32 v18, v5;
	v20 =	vadd.f32 v20, v24;
	[tilespmem:s20+$0x18260] =	vst v19;
	s20 =	smov.u32 s22  }
0x284: {  	v14 =	vld [tilespmem:s20+$0x10230];
	v16 =	vadd.f32 v15, v3;
	v15 =	vmul.f32 v18, v4;
	v27 =	vmul.f32 v21, v5  }
0x285: {  	v18 =	vmul.f32 v21, v4;
	v17 =	vld [tilespmem:s20+$0x10240];
	v19 =	vadd.f32 v22, v3;
	v24 =	vmul.f32 v25, v5;
	[tilespmem:s20+$0x18270] =	vst v20  }
0x286: {  	s4 =	sadd.s32 $0x1000, s4;
	v22 =	vmul.f32 v25, v4;
	v23 =	vmul.f32 v23, v26;
	v20 =	vld [tilespmem:s20+$0x10250];
	v21 =	vadd.f32 v27, v3  }
0x287: {  	v4 =	vadd.f32 v6, v2  }
0x288: {  	v5 =	vmul.f32 v10, v13;
	v6 =	vld [tilespmem:s20+$0x10260];
	v3 =	vadd.f32 v24, v3;
	v7 =	vadd.f32 v7, v2  }
0x289: {  	v8 =	vadd.f32 v8, v2;
	v9 =	vmul.f32 v9, v12;
	v4 =	vadd.f32 v23, v4  }
0x28a: {  	v10 =	vadd.f32 v11, v2;
	v11 =	vmul.f32 v16, v14;
	v5 =	vadd.f32 v5, v7  }
0x28b: {  	v7 =	vadd.f32 v15, v2;
	v12 =	vmul.f32 v19, v17;
	v8 =	vadd.f32 v9, v8;
	[tilespmem:s20+$0x18200] =	vst v4  }
0x28c: {  	v4 =	vadd.f32 v18, v2;
	v9 =	vmul.f32 v21, v20;
	v10 =	vadd.f32 v11, v10;
	[tilespmem:s20+$0x18210] =	vst v5  }
0x28d: {  	v2 =	vadd.f32 v22, v2;
	v3 =	vmul.f32 v3, v6;
	v5 =	vadd.f32 v12, v7;
	[tilespmem:s20+$0x18220] =	vst v8  }
0x28e: {  	v4 =	vadd.f32 v9, v4;
	[tilespmem:s20+$0x18230] =	vst v10  }
0x28f: {  	v2 =	vadd.f32 v3, v2;
	[tilespmem:s20+$0x18240] =	vst v5  }
0x290: {  	[tilespmem:s20+$0x18250] =	vst v4  }
0x291: {  	[tilespmem:s20+$0x18260] =	vst v2  }
0x292: {  	v2 =	vld [tilespmem:s2+$0x210]  }
0x293: {  	v4 =	vld [tilespmem:s2+$0x290]  }
0x294: {  	v3 =	vld [tilespmem:s2+$0x310]  }
0x295: {  	s20 =	simm.s32 $0x0;
	v5 =	vld [tilespmem:s2+$0x390]  }
0x296: {  	v7 =	vld [tilespmem:s20+$0x82F0]  }
0x297: {  	v8 =	vld [tilespmem:s20+$0x8280]  }
0x298: {  	v9 =	vld [tilespmem:s20+$0x8290]  }
0x299: {  	v11 =	vld [tilespmem:s20+$0x82A0]  }
0x29a: {  	v14 =	vld [tilespmem:s20+$0x82B0]  }
0x29b: {  	v15 =	vld [tilespmem:s20+$0x82C0]  }
0x29c: {  	v18 =	vld [tilespmem:s20+$0x82D0];
	v10 =	vmul.f32 v7, v5  }
0x29d: {  	v12 =	vld [tilespmem:s20+$0x102F0];
	v6 =	vmul.f32 v8, v4;
	v8 =	vmul.f32 v8, v5  }
0x29e: {  	v22 =	vld [tilespmem:s20+$0x82E0];
	v13 =	vmul.f32 v9, v5;
	v16 =	vmul.f32 v7, v4  }
0x29f: {  	v7 =	vmul.f32 v9, v4;
	v9 =	vmul.f32 v11, v5  }
0x2a0: {  	v19 =	vmul.f32 v14, v5;
	v23 =	vmul.f32 v15, v5;
	v17 =	vadd.f32 v10, v3  }
0x2a1: {  	v21 =	vld [tilespmem:s20+$0x10280];
	v15 =	vmul.f32 v15, v4;
	v26 =	vmul.f32 v18, v5  }
0x2a2: {  	v10 =	vadd.f32 v13, v3;
	v16 =	vadd.f32 v16, v2;
	v13 =	vld [tilespmem:s20+$0x10290];
	v17 =	vmul.f32 v17, v12  }
0x2a3: {  	v18 =	vmul.f32 v18, v4;
	v24 =	vmul.f32 v22, v5;
	v20 =	vadd.f32 v8, v3;
	v12 =	vld [tilespmem:s20+$0x102A0]  }
0x2a4: {  	v8 =	vmul.f32 v11, v4;
	v11 =	vmul.f32 v14, v4;
	v14 =	vld [tilespmem:s20+$0x102B0];
	v25 =	vadd.f32 v17, v16  }
0x2a5: {  	v22 =	vmul.f32 v22, v4;
	v9 =	vadd.f32 v9, v3;
	v16 =	vadd.f32 v19, v3;
	v17 =	vld [tilespmem:s20+$0x102C0]  }
0x2a6: {  	s21 =	simm.s32 $0x0;
	s4 =	simm.s32 $0x1000;
	v19 =	vadd.f32 v23, v3;
	v23 =	vmul.f32 v20, v21;
	v20 =	vld [tilespmem:s20+$0x102D0];
	v21 =	vadd.f32 v26, v3;
	[tilespmem:s20+$0x182F0] =	vst v25  }
.LBB2_29:
0x2a7: {  	s22 =	sshra.s32 s4, $0x2;
	s21 =	sadd.s32 $0x80, s21;
	v6 =	vadd.f32 v6, v2;
	v10 =	vmul.f32 v10, v13;
	v13 =	vld [tilespmem:s20+$0x102E0];
	v24 =	vadd.f32 v24, v3  }
0x2a8: {  	v7 =	vadd.f32 v7, v2;
	v8 =	vadd.f32 v8, v2;
	v25 =	vld [tilespmem:s22+$0x82F0];
	p0 =	slt.u32 s21, $0x780;
	v9 =	vmul.f32 v9, v12  }
0x2a9: {  	v11 =	vadd.f32 v11, v2;
	v15 =	vadd.f32 v15, v2;
	v12 =	vld [tilespmem:s22+$0x8280];
	v14 =	vmul.f32 v16, v14  }
0x2aa: {  	v18 =	vadd.f32 v18, v2;
	v16 =	vld [tilespmem:s22+$0x8290];
	v17 =	vmul.f32 v19, v17;
	v19 =	vadd.f32 v22, v2  }
0x2ab: {  	v6 =	vadd.f32 v23, v6;
	v7 =	vadd.f32 v10, v7;
	v22 =	vld [tilespmem:s22+$0x82A0];
	v10 =	vmul.f32 v21, v20  }
0x2ac: {  	v8 =	vadd.f32 v9, v8;
	v9 =	vadd.f32 v14, v11;
	v20 =	vld [tilespmem:s22+$0x102F0];
	v11 =	vmul.f32 v24, v13  }
0x2ad: {  	v15 =	vadd.f32 v17, v15;
	v14 =	vld [tilespmem:s22+$0x82B0];
	v13 =	vmul.f32 v25, v5;
	[tilespmem:s20+$0x18280] =	vst v6;
	v17 =	vadd.f32 v10, v18  }
0x2ae: {  	v6 =	vmul.f32 v12, v4;
	v10 =	vmul.f32 v12, v5;
	v18 =	vld [tilespmem:s22+$0x82C0];
	[tilespmem:s20+$0x18290] =	vst v7;
	v19 =	vadd.f32 v11, v19  }
0x2af: {  	v12 =	vmul.f32 v25, v4;
	v11 =	vmul.f32 v16, v5;
	v21 =	vld [tilespmem:s22+$0x82D0];
	v13 =	vadd.f32 v13, v3;
	[tilespmem:s20+$0x182A0] =	vst v8  }
0x2b0: {  	v7 =	vmul.f32 v16, v4;
	v23 =	vadd.f32 v10, v3;
	v16 =	vmul.f32 v22, v5;
	v25 =	vld [tilespmem:s22+$0x82E0];
	[tilespmem:s20+$0x182B0] =	vst v9  }
0x2b1: {  	v24 =	vadd.f32 v12, v2;
	v26 =	vld [tilespmem:s22+$0x10280];
	v10 =	vadd.f32 v11, v3;
	v20 =	vmul.f32 v13, v20;
	[tilespmem:s20+$0x182C0] =	vst v15  }
.Ltmp13:
0x2b2: {  	v8 =	vmul.f32 v22, v4;
	v13 =	vld [tilespmem:s22+$0x10290];
	v9 =	vadd.f32 v16, v3;
	v15 =	vmul.f32 v14, v5;
	[tilespmem:s20+$0x182D0] =	vst v17;
	(pc) =	sbr.rel @p0 .LBB2_29-.Ltmp13, $4  }
0x2b3: {  	v11 =	vmul.f32 v14, v4;
	v12 =	vld [tilespmem:s22+$0x102A0];
	v22 =	vmul.f32 v18, v5;
	v20 =	vadd.f32 v20, v24;
	[tilespmem:s20+$0x182E0] =	vst v19;
	s20 =	smov.u32 s22  }
0x2b4: {  	v14 =	vld [tilespmem:s20+$0x102B0];
	v16 =	vadd.f32 v15, v3;
	v15 =	vmul.f32 v18, v4;
	v27 =	vmul.f32 v21, v5  }
0x2b5: {  	v18 =	vmul.f32 v21, v4;
	v17 =	vld [tilespmem:s20+$0x102C0];
	v19 =	vadd.f32 v22, v3;
	v24 =	vmul.f32 v25, v5;
	[tilespmem:s20+$0x182F0] =	vst v20  }
0x2b6: {  	s4 =	sadd.s32 $0x1000, s4;
	v22 =	vmul.f32 v25, v4;
	v23 =	vmul.f32 v23, v26;
	v20 =	vld [tilespmem:s20+$0x102D0];
	v21 =	vadd.f32 v27, v3  }
0x2b7: {  	v4 =	vadd.f32 v6, v2  }
0x2b8: {  	v5 =	vmul.f32 v10, v13;
	v6 =	vld [tilespmem:s20+$0x102E0];
	v3 =	vadd.f32 v24, v3;
	v7 =	vadd.f32 v7, v2  }
0x2b9: {  	v8 =	vadd.f32 v8, v2;
	v9 =	vmul.f32 v9, v12;
	v4 =	vadd.f32 v23, v4  }
0x2ba: {  	v10 =	vadd.f32 v11, v2;
	v11 =	vmul.f32 v16, v14;
	v5 =	vadd.f32 v5, v7  }
0x2bb: {  	v7 =	vadd.f32 v15, v2;
	v12 =	vmul.f32 v19, v17;
	v8 =	vadd.f32 v9, v8;
	[tilespmem:s20+$0x18280] =	vst v4  }
0x2bc: {  	v4 =	vadd.f32 v18, v2;
	v9 =	vmul.f32 v21, v20;
	v10 =	vadd.f32 v11, v10;
	[tilespmem:s20+$0x18290] =	vst v5  }
0x2bd: {  	v2 =	vadd.f32 v22, v2;
	v3 =	vmul.f32 v3, v6;
	v5 =	vadd.f32 v12, v7;
	[tilespmem:s20+$0x182A0] =	vst v8  }
0x2be: {  	v4 =	vadd.f32 v9, v4;
	[tilespmem:s20+$0x182B0] =	vst v10  }
0x2bf: {  	v2 =	vadd.f32 v3, v2;
	[tilespmem:s20+$0x182C0] =	vst v5  }
0x2c0: {  	[tilespmem:s20+$0x182D0] =	vst v4  }
0x2c1: {  	[tilespmem:s20+$0x182E0] =	vst v2  }
0x2c2: {  	v2 =	vld [tilespmem:s2+$0x220]  }
0x2c3: {  	v4 =	vld [tilespmem:s2+$0x2A0]  }
0x2c4: {  	v3 =	vld [tilespmem:s2+$0x320]  }
0x2c5: {  	s20 =	simm.s32 $0x0;
	v5 =	vld [tilespmem:s2+$0x3A0]  }
0x2c6: {  	v7 =	vld [tilespmem:s20+$0x8370]  }
0x2c7: {  	v8 =	vld [tilespmem:s20+$0x8300]  }
0x2c8: {  	v9 =	vld [tilespmem:s20+$0x8310]  }
0x2c9: {  	v11 =	vld [tilespmem:s20+$0x8320]  }
0x2ca: {  	v14 =	vld [tilespmem:s20+$0x8330]  }
0x2cb: {  	v15 =	vld [tilespmem:s20+$0x8340]  }
0x2cc: {  	v18 =	vld [tilespmem:s20+$0x8350];
	v10 =	vmul.f32 v7, v5  }
0x2cd: {  	v12 =	vld [tilespmem:s20+$0x10370];
	v6 =	vmul.f32 v8, v4;
	v8 =	vmul.f32 v8, v5  }
0x2ce: {  	v22 =	vld [tilespmem:s20+$0x8360];
	v13 =	vmul.f32 v9, v5;
	v16 =	vmul.f32 v7, v4  }
0x2cf: {  	v7 =	vmul.f32 v9, v4;
	v9 =	vmul.f32 v11, v5  }
0x2d0: {  	v19 =	vmul.f32 v14, v5;
	v23 =	vmul.f32 v15, v5;
	v17 =	vadd.f32 v10, v3  }
0x2d1: {  	v21 =	vld [tilespmem:s20+$0x10300];
	v15 =	vmul.f32 v15, v4;
	v26 =	vmul.f32 v18, v5  }
0x2d2: {  	v10 =	vadd.f32 v13, v3;
	v16 =	vadd.f32 v16, v2;
	v13 =	vld [tilespmem:s20+$0x10310];
	v17 =	vmul.f32 v17, v12  }
0x2d3: {  	v18 =	vmul.f32 v18, v4;
	v24 =	vmul.f32 v22, v5;
	v20 =	vadd.f32 v8, v3;
	v12 =	vld [tilespmem:s20+$0x10320]  }
0x2d4: {  	v8 =	vmul.f32 v11, v4;
	v11 =	vmul.f32 v14, v4;
	v14 =	vld [tilespmem:s20+$0x10330];
	v25 =	vadd.f32 v17, v16  }
0x2d5: {  	v22 =	vmul.f32 v22, v4;
	v9 =	vadd.f32 v9, v3;
	v16 =	vadd.f32 v19, v3;
	v17 =	vld [tilespmem:s20+$0x10340]  }
0x2d6: {  	s21 =	simm.s32 $0x0;
	s4 =	simm.s32 $0x1000;
	v19 =	vadd.f32 v23, v3;
	v23 =	vmul.f32 v20, v21;
	v20 =	vld [tilespmem:s20+$0x10350];
	v21 =	vadd.f32 v26, v3;
	[tilespmem:s20+$0x18370] =	vst v25  }
.LBB2_31:
0x2d7: {  	s22 =	sshra.s32 s4, $0x2;
	s21 =	sadd.s32 $0x80, s21;
	v6 =	vadd.f32 v6, v2;
	v10 =	vmul.f32 v10, v13;
	v13 =	vld [tilespmem:s20+$0x10360];
	v24 =	vadd.f32 v24, v3  }
0x2d8: {  	v7 =	vadd.f32 v7, v2;
	v8 =	vadd.f32 v8, v2;
	v25 =	vld [tilespmem:s22+$0x8370];
	p0 =	slt.u32 s21, $0x780;
	v9 =	vmul.f32 v9, v12  }
0x2d9: {  	v11 =	vadd.f32 v11, v2;
	v15 =	vadd.f32 v15, v2;
	v12 =	vld [tilespmem:s22+$0x8300];
	v14 =	vmul.f32 v16, v14  }
0x2da: {  	v18 =	vadd.f32 v18, v2;
	v16 =	vld [tilespmem:s22+$0x8310];
	v17 =	vmul.f32 v19, v17;
	v19 =	vadd.f32 v22, v2  }
0x2db: {  	v6 =	vadd.f32 v23, v6;
	v7 =	vadd.f32 v10, v7;
	v22 =	vld [tilespmem:s22+$0x8320];
	v10 =	vmul.f32 v21, v20  }
0x2dc: {  	v8 =	vadd.f32 v9, v8;
	v9 =	vadd.f32 v14, v11;
	v20 =	vld [tilespmem:s22+$0x10370];
	v11 =	vmul.f32 v24, v13  }
0x2dd: {  	v15 =	vadd.f32 v17, v15;
	v14 =	vld [tilespmem:s22+$0x8330];
	v13 =	vmul.f32 v25, v5;
	[tilespmem:s20+$0x18300] =	vst v6;
	v17 =	vadd.f32 v10, v18  }
0x2de: {  	v6 =	vmul.f32 v12, v4;
	v10 =	vmul.f32 v12, v5;
	v18 =	vld [tilespmem:s22+$0x8340];
	[tilespmem:s20+$0x18310] =	vst v7;
	v19 =	vadd.f32 v11, v19  }
0x2df: {  	v12 =	vmul.f32 v25, v4;
	v11 =	vmul.f32 v16, v5;
	v21 =	vld [tilespmem:s22+$0x8350];
	v13 =	vadd.f32 v13, v3;
	[tilespmem:s20+$0x18320] =	vst v8  }
0x2e0: {  	v7 =	vmul.f32 v16, v4;
	v23 =	vadd.f32 v10, v3;
	v16 =	vmul.f32 v22, v5;
	v25 =	vld [tilespmem:s22+$0x8360];
	[tilespmem:s20+$0x18330] =	vst v9  }
0x2e1: {  	v24 =	vadd.f32 v12, v2;
	v26 =	vld [tilespmem:s22+$0x10300];
	v10 =	vadd.f32 v11, v3;
	v20 =	vmul.f32 v13, v20;
	[tilespmem:s20+$0x18340] =	vst v15  }
.Ltmp14:
0x2e2: {  	v8 =	vmul.f32 v22, v4;
	v13 =	vld [tilespmem:s22+$0x10310];
	v9 =	vadd.f32 v16, v3;
	v15 =	vmul.f32 v14, v5;
	[tilespmem:s20+$0x18350] =	vst v17;
	(pc) =	sbr.rel @p0 .LBB2_31-.Ltmp14, $4  }
0x2e3: {  	v11 =	vmul.f32 v14, v4;
	v12 =	vld [tilespmem:s22+$0x10320];
	v22 =	vmul.f32 v18, v5;
	v20 =	vadd.f32 v20, v24;
	[tilespmem:s20+$0x18360] =	vst v19;
	s20 =	smov.u32 s22  }
0x2e4: {  	v14 =	vld [tilespmem:s20+$0x10330];
	v16 =	vadd.f32 v15, v3;
	v15 =	vmul.f32 v18, v4;
	v27 =	vmul.f32 v21, v5  }
0x2e5: {  	v18 =	vmul.f32 v21, v4;
	v17 =	vld [tilespmem:s20+$0x10340];
	v19 =	vadd.f32 v22, v3;
	v24 =	vmul.f32 v25, v5;
	[tilespmem:s20+$0x18370] =	vst v20  }
0x2e6: {  	s4 =	sadd.s32 $0x1000, s4;
	v22 =	vmul.f32 v25, v4;
	v23 =	vmul.f32 v23, v26;
	v20 =	vld [tilespmem:s20+$0x10350];
	v21 =	vadd.f32 v27, v3  }
0x2e7: {  	v4 =	vadd.f32 v6, v2  }
0x2e8: {  	v5 =	vmul.f32 v10, v13;
	v6 =	vld [tilespmem:s20+$0x10360];
	v3 =	vadd.f32 v24, v3;
	v7 =	vadd.f32 v7, v2  }
0x2e9: {  	v8 =	vadd.f32 v8, v2;
	v9 =	vmul.f32 v9, v12;
	v4 =	vadd.f32 v23, v4  }
0x2ea: {  	v10 =	vadd.f32 v11, v2;
	v11 =	vmul.f32 v16, v14;
	v5 =	vadd.f32 v5, v7  }
0x2eb: {  	v7 =	vadd.f32 v15, v2;
	v12 =	vmul.f32 v19, v17;
	v8 =	vadd.f32 v9, v8;
	[tilespmem:s20+$0x18300] =	vst v4  }
0x2ec: {  	v4 =	vadd.f32 v18, v2;
	v9 =	vmul.f32 v21, v20;
	v10 =	vadd.f32 v11, v10;
	[tilespmem:s20+$0x18310] =	vst v5  }
0x2ed: {  	v2 =	vadd.f32 v22, v2;
	v3 =	vmul.f32 v3, v6;
	v5 =	vadd.f32 v12, v7;
	[tilespmem:s20+$0x18320] =	vst v8  }
0x2ee: {  	v4 =	vadd.f32 v9, v4;
	[tilespmem:s20+$0x18330] =	vst v10  }
0x2ef: {  	v2 =	vadd.f32 v3, v2;
	[tilespmem:s20+$0x18340] =	vst v5  }
0x2f0: {  	[tilespmem:s20+$0x18350] =	vst v4  }
0x2f1: {  	[tilespmem:s20+$0x18360] =	vst v2  }
0x2f2: {  	v2 =	vld [tilespmem:s2+$0x230]  }
0x2f3: {  	v4 =	vld [tilespmem:s2+$0x2B0]  }
0x2f4: {  	v3 =	vld [tilespmem:s2+$0x330]  }
0x2f5: {  	s20 =	simm.s32 $0x0;
	v5 =	vld [tilespmem:s2+$0x3B0]  }
0x2f6: {  	v7 =	vld [tilespmem:s20+$0x83F0]  }
0x2f7: {  	v8 =	vld [tilespmem:s20+$0x8380]  }
0x2f8: {  	v9 =	vld [tilespmem:s20+$0x8390]  }
0x2f9: {  	v11 =	vld [tilespmem:s20+$0x83A0]  }
0x2fa: {  	v14 =	vld [tilespmem:s20+$0x83B0]  }
0x2fb: {  	v15 =	vld [tilespmem:s20+$0x83C0]  }
0x2fc: {  	v18 =	vld [tilespmem:s20+$0x83D0];
	v10 =	vmul.f32 v7, v5  }
0x2fd: {  	v12 =	vld [tilespmem:s20+$0x103F0];
	v6 =	vmul.f32 v8, v4;
	v8 =	vmul.f32 v8, v5  }
0x2fe: {  	v22 =	vld [tilespmem:s20+$0x83E0];
	v13 =	vmul.f32 v9, v5;
	v16 =	vmul.f32 v7, v4  }
0x2ff: {  	v7 =	vmul.f32 v9, v4;
	v9 =	vmul.f32 v11, v5  }
0x300: {  	v19 =	vmul.f32 v14, v5;
	v23 =	vmul.f32 v15, v5;
	v17 =	vadd.f32 v10, v3  }
0x301: {  	v21 =	vld [tilespmem:s20+$0x10380];
	v15 =	vmul.f32 v15, v4;
	v26 =	vmul.f32 v18, v5  }
0x302: {  	v10 =	vadd.f32 v13, v3;
	v16 =	vadd.f32 v16, v2;
	v13 =	vld [tilespmem:s20+$0x10390];
	v17 =	vmul.f32 v17, v12  }
0x303: {  	v18 =	vmul.f32 v18, v4;
	v24 =	vmul.f32 v22, v5;
	v20 =	vadd.f32 v8, v3;
	v12 =	vld [tilespmem:s20+$0x103A0]  }
0x304: {  	v8 =	vmul.f32 v11, v4;
	v11 =	vmul.f32 v14, v4;
	v14 =	vld [tilespmem:s20+$0x103B0];
	v25 =	vadd.f32 v17, v16  }
0x305: {  	v22 =	vmul.f32 v22, v4;
	v9 =	vadd.f32 v9, v3;
	v16 =	vadd.f32 v19, v3;
	v17 =	vld [tilespmem:s20+$0x103C0]  }
0x306: {  	s21 =	simm.s32 $0x0;
	s4 =	simm.s32 $0x1000;
	v19 =	vadd.f32 v23, v3;
	v23 =	vmul.f32 v20, v21;
	v20 =	vld [tilespmem:s20+$0x103D0];
	v21 =	vadd.f32 v26, v3;
	[tilespmem:s20+$0x183F0] =	vst v25  }
.LBB2_33:
0x307: {  	s22 =	sshra.s32 s4, $0x2;
	s21 =	sadd.s32 $0x80, s21;
	v6 =	vadd.f32 v6, v2;
	v10 =	vmul.f32 v10, v13;
	v13 =	vld [tilespmem:s20+$0x103E0];
	v24 =	vadd.f32 v24, v3  }
0x308: {  	v7 =	vadd.f32 v7, v2;
	v8 =	vadd.f32 v8, v2;
	v25 =	vld [tilespmem:s22+$0x83F0];
	p0 =	slt.u32 s21, $0x780;
	v9 =	vmul.f32 v9, v12  }
0x309: {  	v11 =	vadd.f32 v11, v2;
	v15 =	vadd.f32 v15, v2;
	v12 =	vld [tilespmem:s22+$0x8380];
	v14 =	vmul.f32 v16, v14  }
0x30a: {  	v18 =	vadd.f32 v18, v2;
	v16 =	vld [tilespmem:s22+$0x8390];
	v17 =	vmul.f32 v19, v17;
	v19 =	vadd.f32 v22, v2  }
0x30b: {  	v6 =	vadd.f32 v23, v6;
	v7 =	vadd.f32 v10, v7;
	v22 =	vld [tilespmem:s22+$0x83A0];
	v10 =	vmul.f32 v21, v20  }
0x30c: {  	v8 =	vadd.f32 v9, v8;
	v9 =	vadd.f32 v14, v11;
	v20 =	vld [tilespmem:s22+$0x103F0];
	v11 =	vmul.f32 v24, v13  }
0x30d: {  	v15 =	vadd.f32 v17, v15;
	v14 =	vld [tilespmem:s22+$0x83B0];
	v13 =	vmul.f32 v25, v5;
	[tilespmem:s20+$0x18380] =	vst v6;
	v17 =	vadd.f32 v10, v18  }
0x30e: {  	v6 =	vmul.f32 v12, v4;
	v10 =	vmul.f32 v12, v5;
	v18 =	vld [tilespmem:s22+$0x83C0];
	[tilespmem:s20+$0x18390] =	vst v7;
	v19 =	vadd.f32 v11, v19  }
0x30f: {  	v12 =	vmul.f32 v25, v4;
	v11 =	vmul.f32 v16, v5;
	v21 =	vld [tilespmem:s22+$0x83D0];
	v13 =	vadd.f32 v13, v3;
	[tilespmem:s20+$0x183A0] =	vst v8  }
0x310: {  	v7 =	vmul.f32 v16, v4;
	v23 =	vadd.f32 v10, v3;
	v16 =	vmul.f32 v22, v5;
	v25 =	vld [tilespmem:s22+$0x83E0];
	[tilespmem:s20+$0x183B0] =	vst v9  }
0x311: {  	v24 =	vadd.f32 v12, v2;
	v26 =	vld [tilespmem:s22+$0x10380];
	v10 =	vadd.f32 v11, v3;
	v20 =	vmul.f32 v13, v20;
	[tilespmem:s20+$0x183C0] =	vst v15  }
.Ltmp15:
0x312: {  	v8 =	vmul.f32 v22, v4;
	v13 =	vld [tilespmem:s22+$0x10390];
	v9 =	vadd.f32 v16, v3;
	v15 =	vmul.f32 v14, v5;
	[tilespmem:s20+$0x183D0] =	vst v17;
	(pc) =	sbr.rel @p0 .LBB2_33-.Ltmp15, $4  }
0x313: {  	v11 =	vmul.f32 v14, v4;
	v12 =	vld [tilespmem:s22+$0x103A0];
	v22 =	vmul.f32 v18, v5;
	v20 =	vadd.f32 v20, v24;
	[tilespmem:s20+$0x183E0] =	vst v19;
	s20 =	smov.u32 s22  }
0x314: {  	v14 =	vld [tilespmem:s20+$0x103B0];
	v16 =	vadd.f32 v15, v3;
	v15 =	vmul.f32 v18, v4;
	v27 =	vmul.f32 v21, v5  }
0x315: {  	v18 =	vmul.f32 v21, v4;
	v17 =	vld [tilespmem:s20+$0x103C0];
	v19 =	vadd.f32 v22, v3;
	v24 =	vmul.f32 v25, v5;
	[tilespmem:s20+$0x183F0] =	vst v20  }
0x316: {  	s4 =	sadd.s32 $0x1000, s4;
	v22 =	vmul.f32 v25, v4;
	v23 =	vmul.f32 v23, v26;
	v20 =	vld [tilespmem:s20+$0x103D0];
	v21 =	vadd.f32 v27, v3  }
0x317: {  	v4 =	vadd.f32 v6, v2  }
0x318: {  	v5 =	vmul.f32 v10, v13;
	v6 =	vld [tilespmem:s20+$0x103E0];
	v3 =	vadd.f32 v24, v3;
	v7 =	vadd.f32 v7, v2  }
0x319: {  	v8 =	vadd.f32 v8, v2;
	v9 =	vmul.f32 v9, v12;
	v4 =	vadd.f32 v23, v4  }
0x31a: {  	v10 =	vadd.f32 v11, v2;
	v11 =	vmul.f32 v16, v14;
	v5 =	vadd.f32 v5, v7  }
0x31b: {  	v7 =	vadd.f32 v15, v2;
	v12 =	vmul.f32 v19, v17;
	v8 =	vadd.f32 v9, v8;
	[tilespmem:s20+$0x18380] =	vst v4  }
0x31c: {  	v4 =	vadd.f32 v18, v2;
	v9 =	vmul.f32 v21, v20;
	v10 =	vadd.f32 v11, v10;
	[tilespmem:s20+$0x18390] =	vst v5  }
0x31d: {  	v2 =	vadd.f32 v22, v2;
	v3 =	vmul.f32 v3, v6;
	v5 =	vadd.f32 v12, v7;
	[tilespmem:s20+$0x183A0] =	vst v8  }
0x31e: {  	v4 =	vadd.f32 v9, v4;
	[tilespmem:s20+$0x183B0] =	vst v10  }
0x31f: {  	v2 =	vadd.f32 v3, v2;
	[tilespmem:s20+$0x183C0] =	vst v5  }
0x320: {  	[tilespmem:s20+$0x183D0] =	vst v4  }
0x321: {  	[tilespmem:s20+$0x183E0] =	vst v2  }
0x322: {  	v2 =	vld [tilespmem:s2+$0x240]  }
0x323: {  	v4 =	vld [tilespmem:s2+$0x2C0]  }
0x324: {  	v3 =	vld [tilespmem:s2+$0x340]  }
0x325: {  	s20 =	simm.s32 $0x0;
	v5 =	vld [tilespmem:s2+$0x3C0]  }
0x326: {  	v7 =	vld [tilespmem:s20+$0x8470]  }
0x327: {  	v8 =	vld [tilespmem:s20+$0x8400]  }
0x328: {  	v9 =	vld [tilespmem:s20+$0x8410]  }
0x329: {  	v11 =	vld [tilespmem:s20+$0x8420]  }
0x32a: {  	v14 =	vld [tilespmem:s20+$0x8430]  }
0x32b: {  	v15 =	vld [tilespmem:s20+$0x8440]  }
0x32c: {  	v18 =	vld [tilespmem:s20+$0x8450];
	v10 =	vmul.f32 v7, v5  }
0x32d: {  	v12 =	vld [tilespmem:s20+$0x10470];
	v6 =	vmul.f32 v8, v4;
	v8 =	vmul.f32 v8, v5  }
0x32e: {  	v22 =	vld [tilespmem:s20+$0x8460];
	v13 =	vmul.f32 v9, v5;
	v16 =	vmul.f32 v7, v4  }
0x32f: {  	v7 =	vmul.f32 v9, v4;
	v9 =	vmul.f32 v11, v5  }
0x330: {  	v19 =	vmul.f32 v14, v5;
	v23 =	vmul.f32 v15, v5;
	v17 =	vadd.f32 v10, v3  }
0x331: {  	v21 =	vld [tilespmem:s20+$0x10400];
	v15 =	vmul.f32 v15, v4;
	v26 =	vmul.f32 v18, v5  }
0x332: {  	v10 =	vadd.f32 v13, v3;
	v16 =	vadd.f32 v16, v2;
	v13 =	vld [tilespmem:s20+$0x10410];
	v17 =	vmul.f32 v17, v12  }
0x333: {  	v18 =	vmul.f32 v18, v4;
	v24 =	vmul.f32 v22, v5;
	v20 =	vadd.f32 v8, v3;
	v12 =	vld [tilespmem:s20+$0x10420]  }
0x334: {  	v8 =	vmul.f32 v11, v4;
	v11 =	vmul.f32 v14, v4;
	v14 =	vld [tilespmem:s20+$0x10430];
	v25 =	vadd.f32 v17, v16  }
0x335: {  	v22 =	vmul.f32 v22, v4;
	v9 =	vadd.f32 v9, v3;
	v16 =	vadd.f32 v19, v3;
	v17 =	vld [tilespmem:s20+$0x10440]  }
0x336: {  	s21 =	simm.s32 $0x0;
	s4 =	simm.s32 $0x1000;
	v19 =	vadd.f32 v23, v3;
	v23 =	vmul.f32 v20, v21;
	v20 =	vld [tilespmem:s20+$0x10450];
	v21 =	vadd.f32 v26, v3;
	[tilespmem:s20+$0x18470] =	vst v25  }
.LBB2_35:
0x337: {  	s22 =	sshra.s32 s4, $0x2;
	s21 =	sadd.s32 $0x80, s21;
	v6 =	vadd.f32 v6, v2;
	v10 =	vmul.f32 v10, v13;
	v13 =	vld [tilespmem:s20+$0x10460];
	v24 =	vadd.f32 v24, v3  }
0x338: {  	v7 =	vadd.f32 v7, v2;
	v8 =	vadd.f32 v8, v2;
	v25 =	vld [tilespmem:s22+$0x8470];
	p0 =	slt.u32 s21, $0x780;
	v9 =	vmul.f32 v9, v12  }
0x339: {  	v11 =	vadd.f32 v11, v2;
	v15 =	vadd.f32 v15, v2;
	v12 =	vld [tilespmem:s22+$0x8400];
	v14 =	vmul.f32 v16, v14  }
0x33a: {  	v18 =	vadd.f32 v18, v2;
	v16 =	vld [tilespmem:s22+$0x8410];
	v17 =	vmul.f32 v19, v17;
	v19 =	vadd.f32 v22, v2  }
0x33b: {  	v6 =	vadd.f32 v23, v6;
	v7 =	vadd.f32 v10, v7;
	v22 =	vld [tilespmem:s22+$0x8420];
	v10 =	vmul.f32 v21, v20  }
0x33c: {  	v8 =	vadd.f32 v9, v8;
	v9 =	vadd.f32 v14, v11;
	v20 =	vld [tilespmem:s22+$0x10470];
	v11 =	vmul.f32 v24, v13  }
0x33d: {  	v15 =	vadd.f32 v17, v15;
	v14 =	vld [tilespmem:s22+$0x8430];
	v13 =	vmul.f32 v25, v5;
	[tilespmem:s20+$0x18400] =	vst v6;
	v17 =	vadd.f32 v10, v18  }
0x33e: {  	v6 =	vmul.f32 v12, v4;
	v10 =	vmul.f32 v12, v5;
	v18 =	vld [tilespmem:s22+$0x8440];
	[tilespmem:s20+$0x18410] =	vst v7;
	v19 =	vadd.f32 v11, v19  }
0x33f: {  	v12 =	vmul.f32 v25, v4;
	v11 =	vmul.f32 v16, v5;
	v21 =	vld [tilespmem:s22+$0x8450];
	v13 =	vadd.f32 v13, v3;
	[tilespmem:s20+$0x18420] =	vst v8  }
0x340: {  	v7 =	vmul.f32 v16, v4;
	v23 =	vadd.f32 v10, v3;
	v16 =	vmul.f32 v22, v5;
	v25 =	vld [tilespmem:s22+$0x8460];
	[tilespmem:s20+$0x18430] =	vst v9  }
0x341: {  	v24 =	vadd.f32 v12, v2;
	v26 =	vld [tilespmem:s22+$0x10400];
	v10 =	vadd.f32 v11, v3;
	v20 =	vmul.f32 v13, v20;
	[tilespmem:s20+$0x18440] =	vst v15  }
.Ltmp16:
0x342: {  	v8 =	vmul.f32 v22, v4;
	v13 =	vld [tilespmem:s22+$0x10410];
	v9 =	vadd.f32 v16, v3;
	v15 =	vmul.f32 v14, v5;
	[tilespmem:s20+$0x18450] =	vst v17;
	(pc) =	sbr.rel @p0 .LBB2_35-.Ltmp16, $4  }
0x343: {  	v11 =	vmul.f32 v14, v4;
	v12 =	vld [tilespmem:s22+$0x10420];
	v22 =	vmul.f32 v18, v5;
	v20 =	vadd.f32 v20, v24;
	[tilespmem:s20+$0x18460] =	vst v19;
	s20 =	smov.u32 s22  }
0x344: {  	v14 =	vld [tilespmem:s20+$0x10430];
	v16 =	vadd.f32 v15, v3;
	v15 =	vmul.f32 v18, v4;
	v27 =	vmul.f32 v21, v5  }
0x345: {  	v18 =	vmul.f32 v21, v4;
	v17 =	vld [tilespmem:s20+$0x10440];
	v19 =	vadd.f32 v22, v3;
	v24 =	vmul.f32 v25, v5;
	[tilespmem:s20+$0x18470] =	vst v20  }
0x346: {  	s4 =	sadd.s32 $0x1000, s4;
	v22 =	vmul.f32 v25, v4;
	v23 =	vmul.f32 v23, v26;
	v20 =	vld [tilespmem:s20+$0x10450];
	v21 =	vadd.f32 v27, v3  }
0x347: {  	v4 =	vadd.f32 v6, v2  }
0x348: {  	v5 =	vmul.f32 v10, v13;
	v6 =	vld [tilespmem:s20+$0x10460];
	v3 =	vadd.f32 v24, v3;
	v7 =	vadd.f32 v7, v2  }
0x349: {  	v8 =	vadd.f32 v8, v2;
	v9 =	vmul.f32 v9, v12;
	v4 =	vadd.f32 v23, v4  }
0x34a: {  	v10 =	vadd.f32 v11, v2;
	v11 =	vmul.f32 v16, v14;
	v5 =	vadd.f32 v5, v7  }
0x34b: {  	v7 =	vadd.f32 v15, v2;
	v12 =	vmul.f32 v19, v17;
	v8 =	vadd.f32 v9, v8;
	[tilespmem:s20+$0x18400] =	vst v4  }
0x34c: {  	v4 =	vadd.f32 v18, v2;
	v9 =	vmul.f32 v21, v20;
	v10 =	vadd.f32 v11, v10;
	[tilespmem:s20+$0x18410] =	vst v5  }
0x34d: {  	v2 =	vadd.f32 v22, v2;
	v3 =	vmul.f32 v3, v6;
	v5 =	vadd.f32 v12, v7;
	[tilespmem:s20+$0x18420] =	vst v8  }
0x34e: {  	v4 =	vadd.f32 v9, v4;
	[tilespmem:s20+$0x18430] =	vst v10  }
0x34f: {  	v2 =	vadd.f32 v3, v2;
	[tilespmem:s20+$0x18440] =	vst v5  }
0x350: {  	[tilespmem:s20+$0x18450] =	vst v4  }
0x351: {  	[tilespmem:s20+$0x18460] =	vst v2  }
0x352: {  	v2 =	vld [tilespmem:s2+$0x250]  }
0x353: {  	v4 =	vld [tilespmem:s2+$0x2D0]  }
0x354: {  	v3 =	vld [tilespmem:s2+$0x350]  }
0x355: {  	s20 =	simm.s32 $0x0;
	v5 =	vld [tilespmem:s2+$0x3D0]  }
0x356: {  	v7 =	vld [tilespmem:s20+$0x84F0]  }
0x357: {  	v8 =	vld [tilespmem:s20+$0x8480]  }
0x358: {  	v9 =	vld [tilespmem:s20+$0x8490]  }
0x359: {  	v11 =	vld [tilespmem:s20+$0x84A0]  }
0x35a: {  	v14 =	vld [tilespmem:s20+$0x84B0]  }
0x35b: {  	v15 =	vld [tilespmem:s20+$0x84C0]  }
0x35c: {  	v18 =	vld [tilespmem:s20+$0x84D0];
	v10 =	vmul.f32 v7, v5  }
0x35d: {  	v12 =	vld [tilespmem:s20+$0x104F0];
	v6 =	vmul.f32 v8, v4;
	v8 =	vmul.f32 v8, v5  }
0x35e: {  	v22 =	vld [tilespmem:s20+$0x84E0];
	v13 =	vmul.f32 v9, v5;
	v16 =	vmul.f32 v7, v4  }
0x35f: {  	v7 =	vmul.f32 v9, v4;
	v9 =	vmul.f32 v11, v5  }
0x360: {  	v19 =	vmul.f32 v14, v5;
	v23 =	vmul.f32 v15, v5;
	v17 =	vadd.f32 v10, v3  }
0x361: {  	v21 =	vld [tilespmem:s20+$0x10480];
	v15 =	vmul.f32 v15, v4;
	v26 =	vmul.f32 v18, v5  }
0x362: {  	v10 =	vadd.f32 v13, v3;
	v16 =	vadd.f32 v16, v2;
	v13 =	vld [tilespmem:s20+$0x10490];
	v17 =	vmul.f32 v17, v12  }
0x363: {  	v18 =	vmul.f32 v18, v4;
	v24 =	vmul.f32 v22, v5;
	v20 =	vadd.f32 v8, v3;
	v12 =	vld [tilespmem:s20+$0x104A0]  }
0x364: {  	v8 =	vmul.f32 v11, v4;
	v11 =	vmul.f32 v14, v4;
	v14 =	vld [tilespmem:s20+$0x104B0];
	v25 =	vadd.f32 v17, v16  }
0x365: {  	v22 =	vmul.f32 v22, v4;
	v9 =	vadd.f32 v9, v3;
	v16 =	vadd.f32 v19, v3;
	v17 =	vld [tilespmem:s20+$0x104C0]  }
0x366: {  	s21 =	simm.s32 $0x0;
	s4 =	simm.s32 $0x1000;
	v19 =	vadd.f32 v23, v3;
	v23 =	vmul.f32 v20, v21;
	v20 =	vld [tilespmem:s20+$0x104D0];
	v21 =	vadd.f32 v26, v3;
	[tilespmem:s20+$0x184F0] =	vst v25  }
.LBB2_37:
0x367: {  	s22 =	sshra.s32 s4, $0x2;
	s21 =	sadd.s32 $0x80, s21;
	v6 =	vadd.f32 v6, v2;
	v10 =	vmul.f32 v10, v13;
	v13 =	vld [tilespmem:s20+$0x104E0];
	v24 =	vadd.f32 v24, v3  }
0x368: {  	v7 =	vadd.f32 v7, v2;
	v8 =	vadd.f32 v8, v2;
	v25 =	vld [tilespmem:s22+$0x84F0];
	p0 =	slt.u32 s21, $0x780;
	v9 =	vmul.f32 v9, v12  }
0x369: {  	v11 =	vadd.f32 v11, v2;
	v15 =	vadd.f32 v15, v2;
	v12 =	vld [tilespmem:s22+$0x8480];
	v14 =	vmul.f32 v16, v14  }
0x36a: {  	v18 =	vadd.f32 v18, v2;
	v16 =	vld [tilespmem:s22+$0x8490];
	v17 =	vmul.f32 v19, v17;
	v19 =	vadd.f32 v22, v2  }
0x36b: {  	v6 =	vadd.f32 v23, v6;
	v7 =	vadd.f32 v10, v7;
	v22 =	vld [tilespmem:s22+$0x84A0];
	v10 =	vmul.f32 v21, v20  }
0x36c: {  	v8 =	vadd.f32 v9, v8;
	v9 =	vadd.f32 v14, v11;
	v20 =	vld [tilespmem:s22+$0x104F0];
	v11 =	vmul.f32 v24, v13  }
0x36d: {  	v15 =	vadd.f32 v17, v15;
	v14 =	vld [tilespmem:s22+$0x84B0];
	v13 =	vmul.f32 v25, v5;
	[tilespmem:s20+$0x18480] =	vst v6;
	v17 =	vadd.f32 v10, v18  }
0x36e: {  	v6 =	vmul.f32 v12, v4;
	v10 =	vmul.f32 v12, v5;
	v18 =	vld [tilespmem:s22+$0x84C0];
	[tilespmem:s20+$0x18490] =	vst v7;
	v19 =	vadd.f32 v11, v19  }
0x36f: {  	v12 =	vmul.f32 v25, v4;
	v11 =	vmul.f32 v16, v5;
	v21 =	vld [tilespmem:s22+$0x84D0];
	v13 =	vadd.f32 v13, v3;
	[tilespmem:s20+$0x184A0] =	vst v8  }
0x370: {  	v7 =	vmul.f32 v16, v4;
	v23 =	vadd.f32 v10, v3;
	v16 =	vmul.f32 v22, v5;
	v25 =	vld [tilespmem:s22+$0x84E0];
	[tilespmem:s20+$0x184B0] =	vst v9  }
0x371: {  	v24 =	vadd.f32 v12, v2;
	v26 =	vld [tilespmem:s22+$0x10480];
	v10 =	vadd.f32 v11, v3;
	v20 =	vmul.f32 v13, v20;
	[tilespmem:s20+$0x184C0] =	vst v15  }
.Ltmp17:
0x372: {  	v8 =	vmul.f32 v22, v4;
	v13 =	vld [tilespmem:s22+$0x10490];
	v9 =	vadd.f32 v16, v3;
	v15 =	vmul.f32 v14, v5;
	[tilespmem:s20+$0x184D0] =	vst v17;
	(pc) =	sbr.rel @p0 .LBB2_37-.Ltmp17, $4  }
0x373: {  	v11 =	vmul.f32 v14, v4;
	v12 =	vld [tilespmem:s22+$0x104A0];
	v22 =	vmul.f32 v18, v5;
	v20 =	vadd.f32 v20, v24;
	[tilespmem:s20+$0x184E0] =	vst v19;
	s20 =	smov.u32 s22  }
0x374: {  	v14 =	vld [tilespmem:s20+$0x104B0];
	v16 =	vadd.f32 v15, v3;
	v15 =	vmul.f32 v18, v4;
	v27 =	vmul.f32 v21, v5  }
0x375: {  	v18 =	vmul.f32 v21, v4;
	v17 =	vld [tilespmem:s20+$0x104C0];
	v19 =	vadd.f32 v22, v3;
	v24 =	vmul.f32 v25, v5;
	[tilespmem:s20+$0x184F0] =	vst v20  }
0x376: {  	s4 =	sadd.s32 $0x1000, s4;
	v22 =	vmul.f32 v25, v4;
	v23 =	vmul.f32 v23, v26;
	v20 =	vld [tilespmem:s20+$0x104D0];
	v21 =	vadd.f32 v27, v3  }
0x377: {  	v4 =	vadd.f32 v6, v2  }
0x378: {  	v5 =	vmul.f32 v10, v13;
	v6 =	vld [tilespmem:s20+$0x104E0];
	v3 =	vadd.f32 v24, v3;
	v7 =	vadd.f32 v7, v2  }
0x379: {  	v8 =	vadd.f32 v8, v2;
	v9 =	vmul.f32 v9, v12;
	v4 =	vadd.f32 v23, v4  }
0x37a: {  	v10 =	vadd.f32 v11, v2;
	v11 =	vmul.f32 v16, v14;
	v5 =	vadd.f32 v5, v7  }
0x37b: {  	v7 =	vadd.f32 v15, v2;
	v12 =	vmul.f32 v19, v17;
	v8 =	vadd.f32 v9, v8;
	[tilespmem:s20+$0x18480] =	vst v4  }
0x37c: {  	v4 =	vadd.f32 v18, v2;
	v9 =	vmul.f32 v21, v20;
	v10 =	vadd.f32 v11, v10;
	[tilespmem:s20+$0x18490] =	vst v5  }
0x37d: {  	v2 =	vadd.f32 v22, v2;
	v3 =	vmul.f32 v3, v6;
	v5 =	vadd.f32 v12, v7;
	[tilespmem:s20+$0x184A0] =	vst v8  }
0x37e: {  	v4 =	vadd.f32 v9, v4;
	[tilespmem:s20+$0x184B0] =	vst v10  }
0x37f: {  	v2 =	vadd.f32 v3, v2;
	[tilespmem:s20+$0x184C0] =	vst v5  }
0x380: {  	[tilespmem:s20+$0x184D0] =	vst v4  }
0x381: {  	[tilespmem:s20+$0x184E0] =	vst v2  }
0x382: {  	v2 =	vld [tilespmem:s2+$0x260]  }
0x383: {  	v4 =	vld [tilespmem:s2+$0x2E0]  }
0x384: {  	v3 =	vld [tilespmem:s2+$0x360]  }
0x385: {  	s20 =	simm.s32 $0x0;
	v5 =	vld [tilespmem:s2+$0x3E0]  }
0x386: {  	v7 =	vld [tilespmem:s20+$0x8570]  }
0x387: {  	v8 =	vld [tilespmem:s20+$0x8500]  }
0x388: {  	v9 =	vld [tilespmem:s20+$0x8510]  }
0x389: {  	v11 =	vld [tilespmem:s20+$0x8520]  }
0x38a: {  	v14 =	vld [tilespmem:s20+$0x8530]  }
0x38b: {  	v15 =	vld [tilespmem:s20+$0x8540]  }
0x38c: {  	v18 =	vld [tilespmem:s20+$0x8550];
	v10 =	vmul.f32 v7, v5  }
0x38d: {  	v12 =	vld [tilespmem:s20+$0x10570];
	v6 =	vmul.f32 v8, v4;
	v8 =	vmul.f32 v8, v5  }
0x38e: {  	v22 =	vld [tilespmem:s20+$0x8560];
	v13 =	vmul.f32 v9, v5;
	v16 =	vmul.f32 v7, v4  }
0x38f: {  	v7 =	vmul.f32 v9, v4;
	v9 =	vmul.f32 v11, v5  }
0x390: {  	v19 =	vmul.f32 v14, v5;
	v23 =	vmul.f32 v15, v5;
	v17 =	vadd.f32 v10, v3  }
0x391: {  	v21 =	vld [tilespmem:s20+$0x10500];
	v15 =	vmul.f32 v15, v4;
	v26 =	vmul.f32 v18, v5  }
0x392: {  	v10 =	vadd.f32 v13, v3;
	v16 =	vadd.f32 v16, v2;
	v13 =	vld [tilespmem:s20+$0x10510];
	v17 =	vmul.f32 v17, v12  }
0x393: {  	v18 =	vmul.f32 v18, v4;
	v24 =	vmul.f32 v22, v5;
	v20 =	vadd.f32 v8, v3;
	v12 =	vld [tilespmem:s20+$0x10520]  }
0x394: {  	v8 =	vmul.f32 v11, v4;
	v11 =	vmul.f32 v14, v4;
	v14 =	vld [tilespmem:s20+$0x10530];
	v25 =	vadd.f32 v17, v16  }
0x395: {  	v22 =	vmul.f32 v22, v4;
	v9 =	vadd.f32 v9, v3;
	v16 =	vadd.f32 v19, v3;
	v17 =	vld [tilespmem:s20+$0x10540]  }
0x396: {  	s21 =	simm.s32 $0x0;
	s4 =	simm.s32 $0x1000;
	v19 =	vadd.f32 v23, v3;
	v23 =	vmul.f32 v20, v21;
	v20 =	vld [tilespmem:s20+$0x10550];
	v21 =	vadd.f32 v26, v3;
	[tilespmem:s20+$0x18570] =	vst v25  }
.LBB2_39:
0x397: {  	s22 =	sshra.s32 s4, $0x2;
	s21 =	sadd.s32 $0x80, s21;
	v6 =	vadd.f32 v6, v2;
	v10 =	vmul.f32 v10, v13;
	v13 =	vld [tilespmem:s20+$0x10560];
	v24 =	vadd.f32 v24, v3  }
0x398: {  	v7 =	vadd.f32 v7, v2;
	v8 =	vadd.f32 v8, v2;
	v25 =	vld [tilespmem:s22+$0x8570];
	p0 =	slt.u32 s21, $0x780;
	v9 =	vmul.f32 v9, v12  }
0x399: {  	v11 =	vadd.f32 v11, v2;
	v15 =	vadd.f32 v15, v2;
	v12 =	vld [tilespmem:s22+$0x8500];
	v14 =	vmul.f32 v16, v14  }
0x39a: {  	v18 =	vadd.f32 v18, v2;
	v16 =	vld [tilespmem:s22+$0x8510];
	v17 =	vmul.f32 v19, v17;
	v19 =	vadd.f32 v22, v2  }
0x39b: {  	v6 =	vadd.f32 v23, v6;
	v7 =	vadd.f32 v10, v7;
	v22 =	vld [tilespmem:s22+$0x8520];
	v10 =	vmul.f32 v21, v20  }
0x39c: {  	v8 =	vadd.f32 v9, v8;
	v9 =	vadd.f32 v14, v11;
	v20 =	vld [tilespmem:s22+$0x10570];
	v11 =	vmul.f32 v24, v13  }
0x39d: {  	v15 =	vadd.f32 v17, v15;
	v14 =	vld [tilespmem:s22+$0x8530];
	v13 =	vmul.f32 v25, v5;
	[tilespmem:s20+$0x18500] =	vst v6;
	v17 =	vadd.f32 v10, v18  }
0x39e: {  	v6 =	vmul.f32 v12, v4;
	v10 =	vmul.f32 v12, v5;
	v18 =	vld [tilespmem:s22+$0x8540];
	[tilespmem:s20+$0x18510] =	vst v7;
	v19 =	vadd.f32 v11, v19  }
0x39f: {  	v12 =	vmul.f32 v25, v4;
	v11 =	vmul.f32 v16, v5;
	v21 =	vld [tilespmem:s22+$0x8550];
	v13 =	vadd.f32 v13, v3;
	[tilespmem:s20+$0x18520] =	vst v8  }
0x3a0: {  	v7 =	vmul.f32 v16, v4;
	v23 =	vadd.f32 v10, v3;
	v16 =	vmul.f32 v22, v5;
	v25 =	vld [tilespmem:s22+$0x8560];
	[tilespmem:s20+$0x18530] =	vst v9  }
0x3a1: {  	v24 =	vadd.f32 v12, v2;
	v26 =	vld [tilespmem:s22+$0x10500];
	v10 =	vadd.f32 v11, v3;
	v20 =	vmul.f32 v13, v20;
	[tilespmem:s20+$0x18540] =	vst v15  }
.Ltmp18:
0x3a2: {  	v8 =	vmul.f32 v22, v4;
	v13 =	vld [tilespmem:s22+$0x10510];
	v9 =	vadd.f32 v16, v3;
	v15 =	vmul.f32 v14, v5;
	[tilespmem:s20+$0x18550] =	vst v17;
	(pc) =	sbr.rel @p0 .LBB2_39-.Ltmp18, $4  }
0x3a3: {  	v11 =	vmul.f32 v14, v4;
	v12 =	vld [tilespmem:s22+$0x10520];
	v22 =	vmul.f32 v18, v5;
	v20 =	vadd.f32 v20, v24;
	[tilespmem:s20+$0x18560] =	vst v19;
	s20 =	smov.u32 s22  }
0x3a4: {  	v14 =	vld [tilespmem:s20+$0x10530];
	v16 =	vadd.f32 v15, v3;
	v15 =	vmul.f32 v18, v4;
	v27 =	vmul.f32 v21, v5  }
0x3a5: {  	v18 =	vmul.f32 v21, v4;
	v17 =	vld [tilespmem:s20+$0x10540];
	v19 =	vadd.f32 v22, v3;
	v24 =	vmul.f32 v25, v5;
	[tilespmem:s20+$0x18570] =	vst v20  }
0x3a6: {  	s4 =	sadd.s32 $0x1000, s4;
	v22 =	vmul.f32 v25, v4;
	v23 =	vmul.f32 v23, v26;
	v20 =	vld [tilespmem:s20+$0x10550];
	v21 =	vadd.f32 v27, v3  }
0x3a7: {  	v4 =	vadd.f32 v6, v2  }
0x3a8: {  	v5 =	vmul.f32 v10, v13;
	v6 =	vld [tilespmem:s20+$0x10560];
	v3 =	vadd.f32 v24, v3;
	v7 =	vadd.f32 v7, v2  }
0x3a9: {  	v8 =	vadd.f32 v8, v2;
	v9 =	vmul.f32 v9, v12;
	v4 =	vadd.f32 v23, v4  }
0x3aa: {  	v10 =	vadd.f32 v11, v2;
	v11 =	vmul.f32 v16, v14;
	v5 =	vadd.f32 v5, v7  }
0x3ab: {  	v7 =	vadd.f32 v15, v2;
	v12 =	vmul.f32 v19, v17;
	v8 =	vadd.f32 v9, v8;
	[tilespmem:s20+$0x18500] =	vst v4  }
0x3ac: {  	v4 =	vadd.f32 v18, v2;
	v9 =	vmul.f32 v21, v20;
	v10 =	vadd.f32 v11, v10;
	[tilespmem:s20+$0x18510] =	vst v5  }
0x3ad: {  	v2 =	vadd.f32 v22, v2;
	v3 =	vmul.f32 v3, v6;
	v5 =	vadd.f32 v12, v7;
	[tilespmem:s20+$0x18520] =	vst v8  }
0x3ae: {  	v4 =	vadd.f32 v9, v4;
	[tilespmem:s20+$0x18530] =	vst v10  }
0x3af: {  	v2 =	vadd.f32 v3, v2;
	[tilespmem:s20+$0x18540] =	vst v5  }
0x3b0: {  	[tilespmem:s20+$0x18550] =	vst v4  }
0x3b1: {  	[tilespmem:s20+$0x18560] =	vst v2  }
0x3b2: {  	v2 =	vld [tilespmem:s2+$0x270]  }
0x3b3: {  	v4 =	vld [tilespmem:s2+$0x2F0]  }
0x3b4: {  	v3 =	vld [tilespmem:s2+$0x370]  }
0x3b5: {  	v5 =	vld [tilespmem:s2+$0x3F0];
	s2 =	simm.s32 $0x0  }
0x3b6: {  	v7 =	vld [tilespmem:s2+$0x85F0]  }
0x3b7: {  	v8 =	vld [tilespmem:s2+$0x8580]  }
0x3b8: {  	v9 =	vld [tilespmem:s2+$0x8590]  }
0x3b9: {  	v11 =	vld [tilespmem:s2+$0x85A0]  }
0x3ba: {  	v14 =	vld [tilespmem:s2+$0x85B0]  }
0x3bb: {  	v15 =	vld [tilespmem:s2+$0x85C0]  }
0x3bc: {  	v18 =	vld [tilespmem:s2+$0x85D0];
	v10 =	vmul.f32 v7, v5  }
0x3bd: {  	v12 =	vld [tilespmem:s2+$0x105F0];
	v6 =	vmul.f32 v8, v4;
	v8 =	vmul.f32 v8, v5  }
0x3be: {  	v22 =	vld [tilespmem:s2+$0x85E0];
	v13 =	vmul.f32 v9, v5;
	v16 =	vmul.f32 v7, v4  }
0x3bf: {  	v7 =	vmul.f32 v9, v4;
	v9 =	vmul.f32 v11, v5  }
0x3c0: {  	v19 =	vmul.f32 v14, v5;
	v23 =	vmul.f32 v15, v5;
	v17 =	vadd.f32 v10, v3  }
0x3c1: {  	v21 =	vld [tilespmem:s2+$0x10580];
	v15 =	vmul.f32 v15, v4;
	v26 =	vmul.f32 v18, v5  }
0x3c2: {  	v10 =	vadd.f32 v13, v3;
	v16 =	vadd.f32 v16, v2;
	v13 =	vld [tilespmem:s2+$0x10590];
	v17 =	vmul.f32 v17, v12  }
0x3c3: {  	v18 =	vmul.f32 v18, v4;
	v24 =	vmul.f32 v22, v5;
	v20 =	vadd.f32 v8, v3;
	v12 =	vld [tilespmem:s2+$0x105A0]  }
0x3c4: {  	v8 =	vmul.f32 v11, v4;
	v11 =	vmul.f32 v14, v4;
	v14 =	vld [tilespmem:s2+$0x105B0];
	v25 =	vadd.f32 v17, v16  }
0x3c5: {  	v22 =	vmul.f32 v22, v4;
	v9 =	vadd.f32 v9, v3;
	v16 =	vadd.f32 v19, v3;
	v17 =	vld [tilespmem:s2+$0x105C0]  }
0x3c6: {  	s4 =	simm.s32 $0x1000;
	s20 =	simm.s32 $0x0;
	v19 =	vadd.f32 v23, v3;
	v23 =	vmul.f32 v20, v21;
	v20 =	vld [tilespmem:s2+$0x105D0];
	v21 =	vadd.f32 v26, v3;
	[tilespmem:s2+$0x185F0] =	vst v25  }
.LBB2_41:
0x3c7: {  	s21 =	sshra.s32 s4, $0x2;
	s20 =	sadd.s32 $0x80, s20;
	v6 =	vadd.f32 v6, v2;
	v10 =	vmul.f32 v10, v13;
	v13 =	vld [tilespmem:s2+$0x105E0];
	v24 =	vadd.f32 v24, v3  }
0x3c8: {  	v7 =	vadd.f32 v7, v2;
	v8 =	vadd.f32 v8, v2;
	v25 =	vld [tilespmem:s21+$0x85F0];
	p0 =	slt.u32 s20, $0x780;
	v9 =	vmul.f32 v9, v12  }
0x3c9: {  	v11 =	vadd.f32 v11, v2;
	v15 =	vadd.f32 v15, v2;
	v12 =	vld [tilespmem:s21+$0x8580];
	v14 =	vmul.f32 v16, v14  }
0x3ca: {  	v18 =	vadd.f32 v18, v2;
	v16 =	vld [tilespmem:s21+$0x8590];
	v17 =	vmul.f32 v19, v17;
	v19 =	vadd.f32 v22, v2  }
0x3cb: {  	v6 =	vadd.f32 v23, v6;
	v7 =	vadd.f32 v10, v7;
	v22 =	vld [tilespmem:s21+$0x85A0];
	v10 =	vmul.f32 v21, v20  }
0x3cc: {  	v8 =	vadd.f32 v9, v8;
	v9 =	vadd.f32 v14, v11;
	v20 =	vld [tilespmem:s21+$0x105F0];
	v11 =	vmul.f32 v24, v13  }
0x3cd: {  	v15 =	vadd.f32 v17, v15;
	v14 =	vld [tilespmem:s21+$0x85B0];
	v13 =	vmul.f32 v25, v5;
	[tilespmem:s2+$0x18580] =	vst v6;
	v17 =	vadd.f32 v10, v18  }
0x3ce: {  	v6 =	vmul.f32 v12, v4;
	v10 =	vmul.f32 v12, v5;
	v18 =	vld [tilespmem:s21+$0x85C0];
	[tilespmem:s2+$0x18590] =	vst v7;
	v19 =	vadd.f32 v11, v19  }
0x3cf: {  	v12 =	vmul.f32 v25, v4;
	v11 =	vmul.f32 v16, v5;
	v21 =	vld [tilespmem:s21+$0x85D0];
	v13 =	vadd.f32 v13, v3;
	[tilespmem:s2+$0x185A0] =	vst v8  }
0x3d0: {  	v7 =	vmul.f32 v16, v4;
	v23 =	vadd.f32 v10, v3;
	v16 =	vmul.f32 v22, v5;
	v25 =	vld [tilespmem:s21+$0x85E0];
	[tilespmem:s2+$0x185B0] =	vst v9  }
0x3d1: {  	v24 =	vadd.f32 v12, v2;
	v26 =	vld [tilespmem:s21+$0x10580];
	v10 =	vadd.f32 v11, v3;
	v20 =	vmul.f32 v13, v20;
	[tilespmem:s2+$0x185C0] =	vst v15  }
.Ltmp19:
0x3d2: {  	v8 =	vmul.f32 v22, v4;
	v13 =	vld [tilespmem:s21+$0x10590];
	v9 =	vadd.f32 v16, v3;
	v15 =	vmul.f32 v14, v5;
	[tilespmem:s2+$0x185D0] =	vst v17;
	(pc) =	sbr.rel @p0 .LBB2_41-.Ltmp19, $4  }
0x3d3: {  	v11 =	vmul.f32 v14, v4;
	v12 =	vld [tilespmem:s21+$0x105A0];
	v22 =	vmul.f32 v18, v5;
	v20 =	vadd.f32 v20, v24;
	[tilespmem:s2+$0x185E0] =	vst v19;
	s2 =	smov.u32 s21  }
0x3d4: {  	v14 =	vld [tilespmem:s2+$0x105B0];
	v16 =	vadd.f32 v15, v3;
	v15 =	vmul.f32 v18, v4;
	v27 =	vmul.f32 v21, v5  }
0x3d5: {  	v18 =	vmul.f32 v21, v4;
	v17 =	vld [tilespmem:s2+$0x105C0];
	v19 =	vadd.f32 v22, v3;
	v24 =	vmul.f32 v25, v5;
	[tilespmem:s2+$0x185F0] =	vst v20  }
0x3d6: {  	s4 =	sadd.s32 $0x1000, s4;
	v22 =	vmul.f32 v25, v4;
	v23 =	vmul.f32 v23, v26;
	v20 =	vld [tilespmem:s2+$0x105D0];
	v21 =	vadd.f32 v27, v3  }
0x3d7: {  	v4 =	vadd.f32 v6, v2  }
0x3d8: {  	v5 =	vmul.f32 v10, v13;
	v56 =	vld [tilespmem:s2+$0x105E0];
	v3 =	vadd.f32 v24, v3;
	v7 =	vadd.f32 v7, v2  }
0x3d9: {  	v8 =	vadd.f32 v8, v2;
	v9 =	vmul.f32 v9, v12;
	v4 =	vadd.f32 v23, v4  }
0x3da: {  	v57 =	vadd.f32 v11, v2;
	v58 =	vmul.f32 v16, v14;
	v5 =	vadd.f32 v5, v7  }
0x3db: {  	v59 =	vadd.f32 v15, v2;
	v60 =	vmul.f32 v19, v17;
	v8 =	vadd.f32 v9, v8;
	[tilespmem:s2+$0x18580] =	vst v4  }
0x3dc: {  	v61 =	vadd.f32 v18, v2;
	s31 =	sadd.s32 $0x1, s31;
	v62 =	vmul.f32 v21, v20;
	v10 =	vadd.f32 v58, v57;
	[tilespmem:s2+$0x18590] =	vst v5  }
0x3dd: {  	v2 =	vadd.f32 v22, v2;
	p0 =	sne.s32 s31, $0x10;
	v3 =	vmul.f32 v3, v56;
	v63 =	vadd.f32 v60, v59;
	[tilespmem:s2+$0x185A0] =	vst v8  }
.Ltmp20:
0x3de: {  	v4 =	vadd.f32 v62, v61;
	[tilespmem:s2+$0x185B0] =	vst v10;
	(pc) =	sbr.rel @p0 .LBB2_10-.Ltmp20, $4  }
0x3df: {  	v2 =	vadd.f32 v3, v2;
	[tilespmem:s2+$0x185C0] =	vst v63  }
0x3e0: {  	[tilespmem:s2+$0x185D0] =	vst v4  }
0x3e1: {  	s0 =	sadd.s32 s0, s17;
	[tilespmem:s2+$0x185E0] =	vst v2  }
0x3e2: {  	[hbm4b:s0+s3] =	stream.linear.scatter [tilespmem:s29], [sflag:$0x4], $0x4000, $0x38;
	[tilespmem:$0x1C200] =	vst v63  }
0x3e3: {  	s0 =	simm.s32 $0x3  }
0x3e4: {  	_ =	swait.ge [sflag:s0], $0x4000  }
0x3e5: {  	[sflag:s0] =	ssyncset.done $0x0  }
0x3e6: {  	[sflag:s0] =	ssyncadd.s32 $0xFFFFC000  }
0x3e7: {  	_ =	swait.ge [sflag:s30], $0x4000  }
0x3e8: {  	s2 =	rddreg [dreg:$0x8]  }
0x3e9: {  	s31 =	rddreg [dreg:$0x7];
	s2 =	sadd.s32 $0x1, s2  }
0x3ea: {  	p0 =	sne.s32 s2, s31  }
.Ltmp21:
0x3eb: {  	_ = 	snop;
	(pc) =	sbr.rel @p0 .LBB2_1-.Ltmp21, $3  }
0x3ec: {  	_ =	sdelay $0x1  }
0x3ed: {  	[sflag:s30] =	ssyncset.done $0x0  }
0x3ee: {  	s21 =	simm.s32 $0x5;
	[sflag:s30] =	ssyncadd.s32 $0xFFFFC000  }
0x3ef: {  	_ =	sfence.sel $0x180000  }
0x3f0: {  	[bflag:$0x0] =	sbarrier.arrive $0xFFFF  }
0x3f1: {  	_ =	strace $0x90000047  }
0x3f2: {  	s0 =	stileid.u32;
	[bflag:$0x2] =	sbarrier.arrive $0xFFFF  }
0x3f3: {  	p0 =	sne.s32 s0, $0x0;
	s0 =	rddreg [dreg:$0x4]  }
0x3f4: {  	s0 =	sadd.s32 @!p0 $0x100000, s0  }
0x3f5: {  	[sflag:s0] =	ssyncadd.tile.s32 @!p0 $0x1;
	_ =	shalt  }
.Lfunc_end2:
_tile_overlayer_lowered:
.L_overlay_start_2:
0x3f6: {  	(tag) =	ssettag $0x2  }
0x3f7: {  	s0 =	rddreg [dreg:$0x0];
	s2 =	stileid.u32  }
0x3f8: {  	s1 =	rddreg [dreg:$0x1];
	p0 =	sne.s32 s2, $0x0  }
0x3f9: {  	s3 =	rddreg [dreg:$0x2];
	[bflag:$0x3] =	sbarrier.arrive $0xFFFF;
	s2 =	simm.s32 @!p0 $0x1C05  }
0x3fa: {  	[timem:s3], [sflag:s2] =	dma.local @!p0 [hbm:s0], s1  }
0x3fb: {  	s0 =	simm.s32 @!p0 $0x5  }
0x3fc: {  	_ =	swait.ge @!p0 [sflag:s0], s1  }
0x3fd: {  	s1 =	ssub.s32 @!p0 $0x0, s1;
	[sflag:s0] =	ssyncset.done @!p0 $0x0  }
0x3fe: {  	[sflag:s0] =	ssyncadd.s32 @!p0 s1  }
0x3ff: {  	[bflag:$0x3] =	sbarrier.arrive $0xFFFF  }
0x400: {  	_ =	shalt  }

// kernel: sparse-core-data-format-call.cloned.1.call-start
scs
called_computation_lowered:
.L_overlay_start_0:
0x0: {  	s2 =	sld [smem:$0x3FD9]  }
0x1: {  	s3 =	sld [smem:$0x3FFE];
	_ =	sdelay $0x1  }
0x2: {  	s1 =	srdreg.scid  }
0x3: {  	s0 =	sand.u32 $0x1, s1  }
0x4: {  	s18 =	sshll.u32 s0, $0xA;
	s2 =	sadd.s32 s3, s2  }
0x5: {  	s2 =	sadd.s32 s2, s18  }
0x6: {  	[smem:$0x3FC4] =	sst s2  }
0x7: {  	_ = 	snop  }
0x8: {  	s2 =	sld [smem:$0x3FD0];
	(tm) =	ssettm $0x1  }
0x9: {  	s19 =	sld [smem:$0x3FFB];
	_ =	sdelay $0x3  }
0xa: {  	_ =	strace s19  }
0xb: {  	s3 =	sld [smem:$0x3FFC];
	_ =	sdelay $0x3  }
0xc: {  	_ =	strace s3  }
0xd: {  	s3 =	sld [smem:$0x3FFD];
	_ =	sdelay $0x3  }
0xe: {  	_ =	strace s3  }
0xf: {  	_ =	strace $0x8FFFFFFF  }
0x10: {  	s20 =	sld [smem:$0x3FDB];
	_ =	sdelay $0x1  }
0x11: {  	s4 =	simm.s32 $_scs_section_size  }
0x12: {  	s5 =	simm.s32 $_size__tile_overlayer_lowered;
	s6 =	simm.s32 $_tile_overlayer_lowered  }
0x13: {  	s23 =	simm.s32 $0x1BFF;
	s22 =	sshll.u32 s6, $0x1;
	s3 =	sadd.s32 s4, s20  }
0x14: {  	s7 =	simm.s32 $0x0;
	s21 =	sshll.u32 s5, $0x1;
	s5 =	sadd.s32 s22, s3  }
0x15: {  	[timem:s7], [sflag:s23] =	dma.local [hbm:s5], s21  }
0x16: {  	_ =	swait.ge [sflag:s23], s21  }
0x17: {  	s4 =	ssub.s32 $0x0, s21;
	[sflag:s23] =	ssyncset.done $0x0  }
0x18: {  	[sflag:s23] =	ssyncadd.s32 s4;
	_ =	sdelay $0x1  }
0x19: {  	s24 =	simm.s32 $0x1B8B  }
0x1a: {  	_ =	swait.ge [sflag:s24], $0x1  }
0x1b: {  	[sflag:s24] =	ssyncset.done $0x0  }
0x1c: {  	s26 =	simm.s32 $0x1B8E;
	s25 =	sld [smem:$0x3FFE];
	[sflag:s24] =	ssyncadd.s32 $0xFFFFFFFF  }
0x1d: {  	s27 =	simm.s32 $execute0_lowered;
	[smem:$0x3FD2] =	sst s26  }
0x1e: {  	s5 =	sshll.u32 s27, $0x1;
	_ =	strace $0x80000049;
	[dreg:$0x1] =	wrdreg $0xFFFFFFFF  }
0x1f: {  	s28 =	simm.s32 $_size_execute0_lowered;
	s3 =	sadd.s32 s3, s5;
	[dreg:$0x0] =	wrdreg $0x0  }
0x20: {  	s5 =	sshll.u32 s28, $0x1;
	[dreg:$0x2] =	wrdreg s3  }
0x21: {  	[dreg:$0x3] =	wrdreg s5  }
0x22: {  	[dreg:$0x4] =	wrdreg $0xC0  }
0x23: {  	_ =	task [dreg:s7], $0x5FFFF  }
0x24: {  	[dreg:$0x1] =	wrdreg $0xFFFFFFFF  }
0x25: {  	[dreg:$0x0] =	wrdreg $0x60  }
0x26: {  	[dreg:$0x2] =	wrdreg s25  }
0x27: {  	[dreg:$0x3] =	wrdreg s2  }
0x28: {  	[dreg:$0x4] =	wrdreg $0x9  }
0x29: {  	_ =	task.clear_ibuf [dreg:s7], $0x5FFFF;
	_ =	strace $0x90000049  }
0x2a: {  	s29 =	simm.s32 $0x9;
	_ =	strace $0x8000004B  }
0x2b: {  	_ =	swait.ge [sflag:s29], $0x1  }
0x2c: {  	[sflag:s29] =	ssyncadd.s32 $0xFFFFFFFF  }
0x2d: {  	_ =	strace $0x9000004B  }
0x2e: {  	_ =	sfence  }
0x2f: {  	s30 =	sld [smem:$0x0];
	_ =	sdelay $0x2  }
0x30: {  	s31 =	sshll.u32 s1, $0xD;
	s1 =	sshrl.u32 s1, $0x2  }
0x31: {  	s3 =	sand.u32 $0x4000, s31;
	s1 =	sadd.s32 s1, s30  }
0x32: {  	s0 =	sor.u32 s3, s0;
	s1 =	sshll.u32 s1, $0x11  }
0x33: {  	s0 =	sor.u32 s1, s0  }
0x34: {  	s0 =	sadd.s32 $0x8F2B, s0  }
0x35: {  	[sflag:s0] =	ssyncadd.remote.s32 $0x1  }
0x36: {  	_ =	sfence.sel $0xFFFF  }
0x37: {  	[dreg:$0x0] =	wrdreg $0xFFFFFFFF;
	(pc) =	sbr.abs _section_cstart, $3  }
0x38: {  	[dreg:$0x1] =	wrdreg $0xFFFFFFFF  }
0x39: {  	_ =	task.clear_ibuf [dreg:s7], $0x2FFFF;
	_ =	strace $0x9FFFFFFF  }
0x3a: {  	(tm) =	ssettm $0x7FFFFFFF  }
0x3b: {  	_ =	shalt  }
tec
execute0_lowered:
.L_overlay_start_1:
0x0: {  	(tag) =	ssettag $0x1  }
0x1: {  	s0 =	srdreg.scid  }
0x2: {  	s1 =	sshll.u32 s0, $0x4  }
0x3: {  	s6 =	rddreg [dreg:$0x0];
	s0 =	stileid.u32;
	s1 =	sand.u32 $0x10, s1  }
0x4: {  	s3 =	rddreg [dreg:$0x1];
	s5 =	simm.s32 $0x1;
	s1 =	sor.u32 s0, s1  }
0x5: {  	s31 =	simm.s32 $0x2;
	s13 =	simm.s32 $0x0;
	s2 =	sshll.u32 s1, $0x7  }
0x6: {  	s8 =	simm.s32 $0x10000;
	s12 =	simm.s32 $0x0;
	s4 =	ssub.s32 $0x2000, s2  }
0x7: {  	s9 =	simm.s32 $0x0;
	s11 =	simm.s32 $0x0;
	s30 =	sand.u32 $0xF80, s4  }
.Ltmp0:
0x8: {  	s6 =	sadd.s32 $0x10A00, s6;
	p0 =	sne.s32 s30, $0x0;
	(pc) =	sbr.rel .LBB1_1-.Ltmp0, $4  }
0x9: {  	s1 =	rddreg [dreg:$0x2];
	s7 =	sshrl.u32 s4, $0xC;
	s5 =	simm.s32 @!p0 $0x0  }
0xa: {  	_ =	strace $0x8000004A;
	s4 =	simm.s32 $0x1;
	s5 =	sadd.s32 s5, s7  }
0xb: {  	s10 =	smov.u32 s2;
	[sflag:s4] =	ssyncpa.u1 $0x0;
	s5 =	sshll.u32 s5, $0x4  }
0xc: {  	[sflag:s31] =	ssyncpa.u1 $0x0;
	p0 =	por $0x0, $0x0;
	s7 =	sor.u32 $0x1, s5  }
.LBB1_4:
0xd: {  	v5 =	vld [tilespmem:s16+$0xFFFFFFD0]  }
0xe: {  	[tilespmem:s17+$0x2040 ss:$0x81] =	vst.msk $0xffff, v1;
	v58 =	vld [tilespmem:s16+$0xFFFFFFE0]  }
0xf: {  	[tilespmem:s17+$0x2850 ss:$0x81] =	vst.msk $0xffff, v2;
	v59 =	vld [tilespmem:s16+$0xFFFFFFF0]  }
0x10: {  	s18 =	sshra.s32 s18, $0x2;
	[tilespmem:s17+$0x3060 ss:$0x81] =	vst.msk $0xffff, v3;
	v60 =	vld [tilespmem:s16+$0x0]  }
0x11: {  	[tilespmem:s17+$0x0 ss:$0x81] =	vst.msk $0xffff, v0;
	v61 =	vld [tilespmem:s16+$0x10];
	s15 =	sadd.s32 s18, s15  }
0x12: {  	s26 =	sshll.u32 s13, $0xD;
	v62 =	vld [tilespmem:s16+$0x20];
	[tilespmem:s15+$0x3870 ss:$0x81] =	vst.msk $0xffff, v4  }
0x13: {  	s27 =	sand.u32 $0x78, s12;
	s19 =	sshll.u32 s12, $0x3;
	v63 =	vld [tilespmem:s16+$0xFFFFFFC0];
	s29 =	sshll.u32 s13, $0x7;
	[tilespmem:s15+$0x810 ss:$0x81] =	vst.msk $0xffff, v5  }
0x14: {  	s17 =	sand.u32 $0xFF0000, s26;
	s28 =	sand.u32 $0xFFFC00, s19;
	s19 =	sand.u32 $0x1C00, s19;
	[tilespmem:s15+$0x1020 ss:$0x81] =	vst.msk $0xffff, v58  }
0x15: {  	s13 =	sand.u32 $0x380, s29;
	s16 =	sadd.s32 s28, s17;
	s30 =	sor.u32 s27, s19;
	[tilespmem:s15+$0x1830 ss:$0x81] =	vst.msk $0xffff, v59  }
0x16: {  	s16 =	sand.u32 $0xFFE000, s16;
	s13 =	sor.u32 s13, s30;
	[tilespmem:s15+$0x2040 ss:$0x81] =	vst.msk $0xffff, v60  }
0x17: {  	s31 =	sand.u32 $0x7, s12;
	s13 =	sor.u32 s16, s13;
	[tilespmem:s15+$0x2850 ss:$0x81] =	vst.msk $0xffff, v61  }
0x18: {  	s12 =	sshll.u32 s31, $0x12;
	[tilespmem:s15+$0x3060 ss:$0x81] =	vst.msk $0xffff, v62;
	s13 =	sshrl.u32 s13, $0x3  }
0x19: {  	s12 =	sor.u32 $0x400, s12;
	[tilespmem:s15+$0x0 ss:$0x81] =	vst.msk $0xffff, v63;
	s13 =	sadd.s32 s3, s13  }
0x1a: {  	[hbm4b:s13+s12] =	stream.strided.scatter [tilespmem:s14], [sflag:$0x2], $0x4000, s8, s12, $0x20;
	[tilespmem:$0x10100] =	vst v63  }
.LBB1_5:
0x1b: {  	s14 =	sadd.s32 $0x80, s9  }
0x1c: {  	s12 =	sadd.s32 $0x1000, s10;
	s16 =	smov.u32 s10;
	p2 =	sgt.s32 s14, $0x7FF  }
0x1d: {  	s16 =	smov.u32 @p2 s12  }
0x1e: {  	s14 =	simm.s32 @p2 $0x0;
	p2 =	sgt.s32 s16, $0x1FFF  }
0x1f: {  	s16 =	smov.u32 @p2 s2;
	p2 =	sne.s32 s11, s7  }
.Ltmp1:
0x20: {  	p1 =	slt.u32 s11, $0x2;
	(pc) =	sbr.rel @!p2 .LBB1_6-.Ltmp1, $4  }
0x21: {  	s15 =	simm.s32 @!p1 $0x2  }
0x22: {  	s13 =	smov.u32 s9;
	p0 =	por !p0, !p0;
	_ =	swait.ge @!p1 [sflag:s15], $0x4000  }
0x23: {  	s12 =	smov.u32 s10;
	[sflag:s15] =	ssyncset.done @!p1 $0x0;
	s9 =	smov.u32 s14  }
0x24: {  	s11 =	sadd.s32 $0x1, s11;
	[sflag:s15] =	ssyncadd.s32 @!p1 $0xFFFFC000;
	s10 =	smov.u32 s16  }
.LBB1_1:
0x25: {  	p1 =	sge.u32 s11, s5;
	s31 =	sadd.s32 $0xFFFFFFFF, s11  }
0x26: {  	s14 =	sand.u32 @!p1 $0x78, s9;
	s15 =	sshll.u32 @!p1 s10, $0xB;
	s16 =	sshll.u32 @!p1 s10, $0x7  }
0x27: {  	s17 =	sshll.u32 @!p1 s9, $0x3;
	s15 =	sand.u32 @!p1 $0xFFC000, s15;
	s16 =	sand.u32 @!p1 $0x380, s16  }
0x28: {  	s15 =	sadd.s32 @!p1 s15, s17;
	s17 =	sand.u32 @!p1 $0x400, s17;
	s14 =	sor.u32 @!p1 s16, s14  }
0x29: {  	s16 =	sxor.u32 @!p1 $0xFFFFFFFF, s11;
	s15 =	sand.u32 @!p1 $0xFFF800, s15;
	s14 =	sor.u32 @!p1 s17, s14  }
0x2a: {  	s16 =	sshll.u32 @!p1 s16, $0xE;
	s14 =	sor.u32 @!p1 s15, s14;
	s15 =	sand.u32 @!p1 $0x7, s9  }
0x2b: {  	s17 =	simm.s32 @!p1 $0x4000;
	s14 =	sshrl.u32 @!p1 s14, $0x3;
	s15 =	sshll.u32 @!p1 s15, $0x12  }
0x2c: {  	s16 =	sand.u32 @!p1 $0x4000, s16;
	s14 =	sadd.s32 @!p1 s6, s14;
	s15 =	sor.u32 @!p1 $0x400, s15  }
0x2d: {  	[tilespmem:s16], [sflag:$0x1] =	stream.strided.gather @!p1 [hbm4b:s14+s15], $0x4000, s17, s15, $0x38;
	[tilespmem:$0x10100] =	vst v63  }
0x2e: {  	p1 =	sge.u32 s31, s5  }
.Ltmp2:
0x2f: {  	_ = 	snop;
	(pc) =	sbr.rel @p1 .LBB1_5-.Ltmp2, $1  }
0x30: {  	_ =	sdelay $0x3  }
0x31: {  	s14 =	simm.s32 $0x1  }
0x32: {  	_ =	swait.ge [sflag:s4], $0x4000;
	s14 =	simm.s32 @!p0 $0x0  }
0x33: {  	[sflag:s4] =	ssyncset.done $0x0;
	s15 =	sshll.u32 s14, $0xE  }
0x34: {  	[sflag:s4] =	ssyncadd.s32 $0xFFFFC000;
	s16 =	sor.u32 $0x40, s15  }
0x35: {  	s14 =	smul.u32 $0x10200, s14;
	v0 =	vld [tilespmem:s16+$0x30]  }
0x36: {  	v3 =	vld [tilespmem:s16+$0xFFFFFFD0]  }
0x37: {  	s14 =	sshrl.u32 s14, $0x2;
	v4 =	vld [tilespmem:s16+$0xFFFFFFE0]  }
0x38: {  	v5 =	vld [tilespmem:s16+$0xFFFFFFF0];
	s15 =	sor.u32 $0x8000, s14  }
0x39: {  	s31 =	sand.u32 $0x1, s11;
	v1 =	vld [tilespmem:s16+$0x0];
	s17 =	sadd.s32 $0x0, s15  }
0x3a: {  	v2 =	vld [tilespmem:s16+$0x10];
	s14 =	smul.u32 $0x10200, s31;
	[tilespmem:s17+$0x3870 ss:$0x81] =	vst.msk $0xffff, v0  }
0x3b: {  	[tilespmem:s17+$0x810 ss:$0x81] =	vst.msk $0xffff, v3;
	v3 =	vld [tilespmem:s16+$0x20]  }
0x3c: {  	s14 =	sshrl.u32 s14, $0x2;
	v0 =	vld [tilespmem:s16+$0xFFFFFFC0];
	[tilespmem:s17+$0x1020 ss:$0x81] =	vst.msk $0xffff, v4;
	s16 =	sadd.s32 $0x80, s16  }
0x3d: {  	s18 =	simm.s32 $0x4;
	s19 =	simm.s32 $0x8;
	s14 =	sor.u32 $0x8000, s14;
	[tilespmem:s17+$0x1830 ss:$0x81] =	vst.msk $0xffff, v5;
	v4 =	vld [tilespmem:s16+$0x30]  }
.LBB1_3:
0x3e: {  	p1 =	sne.s32 s19, $0x1FC;
	v5 =	vld [tilespmem:s16+$0xFFFFFFD0];
	[tilespmem:s17+$0x2040 ss:$0x81] =	vst.msk $0xffff, v1  }
0x3f: {  	v6 =	vld [tilespmem:s16+$0xFFFFFFE0];
	[tilespmem:s17+$0x2850 ss:$0x81] =	vst.msk $0xffff, v2  }
0x40: {  	s20 =	sshra.s32 s18, $0x2;
	s18 =	smov.u32 s19;
	v7 =	vld [tilespmem:s16+$0xFFFFFFF0];
	[tilespmem:s17+$0x3060 ss:$0x81] =	vst.msk $0xffff, v3  }
.Ltmp3:
0x41: {  	v1 =	vld [tilespmem:s16+$0x0];
	[tilespmem:s17+$0x0 ss:$0x81] =	vst.msk $0xffff, v0;
	s17 =	sadd.s32 s20, s15;
	(pc) =	sbr.rel @p1 .LBB1_3-.Ltmp3, $4  }
0x42: {  	v2 =	vld [tilespmem:s16+$0x10];
	[tilespmem:s17+$0x3870 ss:$0x81] =	vst.msk $0xffff, v4  }
0x43: {  	[tilespmem:s17+$0x810 ss:$0x81] =	vst.msk $0xffff, v5;
	v3 =	vld [tilespmem:s16+$0x20]  }
0x44: {  	v0 =	vld [tilespmem:s16+$0xFFFFFFC0];
	[tilespmem:s17+$0x1020 ss:$0x81] =	vst.msk $0xffff, v6;
	s16 =	sadd.s32 $0x80, s16  }
0x45: {  	s19 =	sadd.s32 $0x4, s19;
	v4 =	vld [tilespmem:s16+$0x30];
	[tilespmem:s17+$0x1830 ss:$0x81] =	vst.msk $0xffff, v7  }
.Ltmp4:
0x46: {  	_ = 	snop;
	(pc) =	sbr.rel .LBB1_4-.Ltmp4, $1  }
0x47: {  	_ =	sdelay $0x3  }
.LBB1_6:
0x48: {  	_ =	sfence.sel $0x180000  }
0x49: {  	s2 =	simm.s32 $0x1;
	[bflag:$0x0] =	sbarrier.arrive $0xFFFF  }
0x4a: {  	s31 =	simm.s32 $0x2;
	[sflag:s2] =	ssyncpa.u1 $0x1  }
0x4b: {  	[sflag:s31] =	ssyncpa.u1 $0x1  }
0x4c: {  	p0 =	sne.s32 s0, $0x0;
	_ =	strace $0x9000004A  }
0x4d: {  	s0 =	sadd.s32 @!p0 $0x100000, s1;
	[bflag:$0x2] =	sbarrier.arrive $0xFFFF  }
0x4e: {  	[sflag:s0] =	ssyncadd.tile.s32 @!p0 $0x1;
	_ =	shalt  }
.Lfunc_end1:
_tile_overlayer_lowered:
.L_overlay_start_2:
0x4f: {  	(tag) =	ssettag $0x2  }
0x50: {  	s0 =	rddreg [dreg:$0x0];
	s2 =	stileid.u32  }
0x51: {  	s1 =	rddreg [dreg:$0x1];
	p0 =	sne.s32 s2, $0x0  }
0x52: {  	s3 =	rddreg [dreg:$0x2];
	[bflag:$0x3] =	sbarrier.arrive $0xFFFF;
	s2 =	simm.s32 @!p0 $0x1C01  }
0x53: {  	[timem:s3], [sflag:s2] =	dma.local @!p0 [hbm:s0], s1  }
0x54: {  	s0 =	simm.s32 @!p0 $0x1  }
0x55: {  	_ =	swait.ge @!p0 [sflag:s0], s1  }
0x56: {  	s1 =	ssub.s32 @!p0 $0x0, s1;
	[sflag:s0] =	ssyncset.done @!p0 $0x0  }
0x57: {  	[sflag:s0] =	ssyncadd.s32 @!p0 s1  }
0x58: {  	[bflag:$0x3] =	sbarrier.arrive $0xFFFF  }
0x59: {  	_ =	shalt  }

</sc_bundles>
